<compile_context>
chip_gen: v7x
topology: tpu7x:2x2x1
jax: 0.10.2.dev20260603
libtpu: 0.0.44.dev20260713+nightly
codegen_flags: <defaults>
</compile_context>

<pallas_src>
import functools

import numpy as np
import jax
import jax.numpy as jnp
from jax import lax
from jax.experimental import pallas as pl
from jax.experimental.pallas import tpu as pltpu
from jax.experimental.pallas import tpu_sc as plsc

V = 100
N = 12288
ALPHA = 0.1
SMOOTH_TAIL = 0.01

_cls_num = np.array([100000 - 1000 * i for i in range(100)], dtype=np.float64)
_CLS_SMOOTH = (SMOOTH_TAIL + (ALPHA - SMOOTH_TAIL)
               * (_cls_num - _cls_num.min()) / (_cls_num.max() - _cls_num.min()))
_A = float(_CLS_SMOOTH.sum())
_B = float((_CLS_SMOOTH * np.log(_CLS_SMOOTH)).sum())
_LOG_V1 = float(np.log(V - 1))
_LN09 = float(np.log(1.0 - ALPHA))


_RB = 1024


def _row_stats_body(x_ref, t_ref, s_ref, s1_ref, s2_ref, lpt_ref, st_ref,
                    pred_ref):
    x = x_ref[...]
    t = t_ref[...]
    s = s_ref[...]
    m = jnp.max(x, axis=1, keepdims=True)
    z = m + jnp.log(jnp.sum(jnp.exp(x - m), axis=1, keepdims=True))
    t1 = jnp.sum(x, axis=1, keepdims=True)
    t2 = jnp.sum(x * s, axis=1, keepdims=True)
    lanes = lax.broadcasted_iota(jnp.int32, x.shape, 1)
    onehot = lanes == t
    xt = jnp.sum(jnp.where(onehot, x, 0.0), axis=1, keepdims=True)
    st = jnp.sum(jnp.where(onehot, s, 0.0), axis=1, keepdims=True)
    pred = jnp.min(jnp.where(x == m, lanes, V), axis=1, keepdims=True)
    s1_ref[...] = t1 - V * z
    s2_ref[...] = t2 - _A * z
    lpt_ref[...] = xt - z
    st_ref[...] = st
    pred_ref[...] = pred


def _row_stats(x, t2, s2d):
    f = jax.ShapeDtypeStruct((N, 1), jnp.float32)
    return pl.pallas_call(
        _row_stats_body,
        grid=(N // _RB,),
        in_specs=[
            pl.BlockSpec((_RB, V), lambda i: (i, 0)),
            pl.BlockSpec((_RB, 1), lambda i: (i, 0)),
            pl.BlockSpec((1, V), lambda i: (0, 0)),
        ],
        out_specs=[pl.BlockSpec((_RB, 1), lambda i: (i, 0))] * 5,
        out_shape=[f, f, f, f, jax.ShapeDtypeStruct((N, 1), jnp.int32)],
    )(x, t2, s2d)



_LN = 16
_NT = 16
_NW = 32
_SL = N // _NW
_SEGC = 784


def _sc_body(t_hbm, pred_hbm, out_hbm, t_v, pred_v, tk_v, pk_v, segid_v,
             mr_v, pm_v, vp_v, vn_v, myseg_v, ed_v, es_v, estab_v, out_v,
             es_sh):
    cid = lax.axis_index("c")
    sid = lax.axis_index("s")
    k = sid
    iota = lax.iota(jnp.int32, _LN)

    pltpu.sync_copy(t_hbm, t_v.at[pl.ds(0, N)])
    pltpu.sync_copy(pred_hbm, pred_v.at[pl.ds(0, N)])

    def compact_body(c, carry):
        nrun, mrun = carry
        t16 = t_v[pl.ds(c * _LN, _LN)]
        p16 = pred_v[pl.ds(c * _LN, _LN)]
        mask = t16 != 0
        mask3 = t16 == 3
        mi = mask.astype(jnp.int32)
        m3i = mask3.astype(jnp.int32)
        cnt = plsc.all_reduce_population_count(mask)[0]
        cnt3 = plsc.all_reduce_population_count(mask3)[0]
        plsc.store_compressed(tk_v.at[pl.ds(nrun, _LN)], t16, mask=mask)
        plsc.store_compressed(pk_v.at[pl.ds(nrun, _LN)], p16, mask=mask)
        ranks = nrun + plsc.cumsum(mi) - 1
        plsc.store_compressed(mr_v.at[pl.ds(mrun, _LN)], ranks, mask=mask3)
        segid_v[pl.ds(c * _LN, _LN)] = mrun + plsc.cumsum(m3i) - m3i
        return nrun + cnt, mrun + cnt3

    _, nseg_total = lax.fori_loop(0, N // _LN, compact_body,
                                  (jnp.int32(0), jnp.int32(0)))

    def _sload(ref, idx):
        return plsc.load_gather(ref, [jnp.full((_LN,), idx, jnp.int32)])[0]

    total_chars = jnp.where(
        nseg_total > 0,
        _sload(mr_v, jnp.maximum(nseg_total - 1, 0)) + 1 - nseg_total, 0)
    total_chars = jnp.maximum(total_chars, 1)

    def assign_body(s, carry):
        prev_mr, cum, owner_prev, col_run, my_cnt = carry
        end = _sload(mr_v, s)
        seg_len = jnp.where(s == 0, end, end - prev_mr - 1)
        nonempty = seg_len > 0
        owner = jnp.minimum(cum * _NT // total_chars, _NT - 1)
        col = jnp.where(owner == owner_prev, col_run, 0)
        plsc.store_scatter(pred_v, [jnp.full((_LN,), s, jnp.int32)],
                           jnp.full((_LN,), (owner << 10) | col, jnp.int32))
        mine = nonempty & (owner == k)
        plsc.store_scatter(
            myseg_v,
            [jnp.full((_LN,), jnp.where(mine, my_cnt, _SEGC - 1), jnp.int32)],
            jnp.full((_LN,), s, jnp.int32), mask=jnp.full((_LN,), mine))
        my_cnt = my_cnt + jnp.where(mine, 1, 0)
        col_run = col + jnp.where(nonempty, 1, 0)
        return end, cum + seg_len, owner, col_run, my_cnt

    _pm, _cu, _op, _cr, my_cnt = lax.fori_loop(
        0, nseg_total, assign_body,
        (jnp.int32(0), jnp.int32(0), jnp.int32(-1), jnp.int32(0),
         jnp.int32(0)))

    wts = jnp.int32(1) << iota
    wts_hi = wts << 16
    one = jnp.int32(1)

    def seg_body(si, _):
        sgi = _sload(myseg_v, si)
        prev_idx = jnp.maximum(sgi - 1, 0)
        bounds = plsc.load_gather(
            mr_v, [jnp.where(iota < 1, sgi, prev_idx)])
        end = bounds[0]
        start = jnp.where(sgi == 0, 0, bounds[1] + 1)
        seg_l = end - start
        mch = (seg_l + 511) >> 9
        mw = mch * _LN

        def zpm(c2, _c):
            pm_v[pl.ds(c2 * _LN, _LN)] = jnp.zeros((_LN,), jnp.int32)
            return 0

        lax.fori_loop(0, V * mch, zpm, 0)

        def bpm(i, _c):
            av = plsc.load_gather(
                tk_v, [jnp.full((_LN,), start + i, jnp.int32)])
            woff = ((i >> 5) & 15) + ((i >> 9) << 4)
            idxv = av * mw + woff
            w = plsc.load_gather(pm_v, [idxv])
            plsc.store_scatter(pm_v, [idxv], w | (one << (i & 31)))
            return 0

        lax.fori_loop(0, seg_l, bpm, 0)

        def ivp(cc, _c):
            bits = jnp.clip(seg_l - (cc * 512 + iota * 32), 0, 32)
            sh = jnp.minimum(bits, 31)
            mask = jnp.where(bits >= 32, jnp.int32(-1),
                             jnp.where(bits <= 0, jnp.int32(0),
                                       (one << sh) - 1))
            vp_v[pl.ds(cc * _LN, _LN)] = mask
            vn_v[pl.ds(cc * _LN, _LN)] = jnp.zeros((_LN,), jnp.int32)
            return 0

        lax.fori_loop(0, mch, ivp, 0)

        mm1 = seg_l - 1
        cm = mm1 >> 9
        selv = jnp.where(iota == ((mm1 >> 5) & 15),
                         one << (mm1 & 31), jnp.int32(0))

        shm1 = jnp.maximum(iota - 1, 0)
        lane0 = iota == 0

        def fast_path(_):
            vp0 = vp_v[pl.ds(0, _LN)]
            zero16 = jnp.zeros((_LN,), jnp.int32)

            def cbody(j, carry):
                vp, vn, sv = carry
                bjv = plsc.load_gather(
                    pk_v, [jnp.full((_LN,), start + j, jnp.int32)])
                eq = plsc.load_gather(pm_v, [bjv * _LN + iota])
                a1 = eq & vp
                s = a1 + vp
                gv = (a1 & vp) | ((a1 | vp) & ~s)
                packed = (jnp.where(gv < 0, wts, 0)
                          | jnp.where(s == -1, wts_hi, 0))
                r_ex = plsc.cumsum(packed) - packed
                g16 = r_ex & 0xFFFF
                a16 = g16 | lax.shift_right_logical(r_ex, 16)
                cbits = (a16 + g16) ^ a16 ^ g16
                s = s + (lax.shift_right_logical(cbits, iota) & 1)
                d0 = (s ^ vp) | eq | vn
                hp = vn | ~(d0 | vp)
                hn = vp & d0
                sv = (sv + jnp.where((hp & selv) != 0, one, 0)
                      - jnp.where((hn & selv) != 0, one, 0))
                packed2 = (jnp.where(hp < 0, wts, 0)
                           | jnp.where(hn < 0, wts_hi, 0))
                r2ex = plsc.cumsum(packed2) - packed2
                hp_in = jnp.where(
                    lane0, one,
                    lax.shift_right_logical(r2ex & 0xFFFF, shm1) & 1)
                hn_in = lax.shift_right_logical(
                    lax.shift_right_logical(r2ex, 16), shm1) & 1
                hps = (hp << 1) | hp_in
                hns = (hn << 1) | hn_in
                return hns | ~(d0 | hps), hps & d0, sv

            _vp, _vn, sv = lax.fori_loop(
                0, seg_l, cbody, (vp0, zero16, zero16))
            return seg_l + plsc.cumsum(sv)[15]

        def char_body(j, score):
            bj = _sload(pk_v, start + j)
            eqbase = bj * mw

            def chunk_body(cc, carry):
                score_c, addc, hpc, hnc = carry
                eq = pm_v[pl.ds(eqbase + cc * _LN, _LN)]
                vp = vp_v[pl.ds(cc * _LN, _LN)]
                vn = vn_v[pl.ds(cc * _LN, _LN)]
                a1 = eq & vp
                s = a1 + vp
                gv = (a1 & vp) | ((a1 | vp) & ~s)
                packed = (jnp.where(gv < 0, wts, 0)
                          | jnp.where(s == -1, wts_hi, 0))
                r = plsc.cumsum(packed)[15]
                g16 = r & 0xFFFF
                a16 = g16 | (lax.shift_right_logical(r, 16) & 0xFFFF)
                s16 = a16 + g16 + addc
                c16 = s16 ^ a16 ^ g16
                addc2 = lax.shift_right_logical(s16, 16) & 1
                s = s + (lax.shift_right_logical(
                    jnp.full((_LN,), c16, jnp.int32), iota) & 1)
                d0 = (s ^ vp) | eq | vn
                hp = vn | ~(d0 | vp)
                hn = vp & d0
                hpb = plsc.all_reduce_population_count((hp & selv) != 0)[0]
                hnb = plsc.all_reduce_population_count((hn & selv) != 0)[0]
                at_cm = jnp.where(cc == cm, one, jnp.int32(0))
                score_c2 = score_c + at_cm * (hpb - (1 - hpb) * hnb)
                packed2 = (jnp.where(hp < 0, wts, 0)
                           | jnp.where(hn < 0, wts_hi, 0))
                r2 = plsc.cumsum(packed2)[15]
                hpmsb = r2 & 0xFFFF
                hnmsb = lax.shift_right_logical(r2, 16) & 0xFFFF
                hp_in = ((hpmsb << 1) | hpc) & 0xFFFF
                hn_in = ((hnmsb << 1) | hnc) & 0xFFFF
                hpc2 = lax.shift_right_logical(hpmsb, 15) & 1
                hnc2 = lax.shift_right_logical(hnmsb, 15) & 1
                hps = (hp << 1) | (lax.shift_right_logical(
                    jnp.full((_LN,), hp_in, jnp.int32), iota) & 1)
                hns = (hn << 1) | (lax.shift_right_logical(
                    jnp.full((_LN,), hn_in, jnp.int32), iota) & 1)
                vp_v[pl.ds(cc * _LN, _LN)] = hns | ~(d0 | hps)
                vn_v[pl.ds(cc * _LN, _LN)] = hps & d0
                return score_c2, addc2, hpc2, hnc2

            sc2, _a, _b, _d = lax.fori_loop(
                0, mch, chunk_body,
                (score, jnp.int32(0), jnp.int32(1), jnp.int32(0)))
            return sc2

        def general_path(_):
            return lax.fori_loop(0, seg_l, char_body, seg_l)

        ed = lax.cond(mch == 1, fast_path, general_path, 0)
        plsc.store_scatter(ed_v, [jnp.full((_LN,), si, jnp.int32)],
                           jnp.full((_LN,), ed, jnp.int32))
        return 0

    lax.fori_loop(0, my_cnt, seg_body, 0)

    def es_body(c, _c):
        ed16 = ed_v[pl.ds(c * _LN, _LN)]
        edf = jnp.maximum(ed16.astype(jnp.float32), 1.0)
        es16 = jnp.where(ed16 != 0, 1.0 - jnp.exp(_LN09 / edf),
                         jnp.float32(1e-12))
        es_v[pl.ds(c * _LN, _LN)] = es16
        return 0

    lax.fori_loop(0, _SEGC // _LN, es_body, 0)
    pltpu.sync_copy(es_v, es_sh.at[k])
    plsc.subcore_barrier()

    pltpu.sync_copy(es_sh, estab_v)
    base = (cid * _NT + sid) * _SL

    def out_body(c, _c):
        off = base + c * _LN
        t16 = t_v[pl.ds(off, _LN)]
        sg16 = segid_v[pl.ds(off, _LN)]
        okseg = sg16 < nseg_total
        sgc = jnp.where(okseg, sg16, 0)
        oc16 = plsc.load_gather(pred_v, [sgc])
        es16 = plsc.load_gather(
            estab_v,
            [lax.shift_right_logical(oc16, 10) & (_NT - 1),
             jnp.minimum(oc16 & 1023, _SEGC - 1)])
        act = okseg & (t16 != 0) & (t16 != 3)
        out_v[pl.ds(c * _LN, _LN)] = jnp.where(act, es16, 0.0)
        return 0

    lax.fori_loop(0, _SL // _LN, out_body, 0)
    pltpu.sync_copy(out_v, out_hbm.at[pl.ds(base, _SL)])


@functools.cache
def _sc_es_call():
  return functools.partial(
    pl.kernel,
    out_type=jax.ShapeDtypeStruct((N,), jnp.float32),
    compiler_params=pltpu.CompilerParams(needs_layout_passes=False,
                                         use_tc_tiling_on_sc=False),
    mesh=plsc.VectorSubcoreMesh(core_axis_name="c", subcore_axis_name="s",
                                num_cores=2, num_subcores=16),
    scratch_types=[
        pltpu.VMEM((N + _LN,), jnp.int32),
        pltpu.VMEM((N + _LN,), jnp.int32),
        pltpu.VMEM((N + _LN,), jnp.int32),
        pltpu.VMEM((N + _LN,), jnp.int32),
        pltpu.VMEM((N,), jnp.int32),
        pltpu.VMEM((N,), jnp.int32),
        pltpu.VMEM((V * 24 * _LN,), jnp.int32),
        pltpu.VMEM((24 * _LN,), jnp.int32),
        pltpu.VMEM((24 * _LN,), jnp.int32),
        pltpu.VMEM((_SEGC,), jnp.int32),
        pltpu.VMEM((_SEGC,), jnp.int32),
        pltpu.VMEM((_SEGC,), jnp.float32),
        pltpu.VMEM((_NT, _SEGC), jnp.float32),
        pltpu.VMEM((_SL,), jnp.float32),
        pltpu.VMEM_SHARED((_NT, _SEGC), jnp.float32),
    ],
  )(_sc_body)



def _combine_body(t_ref, s1_ref, s2_ref, lpt_ref, st_ref, es_ref, out_ref):
    t = t_ref[...]
    s1 = s1_ref[...]
    s2 = s2_ref[...]
    lpt = lpt_ref[...]
    st = st_ref[...]
    es = es_ref[...]
    valid = t != 0
    active = es > 0.0
    head = (t >= 4) & (t < 24)
    ess = jnp.where(active, es, 1.0)
    vt = ess * st / (V - 1)
    ch = 1.0 - ess * _A / (V - 1)
    sum_vlogv = (ess / (V - 1)) * (_A * (jnp.log(ess) - _LOG_V1) + _B)
    l_head = (sum_vlogv - vt * jnp.log(vt)) \
        - ((ess / (V - 1)) * s2 - vt * lpt) \
        + ch * jnp.log(ch) - ch * lpt
    kk = ess * jnp.float32(1e-12) / (V - 1)
    cn = 1.0 - V * kk
    l_tail = (V - 1) * kk * jnp.log(kk) - kk * (s1 - lpt) \
        + cn * jnp.log(cn) - cn * lpt
    l_in = -lpt
    l_row = jnp.where(active, jnp.where(head, l_head, l_tail), l_in)
    l_row = jnp.where(valid, l_row, 0.0)
    n = jnp.sum(valid.astype(jnp.float32), axis=(0, 1), keepdims=True)
    out_ref[...] = jnp.sum(l_row, axis=(0, 1), keepdims=True) / n


def _combine(t2, s1, s2, lpt, st, es2):
    return pl.pallas_call(
        _combine_body,
        out_shape=jax.ShapeDtypeStruct((1, 1), jnp.float32),
    )(t2, s1, s2, lpt, st, es2)



def kernel(input, target):
    x = jnp.reshape(input, (N, V))
    t1 = jnp.reshape(target, (N,)).astype(jnp.int32)
    t2 = jnp.reshape(t1, (N, 1))
    s2d = jnp.asarray(_CLS_SMOOTH.reshape(1, V), dtype=jnp.float32)
    s1, s2, lpt, st, pred = _row_stats(x, t2, s2d)
    es = _sc_es_call()(t1, jnp.reshape(pred, (N,)))
    sq = lambda a: jnp.reshape(a, (96, 128))
    out = _combine(sq(t2), sq(s1), sq(s2), sq(lpt), sq(st), sq(es))
    return out[0, 0]

# --- scband reference (transcript-rebuilt; emitter-appended) ---
"""Pipeline reference for scband-class-aware-lablesmoothing-v1-53755810676919 (READ-ONLY COPY).

The authoritative reference and input builder live on the scoring server;
editing this copy changes nothing except your own understanding.
"""

import jax, jax.numpy as jnp
import numpy as np
from jax.scipy.special import xlogy

PAD = 0
ALPHA = 0.1
SMOOTH_TAIL = 0.01
NORMALIZE_LENGTH = True
CLS_NUM_LIST = np.array([100000 - 1000 * i for i in range(100)], dtype=np.float64)
HEAD_CLS = list(range(4, 24))
CLS_SMOOTH = SMOOTH_TAIL + (ALPHA - SMOOTH_TAIL) * (CLS_NUM_LIST - CLS_NUM_LIST.min()) / (CLS_NUM_LIST.max() - CLS_NUM_LIST.min())


def _edit_distance(a, b):
    # Levenshtein distance (faithful stand-in for ed.eval from the editdistance package)
    a = np.asarray(a, dtype=np.int64)
    b = np.asarray(b, dtype=np.int64)
    if a.size == 0:
        return int(b.size)
    if b.size == 0:
        return int(a.size)
    prev = np.arange(b.size + 1, dtype=np.int64)
    for i in range(1, a.size + 1):
        sub = prev[:-1] + (a[i - 1] != b).astype(np.int64)
        m = np.minimum(prev[1:] + 1, sub)
        idx = np.arange(1, b.size + 1, dtype=np.int64)
        d = np.minimum.accumulate(np.concatenate(([np.int64(i)], m - idx)))
        prev = d + np.arange(b.size + 1, dtype=np.int64)
    return int(prev[-1])


def _build_true_dist(x_np, t_np):
    # x_np: [n, V] filtered logits (numpy), t_np: [n] filtered targets (numpy)
    n, V = x_np.shape
    xm = x_np - x_np.max(axis=1, keepdims=True)
    probs = np.exp(xm)
    probs = probs / probs.sum(axis=1, keepdims=True)
    pred_index = probs.argmax(axis=1)
    smoothing = np.zeros_like(x_np)
    i = 0
    for j in np.nonzero(t_np == 3)[0]:
        j = int(j)
        edit_d = _edit_distance(t_np[i:j], pred_index[i:j])
        if edit_d != 0:
            es = 1.0 - (1.0 - ALPHA) ** (1.0 / edit_d)
        else:
            es = 1e-12
        cls_smoothing = np.full((j - i, V), 1e-12, dtype=x_np.dtype)
        for tt in range(j - i):
            if int(t_np[i + tt]) in HEAD_CLS:
                cls_smoothing[tt, :] = CLS_SMOOTH.astype(x_np.dtype)
        smoothing[i:j, :] = es * cls_smoothing
        i = j + 1
    true_dist = smoothing / (V - 1)
    confidence = 1.0 - true_dist.sum(axis=-1)
    true_dist[np.arange(n), t_np] = confidence
    return true_dist


def setup_inputs(seed: int = 0):
    key = jax.random.key(seed)
    k1, k2 = jax.random.split(key)
    inp = jax.random.normal(k1, (32, 384, 100), dtype=jnp.float32)
    target = jax.random.randint(k2, (32, 384), 0, 100, dtype=jnp.int32)
    return {"input": inp, "target": target}


def reference(input, target):
    V = input.shape[-1]
    B = input.shape[0]
    N = input.shape[0] * input.shape[1]
    t_flat = jnp.reshape(target, (-1,))
    x_flat = jnp.reshape(input, (-1, V))
    mask = t_flat != PAD
    n = jnp.sum(mask.astype(jnp.int32))
    dest = jnp.where(mask, jnp.cumsum(mask.astype(jnp.int32)) - 1, N)
    tk = jnp.zeros((N + 1,), t_flat.dtype).at[dest].set(t_flat)[:N].astype(jnp.int32)
    xk = jnp.zeros((N + 1, V), x_flat.dtype).at[dest].set(x_flat)[:N]
    pred = jnp.argmax(x_flat, axis=1).astype(jnp.int32)
    predk = jnp.zeros((N + 1,), jnp.int32).at[dest].set(pred)[:N]
    pos = jnp.arange(N)
    valid = pos < n
    is_marker = valid & (tk == 3)
    is_sym = valid & (tk != 3)

    base_row = jnp.arange(N + 1, dtype=jnp.int32)

    def step(state, inp):
        row, bbuf, c = state
        t, pr, mk, sym = inp
        dist = row[c]
        bbuf2 = jnp.where(sym, bbuf.at[c].set(pr), bbuf)
        sub = row[:-1] + (t != bbuf2).astype(jnp.int32)
        m = jnp.minimum(row[1:] + 1, sub)
        seq = jnp.concatenate([jnp.full((1,), c + 1, dtype=jnp.int32), m - base_row[1:]])
        new_row = jax.lax.cummin(seq) + base_row
        row2 = jnp.where(sym, new_row, row)
        row3 = jnp.where(mk, base_row, row2)
        c2 = jnp.where(mk, jnp.int32(0), jnp.where(sym, c + 1, c))
        return (row3, bbuf2, c2), jnp.where(mk, dist, -1)

    init = (base_row, jnp.zeros((N,), jnp.int32), jnp.int32(0))
    _, ed_at = jax.lax.scan(step, init, (tk, predk, is_marker, is_sym))

    marker_pos = jnp.where(is_marker, pos, N)
    seg_end = jax.lax.cummin(marker_pos, reverse=True)
    has_seg = seg_end < N
    edit_d = ed_at[jnp.clip(seg_end, 0, N - 1)]
    ed_safe = jnp.maximum(edit_d, 1).astype(x_flat.dtype)
    es = jnp.where(edit_d != 0, 1.0 - (1.0 - ALPHA) ** (1.0 / ed_safe), 1e-12)

    head = jnp.isin(tk, jnp.asarray(HEAD_CLS, dtype=tk.dtype))
    cls_sm = jnp.asarray(CLS_SMOOTH, dtype=x_flat.dtype)
    cls_smoothing = jnp.where(head[:, None], cls_sm[None, :], 1e-12).astype(x_flat.dtype)
    active = is_sym & has_seg
    smoothing = jnp.where(active[:, None], es[:, None].astype(x_flat.dtype) * cls_smoothing, 0.0)
    true_dist = smoothing / (V - 1)
    confidence = 1.0 - true_dist.sum(axis=-1)
    true_dist = true_dist.at[pos, tk].set(confidence)
    log_probs = jax.nn.log_softmax(xk, axis=1)
    # KLDivLoss(reduction='none'): target * (log(target) - log_probs), with 0*log(0)=0
    kl = xlogy(true_dist, true_dist) - true_dist * log_probs
    kl = jnp.where(valid[:, None], kl, 0.0)
    denom = n if NORMALIZE_LENGTH else B
    return kl.sum() / denom

if __name__ == "__main__":
    import jax
    _d = setup_inputs()
    print(jax.jit(kernel)(*tuple(_d.values())))

</pallas_src>

<mosaic_0001>
#map = affine_map<(d0, d1) -> (0)>
module attributes {stable_mosaic.version = 14 : i64} {
  func.func @_sc_body(%arg0: i32, %arg1: i32, %arg2: memref<12288xi32, #tpu.memory_space<hbm>>, %arg3: memref<12288xi32, #tpu.memory_space<hbm>>, %arg4: memref<12288xf32, #tpu.memory_space<hbm>>, %arg5: memref<12304xi32, #tpu.memory_space<vmem>>, %arg6: memref<12304xi32, #tpu.memory_space<vmem>>, %arg7: memref<12304xi32, #tpu.memory_space<vmem>>, %arg8: memref<12304xi32, #tpu.memory_space<vmem>>, %arg9: memref<12288xi32, #tpu.memory_space<vmem>>, %arg10: memref<12288xi32, #tpu.memory_space<vmem>>, %arg11: memref<38400xi32, #tpu.memory_space<vmem>>, %arg12: memref<384xi32, #tpu.memory_space<vmem>>, %arg13: memref<384xi32, #tpu.memory_space<vmem>>, %arg14: memref<784xi32, #tpu.memory_space<vmem>>, %arg15: memref<784xi32, #tpu.memory_space<vmem>>, %arg16: memref<784xf32, #tpu.memory_space<vmem>>, %arg17: memref<16x784xf32, #tpu.memory_space<vmem>>, %arg18: memref<384xf32, #tpu.memory_space<vmem>>, %arg19: memref<16x784xf32, #tpu.memory_space<vmem_shared>>) attributes {dimension_semantics = [#tpu.dimension_semantics<core_parallel>, #tpu.dimension_semantics<subcore_parallel>], iteration_bounds = array<i64: 2, 16>, scalar_prefetch = 0 : i64, scratch_operands = 15 : i64, tpu.core_type = #tpu.core_type<sc_vector_subcore>, window_params = [{transform_indices = #map}, {transform_indices = #map}, {transform_indices = #map}]} {
    %iota3A = tpu.iota {dimensions = array<i32: 0>} : vector<16xi32>
    "tpu.region"() ({
      %run_scoped3A = tpu.sem_alloc : memref<!tpu.dma_semaphore, #tpu.memory_space<semaphore_mem>>
      %dma_start3A = arith.constant 0 : i32
      %dma_start3A_65 = tpu.memref_slice %arg5[%dma_start3A] : memref<12304xi32, #tpu.memory_space<vmem>> -> memref<12288xi32, #tpu.memory_space<vmem>>
      %dma_start3A_66 = arith.constant 0 : i32
      %dma_start3A_67 = tpu.memref_slice %arg5[%dma_start3A_66] : memref<12304xi32, #tpu.memory_space<vmem>> -> memref<12288xi32, #tpu.memory_space<vmem>>
      tpu.enqueue_dma source(%arg2 : memref<12288xi32, #tpu.memory_space<hbm>>) target(%dma_start3A_67 : memref<12288xi32, #tpu.memory_space<vmem>>) target_semaphore(%run_scoped3A : memref<!tpu.dma_semaphore, #tpu.memory_space<semaphore_mem>>)
      %dma_wait3A = arith.constant 0 : i32
      %dma_wait3A_68 = tpu.memref_slice %arg5[%dma_wait3A] : memref<12304xi32, #tpu.memory_space<vmem>> -> memref<12288xi32, #tpu.memory_space<vmem>>
      %dma_wait3A_69 = arith.constant 0 : i32
      %dma_wait3A_70 = tpu.memref_slice %arg5[%dma_wait3A_69] : memref<12304xi32, #tpu.memory_space<vmem>> -> memref<12288xi32, #tpu.memory_space<vmem>>
      tpu.wait_dma2 semaphore(%run_scoped3A : memref<!tpu.dma_semaphore, #tpu.memory_space<semaphore_mem>>) src(%arg2 : memref<12288xi32, #tpu.memory_space<hbm>>) dst(%dma_wait3A_70 : memref<12288xi32, #tpu.memory_space<vmem>>)
      tpu.yield
    }) : () -> ()
    "tpu.region"() ({
      %run_scoped3A = tpu.sem_alloc : memref<!tpu.dma_semaphore, #tpu.memory_space<semaphore_mem>>
      %dma_start3A = arith.constant 0 : i32
      %dma_start3A_65 = tpu.memref_slice %arg6[%dma_start3A] : memref<12304xi32, #tpu.memory_space<vmem>> -> memref<12288xi32, #tpu.memory_space<vmem>>
      %dma_start3A_66 = arith.constant 0 : i32
      %dma_start3A_67 = tpu.memref_slice %arg6[%dma_start3A_66] : memref<12304xi32, #tpu.memory_space<vmem>> -> memref<12288xi32, #tpu.memory_space<vmem>>
      tpu.enqueue_dma source(%arg3 : memref<12288xi32, #tpu.memory_space<hbm>>) target(%dma_start3A_67 : memref<12288xi32, #tpu.memory_space<vmem>>) target_semaphore(%run_scoped3A : memref<!tpu.dma_semaphore, #tpu.memory_space<semaphore_mem>>)
      %dma_wait3A = arith.constant 0 : i32
      %dma_wait3A_68 = tpu.memref_slice %arg6[%dma_wait3A] : memref<12304xi32, #tpu.memory_space<vmem>> -> memref<12288xi32, #tpu.memory_space<vmem>>
      %dma_wait3A_69 = arith.constant 0 : i32
      %dma_wait3A_70 = tpu.memref_slice %arg6[%dma_wait3A_69] : memref<12304xi32, #tpu.memory_space<vmem>> -> memref<12288xi32, #tpu.memory_space<vmem>>
      tpu.wait_dma2 semaphore(%run_scoped3A : memref<!tpu.dma_semaphore, #tpu.memory_space<semaphore_mem>>) src(%arg3 : memref<12288xi32, #tpu.memory_space<hbm>>) dst(%dma_wait3A_70 : memref<12288xi32, #tpu.memory_space<vmem>>)
      tpu.yield
    }) : () -> ()
    %scan3A = arith.constant 0 : i32
    %scan3A_0 = arith.constant 0 : i32
    %scan3A_1 = arith.constant 0 : i32
    %scan3A_2 = arith.constant 768 : i32
    %scan3A_3 = arith.addi %scan3A_1, %scan3A_2 : i32
    %scan3A_4 = arith.constant 1 : i32
    %scan3A_5:2 = scf.for %scan3A_65 = %scan3A_1 to %scan3A_3 step %scan3A_4 iter_args(%scan3A_66 = %scan3A, %scan3A_67 = %scan3A_0) -> (i32, i32)  : i32 {
      %mul3A_68 = arith.constant 16 : i32
      %mul3A_69 = arith.muli %scan3A_65, %mul3A_68 : i32
      %get3A = arith.index_cast %mul3A_69 : i32 to index
      %get3A_70 = tpu.vector_load %arg5[%get3A] {strides = array<i32>} : memref<12304xi32, #tpu.memory_space<vmem>>, vector<16xi32>,
      %mul3A_71 = arith.constant 16 : i32
      %mul3A_72 = arith.muli %scan3A_65, %mul3A_71 : i32
      %get3A_73 = arith.index_cast %mul3A_72 : i32 to index
      %get3A_74 = tpu.vector_load %arg6[%get3A_73] {strides = array<i32>} : memref<12304xi32, #tpu.memory_space<vmem>>, vector<16xi32>,
      %ne3A = arith.constant 0 : i32
      %ne3A_75 = vector.broadcast %ne3A : i32 to vector<16xi32>
      %ne3A_76 = arith.cmpi ne, %get3A_70, %ne3A_75 : vector<16xi32>
      %eq3A = arith.constant 3 : i32
      %eq3A_77 = vector.broadcast %eq3A : i32 to vector<16xi32>
      %eq3A_78 = arith.cmpi eq, %get3A_70, %eq3A_77 : vector<16xi32>
      %convert_element_type3A = arith.extui %ne3A_76 : vector<16xi1> to vector<16xi32>
      %convert_element_type3A_79 = arith.extui %eq3A_78 : vector<16xi1> to vector<16xi32>
      %all_reduce_population_count3A = tpu.all_reduce %ne3A_76 {dim = 0 : i64, kind = #tpu.reduction_kind<sum>} : vector<16xi1> -> vector<16xi32>
      %slice3A_80 = vector.extract_strided_slice %all_reduce_population_count3A {offsets = [0], sizes = [1], strides = [1]} : vector<16xi32> to vector<1xi32>
      %squeeze3A_81 = vector.extract %slice3A_80[0] : i32 from vector<1xi32>
      %all_reduce_population_count3A_82 = tpu.all_reduce %eq3A_78 {dim = 0 : i64, kind = #tpu.reduction_kind<sum>} : vector<16xi1> -> vector<16xi32>
      %slice3A_83 = vector.extract_strided_slice %all_reduce_population_count3A_82 {offsets = [0], sizes = [1], strides = [1]} : vector<16xi32> to vector<1xi32>
      %squeeze3A_84 = vector.extract %slice3A_83[0] : i32 from vector<1xi32>
      %swap3A = arith.index_cast %scan3A_66 : i32 to index
      %swap3A_85 = tpu.vector_load %arg7[%swap3A] masked %ne3A_76 {strides = array<i32>} : memref<12304xi32, #tpu.memory_space<vmem>>, vector<16xi32>, vector<16xi1>
      tpu.vector_store %arg7[%swap3A], %get3A_70 masked %ne3A_76 {strides = array<i32>} : memref<12304xi32, #tpu.memory_space<vmem>>, vector<16xi32>, vector<16xi1>
      %swap3A_86 = arith.index_cast %scan3A_66 : i32 to index
      %swap3A_87 = tpu.vector_load %arg8[%swap3A_86] masked %ne3A_76 {strides = array<i32>} : memref<12304xi32, #tpu.memory_space<vmem>>, vector<16xi32>, vector<16xi1>
      tpu.vector_store %arg8[%swap3A_86], %get3A_74 masked %ne3A_76 {strides = array<i32>} : memref<12304xi32, #tpu.memory_space<vmem>>, vector<16xi32>, vector<16xi1>
      %broadcast_in_dim3A_88 = arith.constant true
      %broadcast_in_dim3A_89 = vector.broadcast %broadcast_in_dim3A_88 : i1 to vector<16xi1>
      %masked_cumsum3A = tpu.scan <sum>, %convert_element_type3A masked %broadcast_in_dim3A_89 : vector<16xi32>, vector<16xi1> -> vector<16xi32>
      %add3A_90 = vector.broadcast %scan3A_66 : i32 to vector<16xi32>
      %add3A_91 = arith.addi %add3A_90, %masked_cumsum3A : vector<16xi32>
      %sub3A_92 = arith.constant 1 : i32
      %sub3A_93 = vector.broadcast %sub3A_92 : i32 to vector<16xi32>
      %sub3A_94 = arith.subi %add3A_91, %sub3A_93 : vector<16xi32>
      %swap3A_95 = arith.index_cast %scan3A_67 : i32 to index
      %swap3A_96 = tpu.vector_load %arg10[%swap3A_95] masked %eq3A_78 {strides = array<i32>} : memref<12288xi32, #tpu.memory_space<vmem>>, vector<16xi32>, vector<16xi1>
      tpu.vector_store %arg10[%swap3A_95], %sub3A_94 masked %eq3A_78 {strides = array<i32>} : memref<12288xi32, #tpu.memory_space<vmem>>, vector<16xi32>, vector<16xi1>
      %broadcast_in_dim3A_97 = arith.constant true
      %broadcast_in_dim3A_98 = vector.broadcast %broadcast_in_dim3A_97 : i1 to vector<16xi1>
      %masked_cumsum3A_99 = tpu.scan <sum>, %convert_element_type3A_79 masked %broadcast_in_dim3A_98 : vector<16xi32>, vector<16xi1> -> vector<16xi32>
      %add3A_100 = vector.broadcast %scan3A_67 : i32 to vector<16xi32>
      %add3A_101 = arith.addi %add3A_100, %masked_cumsum3A_99 : vector<16xi32>
      %sub3A_102 = arith.subi %add3A_101, %convert_element_type3A_79 : vector<16xi32>
      %mul3A_103 = arith.constant 16 : i32
      %mul3A_104 = arith.muli %scan3A_65, %mul3A_103 : i32
      %swap3A_105 = arith.index_cast %mul3A_104 : i32 to index
      %swap3A_106 = tpu.vector_load %arg9[%swap3A_105] {strides = array<i32>} : memref<12288xi32, #tpu.memory_space<vmem>>, vector<16xi32>,
      tpu.vector_store %arg9[%swap3A_105], %sub3A_102 {strides = array<i32>} : memref<12288xi32, #tpu.memory_space<vmem>>, vector<16xi32>,
      %add3A_107 = arith.addi %scan3A_66, %squeeze3A_81 : i32
      %add3A_108 = arith.addi %scan3A_67, %squeeze3A_84 : i32
      scf.yield %add3A_107, %add3A_108 : i32, i32
    }
    %scan3A_6 = arith.constant 768 : i32
    %gt3A = arith.constant 0 : i32
    %gt3A_7 = arith.cmpi sgt, %scan3A_5#1, %gt3A : i32
    %sub3A = arith.constant 1 : i32
    %sub3A_8 = arith.subi %scan3A_5#1, %sub3A : i32
    %max3A = arith.constant 0 : i32
    %max3A_9 = arith.maxsi %sub3A_8, %max3A : i32
    %broadcast_in_dim3A = vector.broadcast %max3A_9 : i32 to vector<16xi32>
    %gather3A = tpu.vector_load_idx %arg10[%broadcast_in_dim3A] : memref<12288xi32, #tpu.memory_space<vmem>>[vector<16xi32>], vector<16xi32>,
    %slice3A = vector.extract_strided_slice %gather3A {offsets = [0], sizes = [1], strides = [1]} : vector<16xi32> to vector<1xi32>
    %squeeze3A = vector.extract %slice3A[0] : i32 from vector<1xi32>
    %add3A = arith.constant 1 : i32
    %add3A_10 = arith.addi %squeeze3A, %add3A : i32
    %sub3A_11 = arith.subi %add3A_10, %scan3A_5#1 : i32
    %jit3A = arith.constant 0 : i32
    %select_n3A = arith.select %gt3A_7, %sub3A_11, %jit3A : i32
    %max3A_12 = arith.constant 1 : i32
    %max3A_13 = arith.maxsi %select_n3A, %max3A_12 : i32
    %while3A = arith.constant 0 : i32
    %while3A_14 = arith.constant 0 : i32
    %while3A_15 = arith.constant 0 : i32
    %while3A_16 = arith.constant -1 : i32
    %while3A_17 = arith.constant 0 : i32
    %while3A_18 = arith.constant 0 : i32
    %while3A_19 = arith.subi %scan3A_5#1, %while3A : i32
    %while3A_20 = arith.addi %while3A, %while3A_19 : i32
    %while3A_21 = arith.constant 1 : i32
    %while3A_22 = arith.divsi %while3A_19, %while3A_21 : i32
    %while3A_23 = arith.muli %while3A_22, %while3A_21 : i32
    %while3A_24 = arith.addi %while3A, %while3A_23 : i32
    %while3A_25 = arith.constant 1 : i32
    %while3A_26:5 = scf.for %while3A_65 = %while3A to %while3A_24 step %while3A_25 iter_args(%while3A_66 = %while3A_14, %while3A_67 = %while3A_15, %while3A_68 = %while3A_16, %while3A_69 = %while3A_17, %while3A_70 = %while3A_18) -> (i32, i32, i32, i32, i32)  : i32 {
      %broadcast_in_dim3A_71 = vector.broadcast %while3A_65 : i32 to vector<16xi32>
      %gather3A_72 = tpu.vector_load_idx %arg10[%broadcast_in_dim3A_71] : memref<12288xi32, #tpu.memory_space<vmem>>[vector<16xi32>], vector<16xi32>,
      %slice3A_73 = vector.extract_strided_slice %gather3A_72 {offsets = [0], sizes = [1], strides = [1]} : vector<16xi32> to vector<1xi32>
      %squeeze3A_74 = vector.extract %slice3A_73[0] : i32 from vector<1xi32>
      %eq3A = arith.constant 0 : i32
      %eq3A_75 = arith.cmpi eq, %while3A_65, %eq3A : i32
      %sub3A_76 = arith.subi %squeeze3A_74, %while3A_66 : i32
      %sub3A_77 = arith.constant 1 : i32
      %sub3A_78 = arith.subi %sub3A_76, %sub3A_77 : i32
      %select_n3A_79 = arith.select %eq3A_75, %squeeze3A_74, %sub3A_78 : i32
      %gt3A_80 = arith.constant 0 : i32
      %gt3A_81 = arith.cmpi sgt, %select_n3A_79, %gt3A_80 : i32
      %mul3A_82 = arith.constant 16 : i32
      %mul3A_83 = arith.muli %while3A_67, %mul3A_82 : i32
      %div3A = arith.divsi %mul3A_83, %max3A_13 : i32
      %sign3A = arith.constant 0 : i32
      %sign3A_84 = arith.cmpi sgt, %mul3A_83, %sign3A : i32
      %sign3A_85 = arith.extui %sign3A_84 : i1 to i32
      %sign3A_86 = arith.constant 0 : i32
      %sign3A_87 = arith.cmpi slt, %mul3A_83, %sign3A_86 : i32
      %sign3A_88 = arith.extui %sign3A_87 : i1 to i32
      %sign3A_89 = arith.subi %sign3A_85, %sign3A_88 : i32
      %sign3A_90 = arith.constant 0 : i32
      %sign3A_91 = arith.cmpi sgt, %max3A_13, %sign3A_90 : i32
      %sign3A_92 = arith.extui %sign3A_91 : i1 to i32
      %sign3A_93 = arith.constant 0 : i32
      %sign3A_94 = arith.cmpi slt, %max3A_13, %sign3A_93 : i32
      %sign3A_95 = arith.extui %sign3A_94 : i1 to i32
      %sign3A_96 = arith.subi %sign3A_92, %sign3A_95 : i32
      %ne3A = arith.cmpi ne, %sign3A_89, %sign3A_96 : i32
      %rem3A = arith.remsi %mul3A_83, %max3A_13 : i32
      %ne3A_97 = arith.constant 0 : i32
      %ne3A_98 = arith.cmpi ne, %rem3A, %ne3A_97 : i32
      %and3A = arith.andi %ne3A, %ne3A_98 : i1
      %sub3A_99 = arith.constant 1 : i32
      %sub3A_100 = arith.subi %div3A, %sub3A_99 : i32
      %select_n3A_101 = arith.select %and3A, %sub3A_100, %div3A : i32
      %min3A = arith.constant 15 : i32
      %min3A_102 = arith.minsi %select_n3A_101, %min3A : i32
      %eq3A_103 = arith.cmpi eq, %min3A_102, %while3A_68 : i32
      %jit3A_104 = arith.constant 0 : i32
      %select_n3A_105 = arith.select %eq3A_103, %while3A_69, %jit3A_104 : i32
      %broadcast_in_dim3A_106 = vector.broadcast %while3A_65 : i32 to vector<16xi32>
      %shift_left3A_107 = arith.constant 10 : i32
      %shift_left3A_108 = arith.shli %min3A_102, %shift_left3A_107 : i32
      %or3A = arith.ori %shift_left3A_108, %select_n3A_105 : i32
      %broadcast_in_dim3A_109 = vector.broadcast %or3A : i32 to vector<16xi32>
      tpu.vector_store_idx %arg6[%broadcast_in_dim3A_106], %broadcast_in_dim3A_109 : memref<12304xi32, #tpu.memory_space<vmem>>[vector<16xi32>], vector<16xi32>,
      %eq3A_110 = arith.cmpi eq, %min3A_102, %arg1 : i32
      %and3A_111 = arith.andi %gt3A_81, %eq3A_110 : i1
      %jit3A_112 = arith.constant 783 : i32
      %select_n3A_113 = arith.select %and3A_111, %while3A_70, %jit3A_112 : i32
      %broadcast_in_dim3A_114 = vector.broadcast %select_n3A_113 : i32 to vector<16xi32>
      %broadcast_in_dim3A_115 = vector.broadcast %while3A_65 : i32 to vector<16xi32>
      %broadcast_in_dim3A_116 = vector.broadcast %and3A_111 : i1 to vector<16xi1>
      tpu.vector_store_idx %arg14[%broadcast_in_dim3A_114], %broadcast_in_dim3A_115 masked %broadcast_in_dim3A_116 : memref<784xi32, #tpu.memory_space<vmem>>[vector<16xi32>], vector<16xi32>, vector<16xi1>
      %jit3A_117 = arith.constant 1 : i32
      %jit3A_118 = arith.constant 0 : i32
      %select_n3A_119 = arith.select %and3A_111, %jit3A_117, %jit3A_118 : i32
      %add3A_120 = arith.addi %while3A_70, %select_n3A_119 : i32
      %jit3A_121 = arith.constant 1 : i32
      %jit3A_122 = arith.constant 0 : i32
      %select_n3A_123 = arith.select %gt3A_81, %jit3A_121, %jit3A_122 : i32
      %add3A_124 = arith.addi %select_n3A_105, %select_n3A_123 : i32
      %add3A_125 = arith.addi %while3A_67, %select_n3A_79 : i32
      scf.yield %squeeze3A_74, %add3A_125, %min3A_102, %add3A_124, %add3A_120 : i32, i32, i32, i32, i32
    }
    %while3A_27 = arith.constant 1 : i32
    %while3A_28:5 = scf.for %while3A_65 = %while3A_24 to %while3A_20 step %while3A_27 iter_args(%while3A_66 = %while3A_26#0, %while3A_67 = %while3A_26#1, %while3A_68 = %while3A_26#2, %while3A_69 = %while3A_26#3, %while3A_70 = %while3A_26#4) -> (i32, i32, i32, i32, i32)  : i32 {
      %broadcast_in_dim3A_71 = vector.broadcast %while3A_65 : i32 to vector<16xi32>
      %gather3A_72 = tpu.vector_load_idx %arg10[%broadcast_in_dim3A_71] : memref<12288xi32, #tpu.memory_space<vmem>>[vector<16xi32>], vector<16xi32>,
      %slice3A_73 = vector.extract_strided_slice %gather3A_72 {offsets = [0], sizes = [1], strides = [1]} : vector<16xi32> to vector<1xi32>
      %squeeze3A_74 = vector.extract %slice3A_73[0] : i32 from vector<1xi32>
      %eq3A = arith.constant 0 : i32
      %eq3A_75 = arith.cmpi eq, %while3A_65, %eq3A : i32
      %sub3A_76 = arith.subi %squeeze3A_74, %while3A_66 : i32
      %sub3A_77 = arith.constant 1 : i32
      %sub3A_78 = arith.subi %sub3A_76, %sub3A_77 : i32
      %select_n3A_79 = arith.select %eq3A_75, %squeeze3A_74, %sub3A_78 : i32
      %gt3A_80 = arith.constant 0 : i32
      %gt3A_81 = arith.cmpi sgt, %select_n3A_79, %gt3A_80 : i32
      %mul3A_82 = arith.constant 16 : i32
      %mul3A_83 = arith.muli %while3A_67, %mul3A_82 : i32
      %div3A = arith.divsi %mul3A_83, %max3A_13 : i32
      %sign3A = arith.constant 0 : i32
      %sign3A_84 = arith.cmpi sgt, %mul3A_83, %sign3A : i32
      %sign3A_85 = arith.extui %sign3A_84 : i1 to i32
      %sign3A_86 = arith.constant 0 : i32
      %sign3A_87 = arith.cmpi slt, %mul3A_83, %sign3A_86 : i32
      %sign3A_88 = arith.extui %sign3A_87 : i1 to i32
      %sign3A_89 = arith.subi %sign3A_85, %sign3A_88 : i32
      %sign3A_90 = arith.constant 0 : i32
      %sign3A_91 = arith.cmpi sgt, %max3A_13, %sign3A_90 : i32
      %sign3A_92 = arith.extui %sign3A_91 : i1 to i32
      %sign3A_93 = arith.constant 0 : i32
      %sign3A_94 = arith.cmpi slt, %max3A_13, %sign3A_93 : i32
      %sign3A_95 = arith.extui %sign3A_94 : i1 to i32
      %sign3A_96 = arith.subi %sign3A_92, %sign3A_95 : i32
      %ne3A = arith.cmpi ne, %sign3A_89, %sign3A_96 : i32
      %rem3A = arith.remsi %mul3A_83, %max3A_13 : i32
      %ne3A_97 = arith.constant 0 : i32
      %ne3A_98 = arith.cmpi ne, %rem3A, %ne3A_97 : i32
      %and3A = arith.andi %ne3A, %ne3A_98 : i1
      %sub3A_99 = arith.constant 1 : i32
      %sub3A_100 = arith.subi %div3A, %sub3A_99 : i32
      %select_n3A_101 = arith.select %and3A, %sub3A_100, %div3A : i32
      %min3A = arith.constant 15 : i32
      %min3A_102 = arith.minsi %select_n3A_101, %min3A : i32
      %eq3A_103 = arith.cmpi eq, %min3A_102, %while3A_68 : i32
      %jit3A_104 = arith.constant 0 : i32
      %select_n3A_105 = arith.select %eq3A_103, %while3A_69, %jit3A_104 : i32
      %broadcast_in_dim3A_106 = vector.broadcast %while3A_65 : i32 to vector<16xi32>
      %shift_left3A_107 = arith.constant 10 : i32
      %shift_left3A_108 = arith.shli %min3A_102, %shift_left3A_107 : i32
      %or3A = arith.ori %shift_left3A_108, %select_n3A_105 : i32
      %broadcast_in_dim3A_109 = vector.broadcast %or3A : i32 to vector<16xi32>
      tpu.vector_store_idx %arg6[%broadcast_in_dim3A_106], %broadcast_in_dim3A_109 : memref<12304xi32, #tpu.memory_space<vmem>>[vector<16xi32>], vector<16xi32>,
      %eq3A_110 = arith.cmpi eq, %min3A_102, %arg1 : i32
      %and3A_111 = arith.andi %gt3A_81, %eq3A_110 : i1
      %jit3A_112 = arith.constant 783 : i32
      %select_n3A_113 = arith.select %and3A_111, %while3A_70, %jit3A_112 : i32
      %broadcast_in_dim3A_114 = vector.broadcast %select_n3A_113 : i32 to vector<16xi32>
      %broadcast_in_dim3A_115 = vector.broadcast %while3A_65 : i32 to vector<16xi32>
      %broadcast_in_dim3A_116 = vector.broadcast %and3A_111 : i1 to vector<16xi1>
      tpu.vector_store_idx %arg14[%broadcast_in_dim3A_114], %broadcast_in_dim3A_115 masked %broadcast_in_dim3A_116 : memref<784xi32, #tpu.memory_space<vmem>>[vector<16xi32>], vector<16xi32>, vector<16xi1>
      %jit3A_117 = arith.constant 1 : i32
      %jit3A_118 = arith.constant 0 : i32
      %select_n3A_119 = arith.select %and3A_111, %jit3A_117, %jit3A_118 : i32
      %add3A_120 = arith.addi %while3A_70, %select_n3A_119 : i32
      %jit3A_121 = arith.constant 1 : i32
      %jit3A_122 = arith.constant 0 : i32
      %select_n3A_123 = arith.select %gt3A_81, %jit3A_121, %jit3A_122 : i32
      %add3A_124 = arith.addi %select_n3A_105, %select_n3A_123 : i32
      %add3A_125 = arith.addi %while3A_67, %select_n3A_79 : i32
      scf.yield %squeeze3A_74, %add3A_125, %min3A_102, %add3A_124, %add3A_120 : i32, i32, i32, i32, i32
    }
    %shift_left3A = arith.constant 1 : i32
    %shift_left3A_29 = vector.broadcast %shift_left3A : i32 to vector<16xi32>
    %shift_left3A_30 = arith.shli %shift_left3A_29, %iota3A : vector<16xi32>
    %shift_left3A_31 = arith.constant 16 : i32
    %shift_left3A_32 = vector.broadcast %shift_left3A_31 : i32 to vector<16xi32>
    %shift_left3A_33 = arith.shli %shift_left3A_30, %shift_left3A_32 : vector<16xi32>
    %while3A_34 = arith.constant 1 : i32
    %while3A_35 = arith.constant 0 : i32
    %while3A_36 = arith.constant 0 : i32
    %while3A_37 = arith.subi %while3A_28#4, %while3A_35 : i32
    %while3A_38 = arith.addi %while3A_35, %while3A_37 : i32
    %while3A_39 = arith.constant 1 : i32
    %while3A_40 = arith.divsi %while3A_37, %while3A_39 : i32
    %while3A_41 = arith.muli %while3A_40, %while3A_39 : i32
    %while3A_42 = arith.addi %while3A_35, %while3A_41 : i32
    %while3A_43 = arith.constant 1 : i32
    %while3A_44 = scf.for %while3A_65 = %while3A_35 to %while3A_42 step %while3A_43 iter_args(%while3A_66 = %while3A_36) -> (i32)  : i32 {
      %broadcast_in_dim3A_67 = vector.broadcast %while3A_65 : i32 to vector<16xi32>
      %gather3A_68 = tpu.vector_load_idx %arg14[%broadcast_in_dim3A_67] : memref<784xi32, #tpu.memory_space<vmem>>[vector<16xi32>], vector<16xi32>,
      %slice3A_69 = vector.extract_strided_slice %gather3A_68 {offsets = [0], sizes = [1], strides = [1]} : vector<16xi32> to vector<1xi32>
      %squeeze3A_70 = vector.extract %slice3A_69[0] : i32 from vector<1xi32>
      %sub3A_71 = arith.constant 1 : i32
      %sub3A_72 = arith.subi %squeeze3A_70, %sub3A_71 : i32
      %max3A_73 = arith.constant 0 : i32
      %max3A_74 = arith.maxsi %sub3A_72, %max3A_73 : i32
      %lt3A = arith.constant 1 : i32
      %lt3A_75 = vector.broadcast %lt3A : i32 to vector<16xi32>
      %lt3A_76 = arith.cmpi slt, %iota3A, %lt3A_75 : vector<16xi32>
      %broadcast_in_dim3A_77 = vector.broadcast %squeeze3A_70 : i32 to vector<16xi32>
      %broadcast_in_dim3A_78 = vector.broadcast %max3A_74 : i32 to vector<16xi32>
      %select_n3A_79 = arith.select %lt3A_76, %broadcast_in_dim3A_77, %broadcast_in_dim3A_78 : vector<16xi1>, vector<16xi32>
      %gather3A_80 = tpu.vector_load_idx %arg10[%select_n3A_79] : memref<12288xi32, #tpu.memory_space<vmem>>[vector<16xi32>], vector<16xi32>,
      %slice3A_81 = vector.extract_strided_slice %gather3A_80 {offsets = [0], sizes = [1], strides = [1]} : vector<16xi32> to vector<1xi32>
      %squeeze3A_82 = vector.extract %slice3A_81[0] : i32 from vector<1xi32>
      %eq3A = arith.constant 0 : i32
      %eq3A_83 = arith.cmpi eq, %squeeze3A_70, %eq3A : i32
      %slice3A_84 = vector.extract_strided_slice %gather3A_80 {offsets = [1], sizes = [1], strides = [1]} : vector<16xi32> to vector<1xi32>
      %squeeze3A_85 = vector.extract %slice3A_84[0] : i32 from vector<1xi32>
      %add3A_86 = arith.constant 1 : i32
      %add3A_87 = arith.addi %squeeze3A_85, %add3A_86 : i32
      %jit3A_88 = arith.constant 0 : i32
      %select_n3A_89 = arith.select %eq3A_83, %jit3A_88, %add3A_87 : i32
      %sub3A_90 = arith.subi %squeeze3A_82, %select_n3A_89 : i32
      %add3A_91 = arith.constant 511 : i32
      %add3A_92 = arith.addi %sub3A_90, %add3A_91 : i32
      %shift_right_arithmetic3A = arith.constant 9 : i32
      %shift_right_arithmetic3A_93 = arith.shrsi %add3A_92, %shift_right_arithmetic3A : i32
      %mul3A_94 = arith.constant 16 : i32
      %mul3A_95 = arith.muli %shift_right_arithmetic3A_93, %mul3A_94 : i32
      %mul3A_96 = arith.constant 100 : i32
      %mul3A_97 = arith.muli %mul3A_96, %shift_right_arithmetic3A_93 : i32
      %while3A_98 = arith.constant 0 : i32
      %while3A_99 = arith.constant 0 : i32
      %while3A_100 = arith.subi %mul3A_97, %while3A_98 : i32
      %while3A_101 = arith.addi %while3A_98, %while3A_100 : i32
      %while3A_102 = arith.constant 1 : i32
      %while3A_103 = arith.divsi %while3A_100, %while3A_102 : i32
      %while3A_104 = arith.muli %while3A_103, %while3A_102 : i32
      %while3A_105 = arith.addi %while3A_98, %while3A_104 : i32
      %while3A_106 = arith.constant 1 : i32
      %while3A_107 = scf.for %while3A_167 = %while3A_98 to %while3A_105 step %while3A_106 iter_args(%while3A_168 = %while3A_99) -> (i32)  : i32 {
        %broadcast_in_dim3A_169 = arith.constant 0 : i32
        %broadcast_in_dim3A_170 = vector.broadcast %broadcast_in_dim3A_169 : i32 to vector<16xi32>
        %mul3A_171 = arith.constant 16 : i32
        %mul3A_172 = arith.muli %while3A_167, %mul3A_171 : i32
        %swap3A = arith.index_cast %mul3A_172 : i32 to index
        %swap3A_173 = tpu.vector_load %arg11[%swap3A] {strides = array<i32>} : memref<38400xi32, #tpu.memory_space<vmem>>, vector<16xi32>,
        tpu.vector_store %arg11[%swap3A], %broadcast_in_dim3A_170 {strides = array<i32>} : memref<38400xi32, #tpu.memory_space<vmem>>, vector<16xi32>,
        %while3A_174 = arith.constant 0 : i32
        scf.yield %while3A_174 : i32
      }
      %while3A_108 = arith.constant 1 : i32
      %while3A_109 = scf.for %while3A_167 = %while3A_105 to %while3A_101 step %while3A_108 iter_args(%while3A_168 = %while3A_107) -> (i32)  : i32 {
        %broadcast_in_dim3A_169 = arith.constant 0 : i32
        %broadcast_in_dim3A_170 = vector.broadcast %broadcast_in_dim3A_169 : i32 to vector<16xi32>
        %mul3A_171 = arith.constant 16 : i32
        %mul3A_172 = arith.muli %while3A_167, %mul3A_171 : i32
        %swap3A = arith.index_cast %mul3A_172 : i32 to index
        %swap3A_173 = tpu.vector_load %arg11[%swap3A] {strides = array<i32>} : memref<38400xi32, #tpu.memory_space<vmem>>, vector<16xi32>,
        tpu.vector_store %arg11[%swap3A], %broadcast_in_dim3A_170 {strides = array<i32>} : memref<38400xi32, #tpu.memory_space<vmem>>, vector<16xi32>,
        %while3A_174 = arith.constant 0 : i32
        scf.yield %while3A_174 : i32
      }
      %while3A_110 = arith.constant 0 : i32
      %while3A_111 = arith.constant 0 : i32
      %while3A_112 = arith.subi %sub3A_90, %while3A_110 : i32
      %while3A_113 = arith.addi %while3A_110, %while3A_112 : i32
      %while3A_114 = arith.constant 1 : i32
      %while3A_115 = arith.divsi %while3A_112, %while3A_114 : i32
      %while3A_116 = arith.muli %while3A_115, %while3A_114 : i32
      %while3A_117 = arith.addi %while3A_110, %while3A_116 : i32
      %while3A_118 = arith.constant 1 : i32
      %while3A_119 = scf.for %while3A_167 = %while3A_110 to %while3A_117 step %while3A_118 iter_args(%while3A_168 = %while3A_111) -> (i32)  : i32 {
        %add3A_169 = arith.addi %select_n3A_89, %while3A_167 : i32
        %broadcast_in_dim3A_170 = vector.broadcast %add3A_169 : i32 to vector<16xi32>
        %gather3A_171 = tpu.vector_load_idx %arg7[%broadcast_in_dim3A_170] : memref<12304xi32, #tpu.memory_space<vmem>>[vector<16xi32>], vector<16xi32>,
        %shift_right_arithmetic3A_172 = arith.constant 5 : i32
        %shift_right_arithmetic3A_173 = arith.shrsi %while3A_167, %shift_right_arithmetic3A_172 : i32
        %and3A_174 = arith.constant 15 : i32
        %and3A_175 = arith.andi %shift_right_arithmetic3A_173, %and3A_174 : i32
        %shift_right_arithmetic3A_176 = arith.constant 9 : i32
        %shift_right_arithmetic3A_177 = arith.shrsi %while3A_167, %shift_right_arithmetic3A_176 : i32
        %shift_left3A_178 = arith.constant 4 : i32
        %shift_left3A_179 = arith.shli %shift_right_arithmetic3A_177, %shift_left3A_178 : i32
        %add3A_180 = arith.addi %and3A_175, %shift_left3A_179 : i32
        %mul3A_181 = vector.broadcast %mul3A_95 : i32 to vector<16xi32>
        %mul3A_182 = arith.muli %gather3A_171, %mul3A_181 : vector<16xi32>
        %add3A_183 = vector.broadcast %add3A_180 : i32 to vector<16xi32>
        %add3A_184 = arith.addi %mul3A_182, %add3A_183 : vector<16xi32>
        %gather3A_185 = tpu.vector_load_idx %arg11[%add3A_184] : memref<38400xi32, #tpu.memory_space<vmem>>[vector<16xi32>], vector<16xi32>,
        %and3A_186 = arith.constant 31 : i32
        %and3A_187 = arith.andi %while3A_167, %and3A_186 : i32
        %shift_left3A_188 = arith.shli %while3A_34, %and3A_187 : i32
        %or3A = vector.broadcast %shift_left3A_188 : i32 to vector<16xi32>
        %or3A_189 = arith.ori %gather3A_185, %or3A : vector<16xi32>
        tpu.vector_store_idx %arg11[%add3A_184], %or3A_189 : memref<38400xi32, #tpu.memory_space<vmem>>[vector<16xi32>], vector<16xi32>,
        %while3A_190 = arith.constant 0 : i32
        scf.yield %while3A_190 : i32
      }
      %while3A_120 = arith.constant 1 : i32
      %while3A_121 = scf.for %while3A_167 = %while3A_117 to %while3A_113 step %while3A_120 iter_args(%while3A_168 = %while3A_119) -> (i32)  : i32 {
        %add3A_169 = arith.addi %select_n3A_89, %while3A_167 : i32
        %broadcast_in_dim3A_170 = vector.broadcast %add3A_169 : i32 to vector<16xi32>
        %gather3A_171 = tpu.vector_load_idx %arg7[%broadcast_in_dim3A_170] : memref<12304xi32, #tpu.memory_space<vmem>>[vector<16xi32>], vector<16xi32>,
        %shift_right_arithmetic3A_172 = arith.constant 5 : i32
        %shift_right_arithmetic3A_173 = arith.shrsi %while3A_167, %shift_right_arithmetic3A_172 : i32
        %and3A_174 = arith.constant 15 : i32
        %and3A_175 = arith.andi %shift_right_arithmetic3A_173, %and3A_174 : i32
        %shift_right_arithmetic3A_176 = arith.constant 9 : i32
        %shift_right_arithmetic3A_177 = arith.shrsi %while3A_167, %shift_right_arithmetic3A_176 : i32
        %shift_left3A_178 = arith.constant 4 : i32
        %shift_left3A_179 = arith.shli %shift_right_arithmetic3A_177, %shift_left3A_178 : i32
        %add3A_180 = arith.addi %and3A_175, %shift_left3A_179 : i32
        %mul3A_181 = vector.broadcast %mul3A_95 : i32 to vector<16xi32>
        %mul3A_182 = arith.muli %gather3A_171, %mul3A_181 : vector<16xi32>
        %add3A_183 = vector.broadcast %add3A_180 : i32 to vector<16xi32>
        %add3A_184 = arith.addi %mul3A_182, %add3A_183 : vector<16xi32>
        %gather3A_185 = tpu.vector_load_idx %arg11[%add3A_184] : memref<38400xi32, #tpu.memory_space<vmem>>[vector<16xi32>], vector<16xi32>,
        %and3A_186 = arith.constant 31 : i32
        %and3A_187 = arith.andi %while3A_167, %and3A_186 : i32
        %shift_left3A_188 = arith.shli %while3A_34, %and3A_187 : i32
        %or3A = vector.broadcast %shift_left3A_188 : i32 to vector<16xi32>
        %or3A_189 = arith.ori %gather3A_185, %or3A : vector<16xi32>
        tpu.vector_store_idx %arg11[%add3A_184], %or3A_189 : memref<38400xi32, #tpu.memory_space<vmem>>[vector<16xi32>], vector<16xi32>,
        %while3A_190 = arith.constant 0 : i32
        scf.yield %while3A_190 : i32
      }
      %while3A_122 = arith.constant 0 : i32
      %while3A_123 = arith.constant 0 : i32
      %while3A_124 = arith.subi %shift_right_arithmetic3A_93, %while3A_122 : i32
      %while3A_125 = arith.addi %while3A_122, %while3A_124 : i32
      %while3A_126 = arith.constant 1 : i32
      %while3A_127 = arith.divsi %while3A_124, %while3A_126 : i32
      %while3A_128 = arith.muli %while3A_127, %while3A_126 : i32
      %while3A_129 = arith.addi %while3A_122, %while3A_128 : i32
      %while3A_130 = arith.constant 1 : i32
      %while3A_131 = scf.for %while3A_167 = %while3A_122 to %while3A_129 step %while3A_130 iter_args(%while3A_168 = %while3A_123) -> (i32)  : i32 {
        %mul3A_169 = arith.constant 512 : i32
        %mul3A_170 = arith.muli %while3A_167, %mul3A_169 : i32
        %mul3A_171 = arith.constant 32 : i32
        %mul3A_172 = vector.broadcast %mul3A_171 : i32 to vector<16xi32>
        %mul3A_173 = arith.muli %iota3A, %mul3A_172 : vector<16xi32>
        %add3A_174 = vector.broadcast %mul3A_170 : i32 to vector<16xi32>
        %add3A_175 = arith.addi %add3A_174, %mul3A_173 : vector<16xi32>
        %sub3A_176 = vector.broadcast %sub3A_90 : i32 to vector<16xi32>
        %sub3A_177 = arith.subi %sub3A_176, %add3A_175 : vector<16xi32>
        %jit3A_178 = arith.constant 0 : i32
        %jit3A_179 = arith.constant 32 : i32
        %max3A_180 = vector.broadcast %jit3A_178 : i32 to vector<16xi32>
        %max3A_181 = arith.maxsi %max3A_180, %sub3A_177 : vector<16xi32>
        %min3A = vector.broadcast %jit3A_179 : i32 to vector<16xi32>
        %min3A_182 = arith.minsi %min3A, %max3A_181 : vector<16xi32>
        %min3A_183 = arith.constant 31 : i32
        %min3A_184 = vector.broadcast %min3A_183 : i32 to vector<16xi32>
        %min3A_185 = arith.minsi %min3A_182, %min3A_184 : vector<16xi32>
        %ge3A = arith.constant 32 : i32
        %ge3A_186 = vector.broadcast %ge3A : i32 to vector<16xi32>
        %ge3A_187 = arith.cmpi sge, %min3A_182, %ge3A_186 : vector<16xi32>
        %le3A = arith.constant 0 : i32
        %le3A_188 = vector.broadcast %le3A : i32 to vector<16xi32>
        %le3A_189 = arith.cmpi sle, %min3A_182, %le3A_188 : vector<16xi32>
        %shift_left3A_190 = vector.broadcast %while3A_34 : i32 to vector<16xi32>
        %shift_left3A_191 = arith.shli %shift_left3A_190, %min3A_185 : vector<16xi32>
        %sub3A_192 = arith.constant 1 : i32
        %sub3A_193 = vector.broadcast %sub3A_192 : i32 to vector<16xi32>
        %sub3A_194 = arith.subi %shift_left3A_191, %sub3A_193 : vector<16xi32>
        %jit3A_195 = arith.constant 0 : i32
        %broadcast_in_dim3A_196 = vector.broadcast %jit3A_195 : i32 to vector<16xi32>
        %select_n3A_197 = arith.select %le3A_189, %broadcast_in_dim3A_196, %sub3A_194 : vector<16xi1>, vector<16xi32>
        %jit3A_198 = arith.constant -1 : i32
        %broadcast_in_dim3A_199 = vector.broadcast %jit3A_198 : i32 to vector<16xi32>
        %select_n3A_200 = arith.select %ge3A_187, %broadcast_in_dim3A_199, %select_n3A_197 : vector<16xi1>, vector<16xi32>
        %mul3A_201 = arith.constant 16 : i32
        %mul3A_202 = arith.muli %while3A_167, %mul3A_201 : i32
        %swap3A = arith.index_cast %mul3A_202 : i32 to index
        %swap3A_203 = tpu.vector_load %arg12[%swap3A] {strides = array<i32>} : memref<384xi32, #tpu.memory_space<vmem>>, vector<16xi32>,
        tpu.vector_store %arg12[%swap3A], %select_n3A_200 {strides = array<i32>} : memref<384xi32, #tpu.memory_space<vmem>>, vector<16xi32>,
        %broadcast_in_dim3A_204 = arith.constant 0 : i32
        %broadcast_in_dim3A_205 = vector.broadcast %broadcast_in_dim3A_204 : i32 to vector<16xi32>
        %mul3A_206 = arith.constant 16 : i32
        %mul3A_207 = arith.muli %while3A_167, %mul3A_206 : i32
        %swap3A_208 = arith.index_cast %mul3A_207 : i32 to index
        %swap3A_209 = tpu.vector_load %arg13[%swap3A_208] {strides = array<i32>} : memref<384xi32, #tpu.memory_space<vmem>>, vector<16xi32>,
        tpu.vector_store %arg13[%swap3A_208], %broadcast_in_dim3A_205 {strides = array<i32>} : memref<384xi32, #tpu.memory_space<vmem>>, vector<16xi32>,
        %while3A_210 = arith.constant 0 : i32
        scf.yield %while3A_210 : i32
      }
      %while3A_132 = arith.constant 1 : i32
      %while3A_133 = scf.for %while3A_167 = %while3A_129 to %while3A_125 step %while3A_132 iter_args(%while3A_168 = %while3A_131) -> (i32)  : i32 {
        %mul3A_169 = arith.constant 512 : i32
        %mul3A_170 = arith.muli %while3A_167, %mul3A_169 : i32
        %mul3A_171 = arith.constant 32 : i32
        %mul3A_172 = vector.broadcast %mul3A_171 : i32 to vector<16xi32>
        %mul3A_173 = arith.muli %iota3A, %mul3A_172 : vector<16xi32>
        %add3A_174 = vector.broadcast %mul3A_170 : i32 to vector<16xi32>
        %add3A_175 = arith.addi %add3A_174, %mul3A_173 : vector<16xi32>
        %sub3A_176 = vector.broadcast %sub3A_90 : i32 to vector<16xi32>
        %sub3A_177 = arith.subi %sub3A_176, %add3A_175 : vector<16xi32>
        %jit3A_178 = arith.constant 0 : i32
        %jit3A_179 = arith.constant 32 : i32
        %max3A_180 = vector.broadcast %jit3A_178 : i32 to vector<16xi32>
        %max3A_181 = arith.maxsi %max3A_180, %sub3A_177 : vector<16xi32>
        %min3A = vector.broadcast %jit3A_179 : i32 to vector<16xi32>
        %min3A_182 = arith.minsi %min3A, %max3A_181 : vector<16xi32>
        %min3A_183 = arith.constant 31 : i32
        %min3A_184 = vector.broadcast %min3A_183 : i32 to vector<16xi32>
        %min3A_185 = arith.minsi %min3A_182, %min3A_184 : vector<16xi32>
        %ge3A = arith.constant 32 : i32
        %ge3A_186 = vector.broadcast %ge3A : i32 to vector<16xi32>
        %ge3A_187 = arith.cmpi sge, %min3A_182, %ge3A_186 : vector<16xi32>
        %le3A = arith.constant 0 : i32
        %le3A_188 = vector.broadcast %le3A : i32 to vector<16xi32>
        %le3A_189 = arith.cmpi sle, %min3A_182, %le3A_188 : vector<16xi32>
        %shift_left3A_190 = vector.broadcast %while3A_34 : i32 to vector<16xi32>
        %shift_left3A_191 = arith.shli %shift_left3A_190, %min3A_185 : vector<16xi32>
        %sub3A_192 = arith.constant 1 : i32
        %sub3A_193 = vector.broadcast %sub3A_192 : i32 to vector<16xi32>
        %sub3A_194 = arith.subi %shift_left3A_191, %sub3A_193 : vector<16xi32>
        %jit3A_195 = arith.constant 0 : i32
        %broadcast_in_dim3A_196 = vector.broadcast %jit3A_195 : i32 to vector<16xi32>
        %select_n3A_197 = arith.select %le3A_189, %broadcast_in_dim3A_196, %sub3A_194 : vector<16xi1>, vector<16xi32>
        %jit3A_198 = arith.constant -1 : i32
        %broadcast_in_dim3A_199 = vector.broadcast %jit3A_198 : i32 to vector<16xi32>
        %select_n3A_200 = arith.select %ge3A_187, %broadcast_in_dim3A_199, %select_n3A_197 : vector<16xi1>, vector<16xi32>
        %mul3A_201 = arith.constant 16 : i32
        %mul3A_202 = arith.muli %while3A_167, %mul3A_201 : i32
        %swap3A = arith.index_cast %mul3A_202 : i32 to index
        %swap3A_203 = tpu.vector_load %arg12[%swap3A] {strides = array<i32>} : memref<384xi32, #tpu.memory_space<vmem>>, vector<16xi32>,
        tpu.vector_store %arg12[%swap3A], %select_n3A_200 {strides = array<i32>} : memref<384xi32, #tpu.memory_space<vmem>>, vector<16xi32>,
        %broadcast_in_dim3A_204 = arith.constant 0 : i32
        %broadcast_in_dim3A_205 = vector.broadcast %broadcast_in_dim3A_204 : i32 to vector<16xi32>
        %mul3A_206 = arith.constant 16 : i32
        %mul3A_207 = arith.muli %while3A_167, %mul3A_206 : i32
        %swap3A_208 = arith.index_cast %mul3A_207 : i32 to index
        %swap3A_209 = tpu.vector_load %arg13[%swap3A_208] {strides = array<i32>} : memref<384xi32, #tpu.memory_space<vmem>>, vector<16xi32>,
        tpu.vector_store %arg13[%swap3A_208], %broadcast_in_dim3A_205 {strides = array<i32>} : memref<384xi32, #tpu.memory_space<vmem>>, vector<16xi32>,
        %while3A_210 = arith.constant 0 : i32
        scf.yield %while3A_210 : i32
      }
      %sub3A_134 = arith.constant 1 : i32
      %sub3A_135 = arith.subi %sub3A_90, %sub3A_134 : i32
      %shift_right_arithmetic3A_136 = arith.constant 9 : i32
      %shift_right_arithmetic3A_137 = arith.shrsi %sub3A_135, %shift_right_arithmetic3A_136 : i32
      %shift_right_arithmetic3A_138 = arith.constant 5 : i32
      %shift_right_arithmetic3A_139 = arith.shrsi %sub3A_135, %shift_right_arithmetic3A_138 : i32
      %and3A = arith.constant 15 : i32
      %and3A_140 = arith.andi %shift_right_arithmetic3A_139, %and3A : i32
      %eq3A_141 = vector.broadcast %and3A_140 : i32 to vector<16xi32>
      %eq3A_142 = arith.cmpi eq, %iota3A, %eq3A_141 : vector<16xi32>
      %and3A_143 = arith.constant 31 : i32
      %and3A_144 = arith.andi %sub3A_135, %and3A_143 : i32
      %shift_left3A_145 = arith.shli %while3A_34, %and3A_144 : i32
      %jit3A_146 = arith.constant 0 : i32
      %broadcast_in_dim3A_147 = vector.broadcast %shift_left3A_145 : i32 to vector<16xi32>
      %broadcast_in_dim3A_148 = vector.broadcast %jit3A_146 : i32 to vector<16xi32>
      %select_n3A_149 = arith.select %eq3A_142, %broadcast_in_dim3A_147, %broadcast_in_dim3A_148 : vector<16xi1>, vector<16xi32>
      %sub3A_150 = arith.constant 1 : i32
      %sub3A_151 = vector.broadcast %sub3A_150 : i32 to vector<16xi32>
      %sub3A_152 = arith.subi %iota3A, %sub3A_151 : vector<16xi32>
      %max3A_153 = arith.constant 0 : i32
      %max3A_154 = vector.broadcast %max3A_153 : i32 to vector<16xi32>
      %max3A_155 = arith.maxsi %sub3A_152, %max3A_154 : vector<16xi32>
      %eq3A_156 = arith.constant 0 : i32
      %eq3A_157 = vector.broadcast %eq3A_156 : i32 to vector<16xi32>
      %eq3A_158 = arith.cmpi eq, %iota3A, %eq3A_157 : vector<16xi32>
      %eq3A_159 = arith.constant 1 : i32
      %eq3A_160 = arith.cmpi eq, %shift_right_arithmetic3A_93, %eq3A_159 : i32
      %convert_element_type3A = arith.extui %eq3A_160 : i1 to i32
      %cond3A = arith.constant 0 : i32
      %cond3A_161 = arith.constant 0 : i32
      %cond3A_162 = arith.cmpi ne, %convert_element_type3A, %cond3A_161 : i32
      %cond3A_163 = scf.if %cond3A_162 -> (i32) {
        %get3A = arith.constant 0 : index
        %get3A_167 = tpu.vector_load %arg12[%get3A] {strides = array<i32>} : memref<384xi32, #tpu.memory_space<vmem>>, vector<16xi32>,
        %broadcast_in_dim3A_168 = arith.constant 0 : i32
        %broadcast_in_dim3A_169 = vector.broadcast %broadcast_in_dim3A_168 : i32 to vector<16xi32>
        %while3A_170 = arith.constant 0 : i32
        %while3A_171 = arith.subi %sub3A_90, %while3A_170 : i32
        %while3A_172 = arith.addi %while3A_170, %while3A_171 : i32
        %while3A_173 = arith.constant 1 : i32
        %while3A_174 = arith.divsi %while3A_171, %while3A_173 : i32
        %while3A_175 = arith.muli %while3A_174, %while3A_173 : i32
        %while3A_176 = arith.addi %while3A_170, %while3A_175 : i32
        %while3A_177 = arith.constant 1 : i32
        %while3A_178:3 = scf.for %while3A_186 = %while3A_170 to %while3A_176 step %while3A_177 iter_args(%while3A_187 = %get3A_167, %while3A_188 = %broadcast_in_dim3A_169, %while3A_189 = %broadcast_in_dim3A_169) -> (vector<16xi32>, vector<16xi32>, vector<16xi32>)  : i32 {
          %add3A_190 = arith.addi %select_n3A_89, %while3A_186 : i32
          %broadcast_in_dim3A_191 = vector.broadcast %add3A_190 : i32 to vector<16xi32>
          %gather3A_192 = tpu.vector_load_idx %arg8[%broadcast_in_dim3A_191] : memref<12304xi32, #tpu.memory_space<vmem>>[vector<16xi32>], vector<16xi32>,
          %mul3A_193 = arith.constant 16 : i32
          %mul3A_194 = vector.broadcast %mul3A_193 : i32 to vector<16xi32>
          %mul3A_195 = arith.muli %gather3A_192, %mul3A_194 : vector<16xi32>
          %add3A_196 = arith.addi %mul3A_195, %iota3A : vector<16xi32>
          %gather3A_197 = tpu.vector_load_idx %arg11[%add3A_196] : memref<38400xi32, #tpu.memory_space<vmem>>[vector<16xi32>], vector<16xi32>,
          %and3A_198 = arith.andi %gather3A_197, %while3A_187 : vector<16xi32>
          %add3A_199 = arith.addi %and3A_198, %while3A_187 : vector<16xi32>
          %and3A_200 = arith.andi %and3A_198, %while3A_187 : vector<16xi32>
          %or3A = arith.ori %and3A_198, %while3A_187 : vector<16xi32>
          %not3A = arith.constant dense<-1> : vector<16xi32>
          %not3A_201 = arith.xori %add3A_199, %not3A : vector<16xi32>
          %and3A_202 = arith.andi %or3A, %not3A_201 : vector<16xi32>
          %or3A_203 = arith.ori %and3A_200, %and3A_202 : vector<16xi32>
          %lt3A_204 = arith.constant 0 : i32
          %lt3A_205 = vector.broadcast %lt3A_204 : i32 to vector<16xi32>
          %lt3A_206 = arith.cmpi slt, %or3A_203, %lt3A_205 : vector<16xi32>
          %jit3A_207 = arith.constant 0 : i32
          %broadcast_in_dim3A_208 = vector.broadcast %jit3A_207 : i32 to vector<16xi32>
          %select_n3A_209 = arith.select %lt3A_206, %shift_left3A_30, %broadcast_in_dim3A_208 : vector<16xi1>, vector<16xi32>
          %eq3A_210 = arith.constant -1 : i32
          %eq3A_211 = vector.broadcast %eq3A_210 : i32 to vector<16xi32>
          %eq3A_212 = arith.cmpi eq, %add3A_199, %eq3A_211 : vector<16xi32>
          %jit3A_213 = arith.constant 0 : i32
          %broadcast_in_dim3A_214 = vector.broadcast %jit3A_213 : i32 to vector<16xi32>
          %select_n3A_215 = arith.select %eq3A_212, %shift_left3A_33, %broadcast_in_dim3A_214 : vector<16xi1>, vector<16xi32>
          %or3A_216 = arith.ori %select_n3A_209, %select_n3A_215 : vector<16xi32>
          %broadcast_in_dim3A_217 = arith.constant true
          %broadcast_in_dim3A_218 = vector.broadcast %broadcast_in_dim3A_217 : i1 to vector<16xi1>
          %masked_cumsum3A_219 = tpu.scan <sum>, %or3A_216 masked %broadcast_in_dim3A_218 : vector<16xi32>, vector<16xi1> -> vector<16xi32>
          %sub3A_220 = arith.subi %masked_cumsum3A_219, %or3A_216 : vector<16xi32>
          %and3A_221 = arith.constant 65535 : i32
          %and3A_222 = vector.broadcast %and3A_221 : i32 to vector<16xi32>
          %and3A_223 = arith.andi %sub3A_220, %and3A_222 : vector<16xi32>
          %shift_right_logical3A = arith.constant 16 : i32
          %shift_right_logical3A_224 = vector.broadcast %shift_right_logical3A : i32 to vector<16xi32>
          %shift_right_logical3A_225 = arith.shrui %sub3A_220, %shift_right_logical3A_224 : vector<16xi32>
          %or3A_226 = arith.ori %and3A_223, %shift_right_logical3A_225 : vector<16xi32>
          %add3A_227 = arith.addi %or3A_226, %and3A_223 : vector<16xi32>
          %xor3A = arith.xori %add3A_227, %or3A_226 : vector<16xi32>
          %xor3A_228 = arith.xori %xor3A, %and3A_223 : vector<16xi32>
          %shift_right_logical3A_229 = arith.shrui %xor3A_228, %iota3A : vector<16xi32>
          %and3A_230 = arith.constant 1 : i32
          %and3A_231 = vector.broadcast %and3A_230 : i32 to vector<16xi32>
          %and3A_232 = arith.andi %shift_right_logical3A_229, %and3A_231 : vector<16xi32>
          %add3A_233 = arith.addi %add3A_199, %and3A_232 : vector<16xi32>
          %xor3A_234 = arith.xori %add3A_233, %while3A_187 : vector<16xi32>
          %or3A_235 = arith.ori %xor3A_234, %gather3A_197 : vector<16xi32>
          %or3A_236 = arith.ori %or3A_235, %while3A_188 : vector<16xi32>
          %or3A_237 = arith.ori %or3A_236, %while3A_187 : vector<16xi32>
          %not3A_238 = arith.constant dense<-1> : vector<16xi32>
          %not3A_239 = arith.xori %or3A_237, %not3A_238 : vector<16xi32>
          %or3A_240 = arith.ori %while3A_188, %not3A_239 : vector<16xi32>
          %and3A_241 = arith.andi %while3A_187, %or3A_236 : vector<16xi32>
          %and3A_242 = arith.andi %or3A_240, %select_n3A_149 : vector<16xi32>
          %ne3A = arith.constant 0 : i32
          %ne3A_243 = vector.broadcast %ne3A : i32 to vector<16xi32>
          %ne3A_244 = arith.cmpi ne, %and3A_242, %ne3A_243 : vector<16xi32>
          %jit3A_245 = arith.constant 0 : i32
          %broadcast_in_dim3A_246 = vector.broadcast %while3A_34 : i32 to vector<16xi32>
          %broadcast_in_dim3A_247 = vector.broadcast %jit3A_245 : i32 to vector<16xi32>
          %select_n3A_248 = arith.select %ne3A_244, %broadcast_in_dim3A_246, %broadcast_in_dim3A_247 : vector<16xi1>, vector<16xi32>
          %add3A_249 = arith.addi %while3A_189, %select_n3A_248 : vector<16xi32>
          %and3A_250 = arith.andi %and3A_241, %select_n3A_149 : vector<16xi32>
          %ne3A_251 = arith.constant 0 : i32
          %ne3A_252 = vector.broadcast %ne3A_251 : i32 to vector<16xi32>
          %ne3A_253 = arith.cmpi ne, %and3A_250, %ne3A_252 : vector<16xi32>
          %jit3A_254 = arith.constant 0 : i32
          %broadcast_in_dim3A_255 = vector.broadcast %while3A_34 : i32 to vector<16xi32>
          %broadcast_in_dim3A_256 = vector.broadcast %jit3A_254 : i32 to vector<16xi32>
          %select_n3A_257 = arith.select %ne3A_253, %broadcast_in_dim3A_255, %broadcast_in_dim3A_256 : vector<16xi1>, vector<16xi32>
          %sub3A_258 = arith.subi %add3A_249, %select_n3A_257 : vector<16xi32>
          %lt3A_259 = arith.constant 0 : i32
          %lt3A_260 = vector.broadcast %lt3A_259 : i32 to vector<16xi32>
          %lt3A_261 = arith.cmpi slt, %or3A_240, %lt3A_260 : vector<16xi32>
          %jit3A_262 = arith.constant 0 : i32
          %broadcast_in_dim3A_263 = vector.broadcast %jit3A_262 : i32 to vector<16xi32>
          %select_n3A_264 = arith.select %lt3A_261, %shift_left3A_30, %broadcast_in_dim3A_263 : vector<16xi1>, vector<16xi32>
          %lt3A_265 = arith.constant 0 : i32
          %lt3A_266 = vector.broadcast %lt3A_265 : i32 to vector<16xi32>
          %lt3A_267 = arith.cmpi slt, %and3A_241, %lt3A_266 : vector<16xi32>
          %jit3A_268 = arith.constant 0 : i32
          %broadcast_in_dim3A_269 = vector.broadcast %jit3A_268 : i32 to vector<16xi32>
          %select_n3A_270 = arith.select %lt3A_267, %shift_left3A_33, %broadcast_in_dim3A_269 : vector<16xi1>, vector<16xi32>
          %or3A_271 = arith.ori %select_n3A_264, %select_n3A_270 : vector<16xi32>
          %broadcast_in_dim3A_272 = arith.constant true
          %broadcast_in_dim3A_273 = vector.broadcast %broadcast_in_dim3A_272 : i1 to vector<16xi1>
          %masked_cumsum3A_274 = tpu.scan <sum>, %or3A_271 masked %broadcast_in_dim3A_273 : vector<16xi32>, vector<16xi1> -> vector<16xi32>
          %sub3A_275 = arith.subi %masked_cumsum3A_274, %or3A_271 : vector<16xi32>
          %and3A_276 = arith.constant 65535 : i32
          %and3A_277 = vector.broadcast %and3A_276 : i32 to vector<16xi32>
          %and3A_278 = arith.andi %sub3A_275, %and3A_277 : vector<16xi32>
          %shift_right_logical3A_279 = arith.shrui %and3A_278, %max3A_155 : vector<16xi32>
          %and3A_280 = arith.constant 1 : i32
          %and3A_281 = vector.broadcast %and3A_280 : i32 to vector<16xi32>
          %and3A_282 = arith.andi %shift_right_logical3A_279, %and3A_281 : vector<16xi32>
          %broadcast_in_dim3A_283 = vector.broadcast %while3A_34 : i32 to vector<16xi32>
          %select_n3A_284 = arith.select %eq3A_158, %broadcast_in_dim3A_283, %and3A_282 : vector<16xi1>, vector<16xi32>
          %shift_right_logical3A_285 = arith.constant 16 : i32
          %shift_right_logical3A_286 = vector.broadcast %shift_right_logical3A_285 : i32 to vector<16xi32>
          %shift_right_logical3A_287 = arith.shrui %sub3A_275, %shift_right_logical3A_286 : vector<16xi32>
          %shift_right_logical3A_288 = arith.shrui %shift_right_logical3A_287, %max3A_155 : vector<16xi32>
          %and3A_289 = arith.constant 1 : i32
          %and3A_290 = vector.broadcast %and3A_289 : i32 to vector<16xi32>
          %and3A_291 = arith.andi %shift_right_logical3A_288, %and3A_290 : vector<16xi32>
          %shift_left3A_292 = arith.constant 1 : i32
          %shift_left3A_293 = vector.broadcast %shift_left3A_292 : i32 to vector<16xi32>
          %shift_left3A_294 = arith.shli %or3A_240, %shift_left3A_293 : vector<16xi32>
          %or3A_295 = arith.ori %shift_left3A_294, %select_n3A_284 : vector<16xi32>
          %shift_left3A_296 = arith.constant 1 : i32
          %shift_left3A_297 = vector.broadcast %shift_left3A_296 : i32 to vector<16xi32>
          %shift_left3A_298 = arith.shli %and3A_241, %shift_left3A_297 : vector<16xi32>
          %or3A_299 = arith.ori %shift_left3A_298, %and3A_291 : vector<16xi32>
          %or3A_300 = arith.ori %or3A_236, %or3A_295 : vector<16xi32>
          %not3A_301 = arith.constant dense<-1> : vector<16xi32>
          %not3A_302 = arith.xori %or3A_300, %not3A_301 : vector<16xi32>
          %or3A_303 = arith.ori %or3A_299, %not3A_302 : vector<16xi32>
          %and3A_304 = arith.andi %or3A_295, %or3A_236 : vector<16xi32>
          scf.yield %or3A_303, %and3A_304, %sub3A_258 : vector<16xi32>, vector<16xi32>, vector<16xi32>
        }
        %while3A_179 = arith.constant 1 : i32
        %while3A_180:3 = scf.for %while3A_186 = %while3A_176 to %while3A_172 step %while3A_179 iter_args(%while3A_187 = %while3A_178#0, %while3A_188 = %while3A_178#1, %while3A_189 = %while3A_178#2) -> (vector<16xi32>, vector<16xi32>, vector<16xi32>)  : i32 {
          %add3A_190 = arith.addi %select_n3A_89, %while3A_186 : i32
          %broadcast_in_dim3A_191 = vector.broadcast %add3A_190 : i32 to vector<16xi32>
          %gather3A_192 = tpu.vector_load_idx %arg8[%broadcast_in_dim3A_191] : memref<12304xi32, #tpu.memory_space<vmem>>[vector<16xi32>], vector<16xi32>,
          %mul3A_193 = arith.constant 16 : i32
          %mul3A_194 = vector.broadcast %mul3A_193 : i32 to vector<16xi32>
          %mul3A_195 = arith.muli %gather3A_192, %mul3A_194 : vector<16xi32>
          %add3A_196 = arith.addi %mul3A_195, %iota3A : vector<16xi32>
          %gather3A_197 = tpu.vector_load_idx %arg11[%add3A_196] : memref<38400xi32, #tpu.memory_space<vmem>>[vector<16xi32>], vector<16xi32>,
          %and3A_198 = arith.andi %gather3A_197, %while3A_187 : vector<16xi32>
          %add3A_199 = arith.addi %and3A_198, %while3A_187 : vector<16xi32>
          %and3A_200 = arith.andi %and3A_198, %while3A_187 : vector<16xi32>
          %or3A = arith.ori %and3A_198, %while3A_187 : vector<16xi32>
          %not3A = arith.constant dense<-1> : vector<16xi32>
          %not3A_201 = arith.xori %add3A_199, %not3A : vector<16xi32>
          %and3A_202 = arith.andi %or3A, %not3A_201 : vector<16xi32>
          %or3A_203 = arith.ori %and3A_200, %and3A_202 : vector<16xi32>
          %lt3A_204 = arith.constant 0 : i32
          %lt3A_205 = vector.broadcast %lt3A_204 : i32 to vector<16xi32>
          %lt3A_206 = arith.cmpi slt, %or3A_203, %lt3A_205 : vector<16xi32>
          %jit3A_207 = arith.constant 0 : i32
          %broadcast_in_dim3A_208 = vector.broadcast %jit3A_207 : i32 to vector<16xi32>
          %select_n3A_209 = arith.select %lt3A_206, %shift_left3A_30, %broadcast_in_dim3A_208 : vector<16xi1>, vector<16xi32>
          %eq3A_210 = arith.constant -1 : i32
          %eq3A_211 = vector.broadcast %eq3A_210 : i32 to vector<16xi32>
          %eq3A_212 = arith.cmpi eq, %add3A_199, %eq3A_211 : vector<16xi32>
          %jit3A_213 = arith.constant 0 : i32
          %broadcast_in_dim3A_214 = vector.broadcast %jit3A_213 : i32 to vector<16xi32>
          %select_n3A_215 = arith.select %eq3A_212, %shift_left3A_33, %broadcast_in_dim3A_214 : vector<16xi1>, vector<16xi32>
          %or3A_216 = arith.ori %select_n3A_209, %select_n3A_215 : vector<16xi32>
          %broadcast_in_dim3A_217 = arith.constant true
          %broadcast_in_dim3A_218 = vector.broadcast %broadcast_in_dim3A_217 : i1 to vector<16xi1>
          %masked_cumsum3A_219 = tpu.scan <sum>, %or3A_216 masked %broadcast_in_dim3A_218 : vector<16xi32>, vector<16xi1> -> vector<16xi32>
          %sub3A_220 = arith.subi %masked_cumsum3A_219, %or3A_216 : vector<16xi32>
          %and3A_221 = arith.constant 65535 : i32
          %and3A_222 = vector.broadcast %and3A_221 : i32 to vector<16xi32>
          %and3A_223 = arith.andi %sub3A_220, %and3A_222 : vector<16xi32>
          %shift_right_logical3A = arith.constant 16 : i32
          %shift_right_logical3A_224 = vector.broadcast %shift_right_logical3A : i32 to vector<16xi32>
          %shift_right_logical3A_225 = arith.shrui %sub3A_220, %shift_right_logical3A_224 : vector<16xi32>
          %or3A_226 = arith.ori %and3A_223, %shift_right_logical3A_225 : vector<16xi32>
          %add3A_227 = arith.addi %or3A_226, %and3A_223 : vector<16xi32>
          %xor3A = arith.xori %add3A_227, %or3A_226 : vector<16xi32>
          %xor3A_228 = arith.xori %xor3A, %and3A_223 : vector<16xi32>
          %shift_right_logical3A_229 = arith.shrui %xor3A_228, %iota3A : vector<16xi32>
          %and3A_230 = arith.constant 1 : i32
          %and3A_231 = vector.broadcast %and3A_230 : i32 to vector<16xi32>
          %and3A_232 = arith.andi %shift_right_logical3A_229, %and3A_231 : vector<16xi32>
          %add3A_233 = arith.addi %add3A_199, %and3A_232 : vector<16xi32>
          %xor3A_234 = arith.xori %add3A_233, %while3A_187 : vector<16xi32>
          %or3A_235 = arith.ori %xor3A_234, %gather3A_197 : vector<16xi32>
          %or3A_236 = arith.ori %or3A_235, %while3A_188 : vector<16xi32>
          %or3A_237 = arith.ori %or3A_236, %while3A_187 : vector<16xi32>
          %not3A_238 = arith.constant dense<-1> : vector<16xi32>
          %not3A_239 = arith.xori %or3A_237, %not3A_238 : vector<16xi32>
          %or3A_240 = arith.ori %while3A_188, %not3A_239 : vector<16xi32>
          %and3A_241 = arith.andi %while3A_187, %or3A_236 : vector<16xi32>
          %and3A_242 = arith.andi %or3A_240, %select_n3A_149 : vector<16xi32>
          %ne3A = arith.constant 0 : i32
          %ne3A_243 = vector.broadcast %ne3A : i32 to vector<16xi32>
          %ne3A_244 = arith.cmpi ne, %and3A_242, %ne3A_243 : vector<16xi32>
          %jit3A_245 = arith.constant 0 : i32
          %broadcast_in_dim3A_246 = vector.broadcast %while3A_34 : i32 to vector<16xi32>
          %broadcast_in_dim3A_247 = vector.broadcast %jit3A_245 : i32 to vector<16xi32>
          %select_n3A_248 = arith.select %ne3A_244, %broadcast_in_dim3A_246, %broadcast_in_dim3A_247 : vector<16xi1>, vector<16xi32>
          %add3A_249 = arith.addi %while3A_189, %select_n3A_248 : vector<16xi32>
          %and3A_250 = arith.andi %and3A_241, %select_n3A_149 : vector<16xi32>
          %ne3A_251 = arith.constant 0 : i32
          %ne3A_252 = vector.broadcast %ne3A_251 : i32 to vector<16xi32>
          %ne3A_253 = arith.cmpi ne, %and3A_250, %ne3A_252 : vector<16xi32>
          %jit3A_254 = arith.constant 0 : i32
          %broadcast_in_dim3A_255 = vector.broadcast %while3A_34 : i32 to vector<16xi32>
          %broadcast_in_dim3A_256 = vector.broadcast %jit3A_254 : i32 to vector<16xi32>
          %select_n3A_257 = arith.select %ne3A_253, %broadcast_in_dim3A_255, %broadcast_in_dim3A_256 : vector<16xi1>, vector<16xi32>
          %sub3A_258 = arith.subi %add3A_249, %select_n3A_257 : vector<16xi32>
          %lt3A_259 = arith.constant 0 : i32
          %lt3A_260 = vector.broadcast %lt3A_259 : i32 to vector<16xi32>
          %lt3A_261 = arith.cmpi slt, %or3A_240, %lt3A_260 : vector<16xi32>
          %jit3A_262 = arith.constant 0 : i32
          %broadcast_in_dim3A_263 = vector.broadcast %jit3A_262 : i32 to vector<16xi32>
          %select_n3A_264 = arith.select %lt3A_261, %shift_left3A_30, %broadcast_in_dim3A_263 : vector<16xi1>, vector<16xi32>
          %lt3A_265 = arith.constant 0 : i32
          %lt3A_266 = vector.broadcast %lt3A_265 : i32 to vector<16xi32>
          %lt3A_267 = arith.cmpi slt, %and3A_241, %lt3A_266 : vector<16xi32>
          %jit3A_268 = arith.constant 0 : i32
          %broadcast_in_dim3A_269 = vector.broadcast %jit3A_268 : i32 to vector<16xi32>
          %select_n3A_270 = arith.select %lt3A_267, %shift_left3A_33, %broadcast_in_dim3A_269 : vector<16xi1>, vector<16xi32>
          %or3A_271 = arith.ori %select_n3A_264, %select_n3A_270 : vector<16xi32>
          %broadcast_in_dim3A_272 = arith.constant true
          %broadcast_in_dim3A_273 = vector.broadcast %broadcast_in_dim3A_272 : i1 to vector<16xi1>
          %masked_cumsum3A_274 = tpu.scan <sum>, %or3A_271 masked %broadcast_in_dim3A_273 : vector<16xi32>, vector<16xi1> -> vector<16xi32>
          %sub3A_275 = arith.subi %masked_cumsum3A_274, %or3A_271 : vector<16xi32>
          %and3A_276 = arith.constant 65535 : i32
          %and3A_277 = vector.broadcast %and3A_276 : i32 to vector<16xi32>
          %and3A_278 = arith.andi %sub3A_275, %and3A_277 : vector<16xi32>
          %shift_right_logical3A_279 = arith.shrui %and3A_278, %max3A_155 : vector<16xi32>
          %and3A_280 = arith.constant 1 : i32
          %and3A_281 = vector.broadcast %and3A_280 : i32 to vector<16xi32>
          %and3A_282 = arith.andi %shift_right_logical3A_279, %and3A_281 : vector<16xi32>
          %broadcast_in_dim3A_283 = vector.broadcast %while3A_34 : i32 to vector<16xi32>
          %select_n3A_284 = arith.select %eq3A_158, %broadcast_in_dim3A_283, %and3A_282 : vector<16xi1>, vector<16xi32>
          %shift_right_logical3A_285 = arith.constant 16 : i32
          %shift_right_logical3A_286 = vector.broadcast %shift_right_logical3A_285 : i32 to vector<16xi32>
          %shift_right_logical3A_287 = arith.shrui %sub3A_275, %shift_right_logical3A_286 : vector<16xi32>
          %shift_right_logical3A_288 = arith.shrui %shift_right_logical3A_287, %max3A_155 : vector<16xi32>
          %and3A_289 = arith.constant 1 : i32
          %and3A_290 = vector.broadcast %and3A_289 : i32 to vector<16xi32>
          %and3A_291 = arith.andi %shift_right_logical3A_288, %and3A_290 : vector<16xi32>
          %shift_left3A_292 = arith.constant 1 : i32
          %shift_left3A_293 = vector.broadcast %shift_left3A_292 : i32 to vector<16xi32>
          %shift_left3A_294 = arith.shli %or3A_240, %shift_left3A_293 : vector<16xi32>
          %or3A_295 = arith.ori %shift_left3A_294, %select_n3A_284 : vector<16xi32>
          %shift_left3A_296 = arith.constant 1 : i32
          %shift_left3A_297 = vector.broadcast %shift_left3A_296 : i32 to vector<16xi32>
          %shift_left3A_298 = arith.shli %and3A_241, %shift_left3A_297 : vector<16xi32>
          %or3A_299 = arith.ori %shift_left3A_298, %and3A_291 : vector<16xi32>
          %or3A_300 = arith.ori %or3A_236, %or3A_295 : vector<16xi32>
          %not3A_301 = arith.constant dense<-1> : vector<16xi32>
          %not3A_302 = arith.xori %or3A_300, %not3A_301 : vector<16xi32>
          %or3A_303 = arith.ori %or3A_299, %not3A_302 : vector<16xi32>
          %and3A_304 = arith.andi %or3A_295, %or3A_236 : vector<16xi32>
          scf.yield %or3A_303, %and3A_304, %sub3A_258 : vector<16xi32>, vector<16xi32>, vector<16xi32>
        }
        %broadcast_in_dim3A_181 = arith.constant true
        %broadcast_in_dim3A_182 = vector.broadcast %broadcast_in_dim3A_181 : i1 to vector<16xi1>
        %masked_cumsum3A = tpu.scan <sum>, %while3A_180#2 masked %broadcast_in_dim3A_182 : vector<16xi32>, vector<16xi1> -> vector<16xi32>
        %slice3A_183 = vector.extract_strided_slice %masked_cumsum3A {offsets = [15], sizes = [1], strides = [1]} : vector<16xi32> to vector<1xi32>
        %squeeze3A_184 = vector.extract %slice3A_183[0] : i32 from vector<1xi32>
        %add3A_185 = arith.addi %sub3A_90, %squeeze3A_184 : i32
        scf.yield %add3A_185 : i32
      } else {
        %while3A_167 = arith.constant 0 : i32
        %while3A_168 = arith.subi %sub3A_90, %while3A_167 : i32
        %while3A_169 = arith.addi %while3A_167, %while3A_168 : i32
        %while3A_170 = arith.constant 1 : i32
        %while3A_171 = arith.divsi %while3A_168, %while3A_170 : i32
        %while3A_172 = arith.muli %while3A_171, %while3A_170 : i32
        %while3A_173 = arith.addi %while3A_167, %while3A_172 : i32
        %while3A_174 = arith.constant 1 : i32
        %while3A_175 = scf.for %while3A_178 = %while3A_167 to %while3A_173 step %while3A_174 iter_args(%while3A_179 = %sub3A_90) -> (i32)  : i32 {
          %add3A_180 = arith.addi %select_n3A_89, %while3A_178 : i32
          %broadcast_in_dim3A_181 = vector.broadcast %add3A_180 : i32 to vector<16xi32>
          %gather3A_182 = tpu.vector_load_idx %arg8[%broadcast_in_dim3A_181] : memref<12304xi32, #tpu.memory_space<vmem>>[vector<16xi32>], vector<16xi32>,
          %slice3A_183 = vector.extract_strided_slice %gather3A_182 {offsets = [0], sizes = [1], strides = [1]} : vector<16xi32> to vector<1xi32>
          %squeeze3A_184 = vector.extract %slice3A_183[0] : i32 from vector<1xi32>
          %mul3A_185 = arith.muli %squeeze3A_184, %mul3A_95 : i32
          %while3A_186 = arith.constant 0 : i32
          %while3A_187 = arith.constant 0 : i32
          %while3A_188 = arith.constant 1 : i32
          %while3A_189 = arith.constant 0 : i32
          %while3A_190 = arith.subi %shift_right_arithmetic3A_93, %while3A_186 : i32
          %while3A_191 = arith.addi %while3A_186, %while3A_190 : i32
          %while3A_192 = arith.constant 1 : i32
          %while3A_193 = arith.divsi %while3A_190, %while3A_192 : i32
          %while3A_194 = arith.muli %while3A_193, %while3A_192 : i32
          %while3A_195 = arith.addi %while3A_186, %while3A_194 : i32
          %while3A_196 = arith.constant 1 : i32
          %while3A_197:4 = scf.for %while3A_200 = %while3A_186 to %while3A_195 step %while3A_196 iter_args(%while3A_201 = %while3A_179, %while3A_202 = %while3A_187, %while3A_203 = %while3A_188, %while3A_204 = %while3A_189) -> (i32, i32, i32, i32)  : i32 {
            %mul3A_205 = arith.constant 16 : i32
            %mul3A_206 = arith.muli %while3A_200, %mul3A_205 : i32
            %add3A_207 = arith.addi %mul3A_185, %mul3A_206 : i32
            %get3A = arith.index_cast %add3A_207 : i32 to index
            %get3A_208 = tpu.vector_load %arg11[%get3A] {strides = array<i32>} : memref<38400xi32, #tpu.memory_space<vmem>>, vector<16xi32>,
            %mul3A_209 = arith.constant 16 : i32
            %mul3A_210 = arith.muli %while3A_200, %mul3A_209 : i32
            %get3A_211 = arith.index_cast %mul3A_210 : i32 to index
            %get3A_212 = tpu.vector_load %arg12[%get3A_211] {strides = array<i32>} : memref<384xi32, #tpu.memory_space<vmem>>, vector<16xi32>,
            %mul3A_213 = arith.constant 16 : i32
            %mul3A_214 = arith.muli %while3A_200, %mul3A_213 : i32
            %get3A_215 = arith.index_cast %mul3A_214 : i32 to index
            %get3A_216 = tpu.vector_load %arg13[%get3A_215] {strides = array<i32>} : memref<384xi32, #tpu.memory_space<vmem>>, vector<16xi32>,
            %and3A_217 = arith.andi %get3A_208, %get3A_212 : vector<16xi32>
            %add3A_218 = arith.addi %and3A_217, %get3A_212 : vector<16xi32>
            %and3A_219 = arith.andi %and3A_217, %get3A_212 : vector<16xi32>
            %or3A = arith.ori %and3A_217, %get3A_212 : vector<16xi32>
            %not3A = arith.constant dense<-1> : vector<16xi32>
            %not3A_220 = arith.xori %add3A_218, %not3A : vector<16xi32>
            %and3A_221 = arith.andi %or3A, %not3A_220 : vector<16xi32>
            %or3A_222 = arith.ori %and3A_219, %and3A_221 : vector<16xi32>
            %lt3A_223 = arith.constant 0 : i32
            %lt3A_224 = vector.broadcast %lt3A_223 : i32 to vector<16xi32>
            %lt3A_225 = arith.cmpi slt, %or3A_222, %lt3A_224 : vector<16xi32>
            %jit3A_226 = arith.constant 0 : i32
            %broadcast_in_dim3A_227 = vector.broadcast %jit3A_226 : i32 to vector<16xi32>
            %select_n3A_228 = arith.select %lt3A_225, %shift_left3A_30, %broadcast_in_dim3A_227 : vector<16xi1>, vector<16xi32>
            %eq3A_229 = arith.constant -1 : i32
            %eq3A_230 = vector.broadcast %eq3A_229 : i32 to vector<16xi32>
            %eq3A_231 = arith.cmpi eq, %add3A_218, %eq3A_230 : vector<16xi32>
            %jit3A_232 = arith.constant 0 : i32
            %broadcast_in_dim3A_233 = vector.broadcast %jit3A_232 : i32 to vector<16xi32>
            %select_n3A_234 = arith.select %eq3A_231, %shift_left3A_33, %broadcast_in_dim3A_233 : vector<16xi1>, vector<16xi32>
            %or3A_235 = arith.ori %select_n3A_228, %select_n3A_234 : vector<16xi32>
            %broadcast_in_dim3A_236 = arith.constant true
            %broadcast_in_dim3A_237 = vector.broadcast %broadcast_in_dim3A_236 : i1 to vector<16xi1>
            %masked_cumsum3A = tpu.scan <sum>, %or3A_235 masked %broadcast_in_dim3A_237 : vector<16xi32>, vector<16xi1> -> vector<16xi32>
            %slice3A_238 = vector.extract_strided_slice %masked_cumsum3A {offsets = [15], sizes = [1], strides = [1]} : vector<16xi32> to vector<1xi32>
            %squeeze3A_239 = vector.extract %slice3A_238[0] : i32 from vector<1xi32>
            %and3A_240 = arith.constant 65535 : i32
            %and3A_241 = arith.andi %squeeze3A_239, %and3A_240 : i32
            %shift_right_logical3A = arith.constant 16 : i32
            %shift_right_logical3A_242 = arith.shrui %squeeze3A_239, %shift_right_logical3A : i32
            %and3A_243 = arith.constant 65535 : i32
            %and3A_244 = arith.andi %shift_right_logical3A_242, %and3A_243 : i32
            %or3A_245 = arith.ori %and3A_241, %and3A_244 : i32
            %add3A_246 = arith.addi %or3A_245, %and3A_241 : i32
            %add3A_247 = arith.addi %add3A_246, %while3A_202 : i32
            %xor3A = arith.xori %add3A_247, %or3A_245 : i32
            %xor3A_248 = arith.xori %xor3A, %and3A_241 : i32
            %shift_right_logical3A_249 = arith.constant 16 : i32
            %shift_right_logical3A_250 = arith.shrui %add3A_247, %shift_right_logical3A_249 : i32
            %and3A_251 = arith.constant 1 : i32
            %and3A_252 = arith.andi %shift_right_logical3A_250, %and3A_251 : i32
            %broadcast_in_dim3A_253 = vector.broadcast %xor3A_248 : i32 to vector<16xi32>
            %shift_right_logical3A_254 = arith.shrui %broadcast_in_dim3A_253, %iota3A : vector<16xi32>
            %and3A_255 = arith.constant 1 : i32
            %and3A_256 = vector.broadcast %and3A_255 : i32 to vector<16xi32>
            %and3A_257 = arith.andi %shift_right_logical3A_254, %and3A_256 : vector<16xi32>
            %add3A_258 = arith.addi %add3A_218, %and3A_257 : vector<16xi32>
            %xor3A_259 = arith.xori %add3A_258, %get3A_212 : vector<16xi32>
            %or3A_260 = arith.ori %xor3A_259, %get3A_208 : vector<16xi32>
            %or3A_261 = arith.ori %or3A_260, %get3A_216 : vector<16xi32>
            %or3A_262 = arith.ori %or3A_261, %get3A_212 : vector<16xi32>
            %not3A_263 = arith.constant dense<-1> : vector<16xi32>
            %not3A_264 = arith.xori %or3A_262, %not3A_263 : vector<16xi32>
            %or3A_265 = arith.ori %get3A_216, %not3A_264 : vector<16xi32>
            %and3A_266 = arith.andi %get3A_212, %or3A_261 : vector<16xi32>
            %and3A_267 = arith.andi %or3A_265, %select_n3A_149 : vector<16xi32>
            %ne3A = arith.constant 0 : i32
            %ne3A_268 = vector.broadcast %ne3A : i32 to vector<16xi32>
            %ne3A_269 = arith.cmpi ne, %and3A_267, %ne3A_268 : vector<16xi32>
            %all_reduce_population_count3A = tpu.all_reduce %ne3A_269 {dim = 0 : i64, kind = #tpu.reduction_kind<sum>} : vector<16xi1> -> vector<16xi32>
            %slice3A_270 = vector.extract_strided_slice %all_reduce_population_count3A {offsets = [0], sizes = [1], strides = [1]} : vector<16xi32> to vector<1xi32>
            %squeeze3A_271 = vector.extract %slice3A_270[0] : i32 from vector<1xi32>
            %and3A_272 = arith.andi %and3A_266, %select_n3A_149 : vector<16xi32>
            %ne3A_273 = arith.constant 0 : i32
            %ne3A_274 = vector.broadcast %ne3A_273 : i32 to vector<16xi32>
            %ne3A_275 = arith.cmpi ne, %and3A_272, %ne3A_274 : vector<16xi32>
            %all_reduce_population_count3A_276 = tpu.all_reduce %ne3A_275 {dim = 0 : i64, kind = #tpu.reduction_kind<sum>} : vector<16xi1> -> vector<16xi32>
            %slice3A_277 = vector.extract_strided_slice %all_reduce_population_count3A_276 {offsets = [0], sizes = [1], strides = [1]} : vector<16xi32> to vector<1xi32>
            %squeeze3A_278 = vector.extract %slice3A_277[0] : i32 from vector<1xi32>
            %eq3A_279 = arith.cmpi eq, %while3A_200, %shift_right_arithmetic3A_137 : i32
            %jit3A_280 = arith.constant 0 : i32
            %select_n3A_281 = arith.select %eq3A_279, %while3A_34, %jit3A_280 : i32
            %sub3A_282 = arith.constant 1 : i32
            %sub3A_283 = arith.subi %sub3A_282, %squeeze3A_271 : i32
            %mul3A_284 = arith.muli %sub3A_283, %squeeze3A_278 : i32
            %sub3A_285 = arith.subi %squeeze3A_271, %mul3A_284 : i32
            %mul3A_286 = arith.muli %select_n3A_281, %sub3A_285 : i32
            %add3A_287 = arith.addi %while3A_201, %mul3A_286 : i32
            %lt3A_288 = arith.constant 0 : i32
            %lt3A_289 = vector.broadcast %lt3A_288 : i32 to vector<16xi32>
            %lt3A_290 = arith.cmpi slt, %or3A_265, %lt3A_289 : vector<16xi32>
            %jit3A_291 = arith.constant 0 : i32
            %broadcast_in_dim3A_292 = vector.broadcast %jit3A_291 : i32 to vector<16xi32>
            %select_n3A_293 = arith.select %lt3A_290, %shift_left3A_30, %broadcast_in_dim3A_292 : vector<16xi1>, vector<16xi32>
            %lt3A_294 = arith.constant 0 : i32
            %lt3A_295 = vector.broadcast %lt3A_294 : i32 to vector<16xi32>
            %lt3A_296 = arith.cmpi slt, %and3A_266, %lt3A_295 : vector<16xi32>
            %jit3A_297 = arith.constant 0 : i32
            %broadcast_in_dim3A_298 = vector.broadcast %jit3A_297 : i32 to vector<16xi32>
            %select_n3A_299 = arith.select %lt3A_296, %shift_left3A_33, %broadcast_in_dim3A_298 : vector<16xi1>, vector<16xi32>
            %or3A_300 = arith.ori %select_n3A_293, %select_n3A_299 : vector<16xi32>
            %broadcast_in_dim3A_301 = arith.constant true
            %broadcast_in_dim3A_302 = vector.broadcast %broadcast_in_dim3A_301 : i1 to vector<16xi1>
            %masked_cumsum3A_303 = tpu.scan <sum>, %or3A_300 masked %broadcast_in_dim3A_302 : vector<16xi32>, vector<16xi1> -> vector<16xi32>
            %slice3A_304 = vector.extract_strided_slice %masked_cumsum3A_303 {offsets = [15], sizes = [1], strides = [1]} : vector<16xi32> to vector<1xi32>
            %squeeze3A_305 = vector.extract %slice3A_304[0] : i32 from vector<1xi32>
            %and3A_306 = arith.constant 65535 : i32
            %and3A_307 = arith.andi %squeeze3A_305, %and3A_306 : i32
            %shift_right_logical3A_308 = arith.constant 16 : i32
            %shift_right_logical3A_309 = arith.shrui %squeeze3A_305, %shift_right_logical3A_308 : i32
            %and3A_310 = arith.constant 65535 : i32
            %and3A_311 = arith.andi %shift_right_logical3A_309, %and3A_310 : i32
            %shift_left3A_312 = arith.constant 1 : i32
            %shift_left3A_313 = arith.shli %and3A_307, %shift_left3A_312 : i32
            %or3A_314 = arith.ori %shift_left3A_313, %while3A_203 : i32
            %and3A_315 = arith.constant 65535 : i32
            %and3A_316 = arith.andi %or3A_314, %and3A_315 : i32
            %shift_left3A_317 = arith.constant 1 : i32
            %shift_left3A_318 = arith.shli %and3A_311, %shift_left3A_317 : i32
            %or3A_319 = arith.ori %shift_left3A_318, %while3A_204 : i32
            %and3A_320 = arith.constant 65535 : i32
            %and3A_321 = arith.andi %or3A_319, %and3A_320 : i32
            %shift_right_logical3A_322 = arith.constant 15 : i32
            %shift_right_logical3A_323 = arith.shrui %and3A_307, %shift_right_logical3A_322 : i32
            %and3A_324 = arith.constant 1 : i32
            %and3A_325 = arith.andi %shift_right_logical3A_323, %and3A_324 : i32
            %shift_right_logical3A_326 = arith.constant 15 : i32
            %shift_right_logical3A_327 = arith.shrui %and3A_311, %shift_right_logical3A_326 : i32
            %and3A_328 = arith.constant 1 : i32
            %and3A_329 = arith.andi %shift_right_logical3A_327, %and3A_328 : i32
            %shift_left3A_330 = arith.constant 1 : i32
            %shift_left3A_331 = vector.broadcast %shift_left3A_330 : i32 to vector<16xi32>
            %shift_left3A_332 = arith.shli %or3A_265, %shift_left3A_331 : vector<16xi32>
            %broadcast_in_dim3A_333 = vector.broadcast %and3A_316 : i32 to vector<16xi32>
            %shift_right_logical3A_334 = arith.shrui %broadcast_in_dim3A_333, %iota3A : vector<16xi32>
            %and3A_335 = arith.constant 1 : i32
            %and3A_336 = vector.broadcast %and3A_335 : i32 to vector<16xi32>
            %and3A_337 = arith.andi %shift_right_logical3A_334, %and3A_336 : vector<16xi32>
            %or3A_338 = arith.ori %shift_left3A_332, %and3A_337 : vector<16xi32>
            %shift_left3A_339 = arith.constant 1 : i32
            %shift_left3A_340 = vector.broadcast %shift_left3A_339 : i32 to vector<16xi32>
            %shift_left3A_341 = arith.shli %and3A_266, %shift_left3A_340 : vector<16xi32>
            %broadcast_in_dim3A_342 = vector.broadcast %and3A_321 : i32 to vector<16xi32>
            %shift_right_logical3A_343 = arith.shrui %broadcast_in_dim3A_342, %iota3A : vector<16xi32>
            %and3A_344 = arith.constant 1 : i32
            %and3A_345 = vector.broadcast %and3A_344 : i32 to vector<16xi32>
            %and3A_346 = arith.andi %shift_right_logical3A_343, %and3A_345 : vector<16xi32>
            %or3A_347 = arith.ori %shift_left3A_341, %and3A_346 : vector<16xi32>
            %or3A_348 = arith.ori %or3A_261, %or3A_338 : vector<16xi32>
            %not3A_349 = arith.constant dense<-1> : vector<16xi32>
            %not3A_350 = arith.xori %or3A_348, %not3A_349 : vector<16xi32>
            %or3A_351 = arith.ori %or3A_347, %not3A_350 : vector<16xi32>
            %mul3A_352 = arith.constant 16 : i32
            %mul3A_353 = arith.muli %while3A_200, %mul3A_352 : i32
            %swap3A = arith.index_cast %mul3A_353 : i32 to index
            %swap3A_354 = tpu.vector_load %arg12[%swap3A] {strides = array<i32>} : memref<384xi32, #tpu.memory_space<vmem>>, vector<16xi32>,
            tpu.vector_store %arg12[%swap3A], %or3A_351 {strides = array<i32>} : memref<384xi32, #tpu.memory_space<vmem>>, vector<16xi32>,
            %and3A_355 = arith.andi %or3A_338, %or3A_261 : vector<16xi32>
            %mul3A_356 = arith.constant 16 : i32
            %mul3A_357 = arith.muli %while3A_200, %mul3A_356 : i32
            %swap3A_358 = arith.index_cast %mul3A_357 : i32 to index
            %swap3A_359 = tpu.vector_load %arg13[%swap3A_358] {strides = array<i32>} : memref<384xi32, #tpu.memory_space<vmem>>, vector<16xi32>,
            tpu.vector_store %arg13[%swap3A_358], %and3A_355 {strides = array<i32>} : memref<384xi32, #tpu.memory_space<vmem>>, vector<16xi32>,
            scf.yield %add3A_287, %and3A_252, %and3A_325, %and3A_329 : i32, i32, i32, i32
          }
          %while3A_198 = arith.constant 1 : i32
          %while3A_199:4 = scf.for %while3A_200 = %while3A_195 to %while3A_191 step %while3A_198 iter_args(%while3A_201 = %while3A_197#0, %while3A_202 = %while3A_197#1, %while3A_203 = %while3A_197#2, %while3A_204 = %while3A_197#3) -> (i32, i32, i32, i32)  : i32 {
            %mul3A_205 = arith.constant 16 : i32
            %mul3A_206 = arith.muli %while3A_200, %mul3A_205 : i32
            %add3A_207 = arith.addi %mul3A_185, %mul3A_206 : i32
            %get3A = arith.index_cast %add3A_207 : i32 to index
            %get3A_208 = tpu.vector_load %arg11[%get3A] {strides = array<i32>} : memref<38400xi32, #tpu.memory_space<vmem>>, vector<16xi32>,
            %mul3A_209 = arith.constant 16 : i32
            %mul3A_210 = arith.muli %while3A_200, %mul3A_209 : i32
            %get3A_211 = arith.index_cast %mul3A_210 : i32 to index
            %get3A_212 = tpu.vector_load %arg12[%get3A_211] {strides = array<i32>} : memref<384xi32, #tpu.memory_space<vmem>>, vector<16xi32>,
            %mul3A_213 = arith.constant 16 : i32
            %mul3A_214 = arith.muli %while3A_200, %mul3A_213 : i32
            %get3A_215 = arith.index_cast %mul3A_214 : i32 to index
            %get3A_216 = tpu.vector_load %arg13[%get3A_215] {strides = array<i32>} : memref<384xi32, #tpu.memory_space<vmem>>, vector<16xi32>,
            %and3A_217 = arith.andi %get3A_208, %get3A_212 : vector<16xi32>
            %add3A_218 = arith.addi %and3A_217, %get3A_212 : vector<16xi32>
            %and3A_219 = arith.andi %and3A_217, %get3A_212 : vector<16xi32>
            %or3A = arith.ori %and3A_217, %get3A_212 : vector<16xi32>
            %not3A = arith.constant dense<-1> : vector<16xi32>
            %not3A_220 = arith.xori %add3A_218, %not3A : vector<16xi32>
            %and3A_221 = arith.andi %or3A, %not3A_220 : vector<16xi32>
            %or3A_222 = arith.ori %and3A_219, %and3A_221 : vector<16xi32>
            %lt3A_223 = arith.constant 0 : i32
            %lt3A_224 = vector.broadcast %lt3A_223 : i32 to vector<16xi32>
            %lt3A_225 = arith.cmpi slt, %or3A_222, %lt3A_224 : vector<16xi32>
            %jit3A_226 = arith.constant 0 : i32
            %broadcast_in_dim3A_227 = vector.broadcast %jit3A_226 : i32 to vector<16xi32>
            %select_n3A_228 = arith.select %lt3A_225, %shift_left3A_30, %broadcast_in_dim3A_227 : vector<16xi1>, vector<16xi32>
            %eq3A_229 = arith.constant -1 : i32
            %eq3A_230 = vector.broadcast %eq3A_229 : i32 to vector<16xi32>
            %eq3A_231 = arith.cmpi eq, %add3A_218, %eq3A_230 : vector<16xi32>
            %jit3A_232 = arith.constant 0 : i32
            %broadcast_in_dim3A_233 = vector.broadcast %jit3A_232 : i32 to vector<16xi32>
            %select_n3A_234 = arith.select %eq3A_231, %shift_left3A_33, %broadcast_in_dim3A_233 : vector<16xi1>, vector<16xi32>
            %or3A_235 = arith.ori %select_n3A_228, %select_n3A_234 : vector<16xi32>
            %broadcast_in_dim3A_236 = arith.constant true
            %broadcast_in_dim3A_237 = vector.broadcast %broadcast_in_dim3A_236 : i1 to vector<16xi1>
            %masked_cumsum3A = tpu.scan <sum>, %or3A_235 masked %broadcast_in_dim3A_237 : vector<16xi32>, vector<16xi1> -> vector<16xi32>
            %slice3A_238 = vector.extract_strided_slice %masked_cumsum3A {offsets = [15], sizes = [1], strides = [1]} : vector<16xi32> to vector<1xi32>
            %squeeze3A_239 = vector.extract %slice3A_238[0] : i32 from vector<1xi32>
            %and3A_240 = arith.constant 65535 : i32
            %and3A_241 = arith.andi %squeeze3A_239, %and3A_240 : i32
            %shift_right_logical3A = arith.constant 16 : i32
            %shift_right_logical3A_242 = arith.shrui %squeeze3A_239, %shift_right_logical3A : i32
            %and3A_243 = arith.constant 65535 : i32
            %and3A_244 = arith.andi %shift_right_logical3A_242, %and3A_243 : i32
            %or3A_245 = arith.ori %and3A_241, %and3A_244 : i32
            %add3A_246 = arith.addi %or3A_245, %and3A_241 : i32
            %add3A_247 = arith.addi %add3A_246, %while3A_202 : i32
            %xor3A = arith.xori %add3A_247, %or3A_245 : i32
            %xor3A_248 = arith.xori %xor3A, %and3A_241 : i32
            %shift_right_logical3A_249 = arith.constant 16 : i32
            %shift_right_logical3A_250 = arith.shrui %add3A_247, %shift_right_logical3A_249 : i32
            %and3A_251 = arith.constant 1 : i32
            %and3A_252 = arith.andi %shift_right_logical3A_250, %and3A_251 : i32
            %broadcast_in_dim3A_253 = vector.broadcast %xor3A_248 : i32 to vector<16xi32>
            %shift_right_logical3A_254 = arith.shrui %broadcast_in_dim3A_253, %iota3A : vector<16xi32>
            %and3A_255 = arith.constant 1 : i32
            %and3A_256 = vector.broadcast %and3A_255 : i32 to vector<16xi32>
            %and3A_257 = arith.andi %shift_right_logical3A_254, %and3A_256 : vector<16xi32>
            %add3A_258 = arith.addi %add3A_218, %and3A_257 : vector<16xi32>
            %xor3A_259 = arith.xori %add3A_258, %get3A_212 : vector<16xi32>
            %or3A_260 = arith.ori %xor3A_259, %get3A_208 : vector<16xi32>
            %or3A_261 = arith.ori %or3A_260, %get3A_216 : vector<16xi32>
            %or3A_262 = arith.ori %or3A_261, %get3A_212 : vector<16xi32>
            %not3A_263 = arith.constant dense<-1> : vector<16xi32>
            %not3A_264 = arith.xori %or3A_262, %not3A_263 : vector<16xi32>
            %or3A_265 = arith.ori %get3A_216, %not3A_264 : vector<16xi32>
            %and3A_266 = arith.andi %get3A_212, %or3A_261 : vector<16xi32>
            %and3A_267 = arith.andi %or3A_265, %select_n3A_149 : vector<16xi32>
            %ne3A = arith.constant 0 : i32
            %ne3A_268 = vector.broadcast %ne3A : i32 to vector<16xi32>
            %ne3A_269 = arith.cmpi ne, %and3A_267, %ne3A_268 : vector<16xi32>
            %all_reduce_population_count3A = tpu.all_reduce %ne3A_269 {dim = 0 : i64, kind = #tpu.reduction_kind<sum>} : vector<16xi1> -> vector<16xi32>
            %slice3A_270 = vector.extract_strided_slice %all_reduce_population_count3A {offsets = [0], sizes = [1], strides = [1]} : vector<16xi32> to vector<1xi32>
            %squeeze3A_271 = vector.extract %slice3A_270[0] : i32 from vector<1xi32>
            %and3A_272 = arith.andi %and3A_266, %select_n3A_149 : vector<16xi32>
            %ne3A_273 = arith.constant 0 : i32
            %ne3A_274 = vector.broadcast %ne3A_273 : i32 to vector<16xi32>
            %ne3A_275 = arith.cmpi ne, %and3A_272, %ne3A_274 : vector<16xi32>
            %all_reduce_population_count3A_276 = tpu.all_reduce %ne3A_275 {dim = 0 : i64, kind = #tpu.reduction_kind<sum>} : vector<16xi1> -> vector<16xi32>
            %slice3A_277 = vector.extract_strided_slice %all_reduce_population_count3A_276 {offsets = [0], sizes = [1], strides = [1]} : vector<16xi32> to vector<1xi32>
            %squeeze3A_278 = vector.extract %slice3A_277[0] : i32 from vector<1xi32>
            %eq3A_279 = arith.cmpi eq, %while3A_200, %shift_right_arithmetic3A_137 : i32
            %jit3A_280 = arith.constant 0 : i32
            %select_n3A_281 = arith.select %eq3A_279, %while3A_34, %jit3A_280 : i32
            %sub3A_282 = arith.constant 1 : i32
            %sub3A_283 = arith.subi %sub3A_282, %squeeze3A_271 : i32
            %mul3A_284 = arith.muli %sub3A_283, %squeeze3A_278 : i32
            %sub3A_285 = arith.subi %squeeze3A_271, %mul3A_284 : i32
            %mul3A_286 = arith.muli %select_n3A_281, %sub3A_285 : i32
            %add3A_287 = arith.addi %while3A_201, %mul3A_286 : i32
            %lt3A_288 = arith.constant 0 : i32
            %lt3A_289 = vector.broadcast %lt3A_288 : i32 to vector<16xi32>
            %lt3A_290 = arith.cmpi slt, %or3A_265, %lt3A_289 : vector<16xi32>
            %jit3A_291 = arith.constant 0 : i32
            %broadcast_in_dim3A_292 = vector.broadcast %jit3A_291 : i32 to vector<16xi32>
            %select_n3A_293 = arith.select %lt3A_290, %shift_left3A_30, %broadcast_in_dim3A_292 : vector<16xi1>, vector<16xi32>
            %lt3A_294 = arith.constant 0 : i32
            %lt3A_295 = vector.broadcast %lt3A_294 : i32 to vector<16xi32>
            %lt3A_296 = arith.cmpi slt, %and3A_266, %lt3A_295 : vector<16xi32>
            %jit3A_297 = arith.constant 0 : i32
            %broadcast_in_dim3A_298 = vector.broadcast %jit3A_297 : i32 to vector<16xi32>
            %select_n3A_299 = arith.select %lt3A_296, %shift_left3A_33, %broadcast_in_dim3A_298 : vector<16xi1>, vector<16xi32>
            %or3A_300 = arith.ori %select_n3A_293, %select_n3A_299 : vector<16xi32>
            %broadcast_in_dim3A_301 = arith.constant true
            %broadcast_in_dim3A_302 = vector.broadcast %broadcast_in_dim3A_301 : i1 to vector<16xi1>
            %masked_cumsum3A_303 = tpu.scan <sum>, %or3A_300 masked %broadcast_in_dim3A_302 : vector<16xi32>, vector<16xi1> -> vector<16xi32>
            %slice3A_304 = vector.extract_strided_slice %masked_cumsum3A_303 {offsets = [15], sizes = [1], strides = [1]} : vector<16xi32> to vector<1xi32>
            %squeeze3A_305 = vector.extract %slice3A_304[0] : i32 from vector<1xi32>
            %and3A_306 = arith.constant 65535 : i32
            %and3A_307 = arith.andi %squeeze3A_305, %and3A_306 : i32
            %shift_right_logical3A_308 = arith.constant 16 : i32
            %shift_right_logical3A_309 = arith.shrui %squeeze3A_305, %shift_right_logical3A_308 : i32
            %and3A_310 = arith.constant 65535 : i32
            %and3A_311 = arith.andi %shift_right_logical3A_309, %and3A_310 : i32
            %shift_left3A_312 = arith.constant 1 : i32
            %shift_left3A_313 = arith.shli %and3A_307, %shift_left3A_312 : i32
            %or3A_314 = arith.ori %shift_left3A_313, %while3A_203 : i32
            %and3A_315 = arith.constant 65535 : i32
            %and3A_316 = arith.andi %or3A_314, %and3A_315 : i32
            %shift_left3A_317 = arith.constant 1 : i32
            %shift_left3A_318 = arith.shli %and3A_311, %shift_left3A_317 : i32
            %or3A_319 = arith.ori %shift_left3A_318, %while3A_204 : i32
            %and3A_320 = arith.constant 65535 : i32
            %and3A_321 = arith.andi %or3A_319, %and3A_320 : i32
            %shift_right_logical3A_322 = arith.constant 15 : i32
            %shift_right_logical3A_323 = arith.shrui %and3A_307, %shift_right_logical3A_322 : i32
            %and3A_324 = arith.constant 1 : i32
            %and3A_325 = arith.andi %shift_right_logical3A_323, %and3A_324 : i32
            %shift_right_logical3A_326 = arith.constant 15 : i32
            %shift_right_logical3A_327 = arith.shrui %and3A_311, %shift_right_logical3A_326 : i32
            %and3A_328 = arith.constant 1 : i32
            %and3A_329 = arith.andi %shift_right_logical3A_327, %and3A_328 : i32
            %shift_left3A_330 = arith.constant 1 : i32
            %shift_left3A_331 = vector.broadcast %shift_left3A_330 : i32 to vector<16xi32>
            %shift_left3A_332 = arith.shli %or3A_265, %shift_left3A_331 : vector<16xi32>
            %broadcast_in_dim3A_333 = vector.broadcast %and3A_316 : i32 to vector<16xi32>
            %shift_right_logical3A_334 = arith.shrui %broadcast_in_dim3A_333, %iota3A : vector<16xi32>
            %and3A_335 = arith.constant 1 : i32
            %and3A_336 = vector.broadcast %and3A_335 : i32 to vector<16xi32>
            %and3A_337 = arith.andi %shift_right_logical3A_334, %and3A_336 : vector<16xi32>
            %or3A_338 = arith.ori %shift_left3A_332, %and3A_337 : vector<16xi32>
            %shift_left3A_339 = arith.constant 1 : i32
            %shift_left3A_340 = vector.broadcast %shift_left3A_339 : i32 to vector<16xi32>
            %shift_left3A_341 = arith.shli %and3A_266, %shift_left3A_340 : vector<16xi32>
            %broadcast_in_dim3A_342 = vector.broadcast %and3A_321 : i32 to vector<16xi32>
            %shift_right_logical3A_343 = arith.shrui %broadcast_in_dim3A_342, %iota3A : vector<16xi32>
            %and3A_344 = arith.constant 1 : i32
            %and3A_345 = vector.broadcast %and3A_344 : i32 to vector<16xi32>
            %and3A_346 = arith.andi %shift_right_logical3A_343, %and3A_345 : vector<16xi32>
            %or3A_347 = arith.ori %shift_left3A_341, %and3A_346 : vector<16xi32>
            %or3A_348 = arith.ori %or3A_261, %or3A_338 : vector<16xi32>
            %not3A_349 = arith.constant dense<-1> : vector<16xi32>
            %not3A_350 = arith.xori %or3A_348, %not3A_349 : vector<16xi32>
            %or3A_351 = arith.ori %or3A_347, %not3A_350 : vector<16xi32>
            %mul3A_352 = arith.constant 16 : i32
            %mul3A_353 = arith.muli %while3A_200, %mul3A_352 : i32
            %swap3A = arith.index_cast %mul3A_353 : i32 to index
            %swap3A_354 = tpu.vector_load %arg12[%swap3A] {strides = array<i32>} : memref<384xi32, #tpu.memory_space<vmem>>, vector<16xi32>,
            tpu.vector_store %arg12[%swap3A], %or3A_351 {strides = array<i32>} : memref<384xi32, #tpu.memory_space<vmem>>, vector<16xi32>,
            %and3A_355 = arith.andi %or3A_338, %or3A_261 : vector<16xi32>
            %mul3A_356 = arith.constant 16 : i32
            %mul3A_357 = arith.muli %while3A_200, %mul3A_356 : i32
            %swap3A_358 = arith.index_cast %mul3A_357 : i32 to index
            %swap3A_359 = tpu.vector_load %arg13[%swap3A_358] {strides = array<i32>} : memref<384xi32, #tpu.memory_space<vmem>>, vector<16xi32>,
            tpu.vector_store %arg13[%swap3A_358], %and3A_355 {strides = array<i32>} : memref<384xi32, #tpu.memory_space<vmem>>, vector<16xi32>,
            scf.yield %add3A_287, %and3A_252, %and3A_325, %and3A_329 : i32, i32, i32, i32
          }
          scf.yield %while3A_199#0 : i32
        }
        %while3A_176 = arith.constant 1 : i32
        %while3A_177 = scf.for %while3A_178 = %while3A_173 to %while3A_169 step %while3A_176 iter_args(%while3A_179 = %while3A_175) -> (i32)  : i32 {
          %add3A_180 = arith.addi %select_n3A_89, %while3A_178 : i32
          %broadcast_in_dim3A_181 = vector.broadcast %add3A_180 : i32 to vector<16xi32>
          %gather3A_182 = tpu.vector_load_idx %arg8[%broadcast_in_dim3A_181] : memref<12304xi32, #tpu.memory_space<vmem>>[vector<16xi32>], vector<16xi32>,
          %slice3A_183 = vector.extract_strided_slice %gather3A_182 {offsets = [0], sizes = [1], strides = [1]} : vector<16xi32> to vector<1xi32>
          %squeeze3A_184 = vector.extract %slice3A_183[0] : i32 from vector<1xi32>
          %mul3A_185 = arith.muli %squeeze3A_184, %mul3A_95 : i32
          %while3A_186 = arith.constant 0 : i32
          %while3A_187 = arith.constant 0 : i32
          %while3A_188 = arith.constant 1 : i32
          %while3A_189 = arith.constant 0 : i32
          %while3A_190 = arith.subi %shift_right_arithmetic3A_93, %while3A_186 : i32
          %while3A_191 = arith.addi %while3A_186, %while3A_190 : i32
          %while3A_192 = arith.constant 1 : i32
          %while3A_193 = arith.divsi %while3A_190, %while3A_192 : i32
          %while3A_194 = arith.muli %while3A_193, %while3A_192 : i32
          %while3A_195 = arith.addi %while3A_186, %while3A_194 : i32
          %while3A_196 = arith.constant 1 : i32
          %while3A_197:4 = scf.for %while3A_200 = %while3A_186 to %while3A_195 step %while3A_196 iter_args(%while3A_201 = %while3A_179, %while3A_202 = %while3A_187, %while3A_203 = %while3A_188, %while3A_204 = %while3A_189) -> (i32, i32, i32, i32)  : i32 {
            %mul3A_205 = arith.constant 16 : i32
            %mul3A_206 = arith.muli %while3A_200, %mul3A_205 : i32
            %add3A_207 = arith.addi %mul3A_185, %mul3A_206 : i32
            %get3A = arith.index_cast %add3A_207 : i32 to index
            %get3A_208 = tpu.vector_load %arg11[%get3A] {strides = array<i32>} : memref<38400xi32, #tpu.memory_space<vmem>>, vector<16xi32>,
            %mul3A_209 = arith.constant 16 : i32
            %mul3A_210 = arith.muli %while3A_200, %mul3A_209 : i32
            %get3A_211 = arith.index_cast %mul3A_210 : i32 to index
            %get3A_212 = tpu.vector_load %arg12[%get3A_211] {strides = array<i32>} : memref<384xi32, #tpu.memory_space<vmem>>, vector<16xi32>,
            %mul3A_213 = arith.constant 16 : i32
            %mul3A_214 = arith.muli %while3A_200, %mul3A_213 : i32
            %get3A_215 = arith.index_cast %mul3A_214 : i32 to index
            %get3A_216 = tpu.vector_load %arg13[%get3A_215] {strides = array<i32>} : memref<384xi32, #tpu.memory_space<vmem>>, vector<16xi32>,
            %and3A_217 = arith.andi %get3A_208, %get3A_212 : vector<16xi32>
            %add3A_218 = arith.addi %and3A_217, %get3A_212 : vector<16xi32>
            %and3A_219 = arith.andi %and3A_217, %get3A_212 : vector<16xi32>
            %or3A = arith.ori %and3A_217, %get3A_212 : vector<16xi32>
            %not3A = arith.constant dense<-1> : vector<16xi32>
            %not3A_220 = arith.xori %add3A_218, %not3A : vector<16xi32>
            %and3A_221 = arith.andi %or3A, %not3A_220 : vector<16xi32>
            %or3A_222 = arith.ori %and3A_219, %and3A_221 : vector<16xi32>
            %lt3A_223 = arith.constant 0 : i32
            %lt3A_224 = vector.broadcast %lt3A_223 : i32 to vector<16xi32>
            %lt3A_225 = arith.cmpi slt, %or3A_222, %lt3A_224 : vector<16xi32>
            %jit3A_226 = arith.constant 0 : i32
            %broadcast_in_dim3A_227 = vector.broadcast %jit3A_226 : i32 to vector<16xi32>
            %select_n3A_228 = arith.select %lt3A_225, %shift_left3A_30, %broadcast_in_dim3A_227 : vector<16xi1>, vector<16xi32>
            %eq3A_229 = arith.constant -1 : i32
            %eq3A_230 = vector.broadcast %eq3A_229 : i32 to vector<16xi32>
            %eq3A_231 = arith.cmpi eq, %add3A_218, %eq3A_230 : vector<16xi32>
            %jit3A_232 = arith.constant 0 : i32
            %broadcast_in_dim3A_233 = vector.broadcast %jit3A_232 : i32 to vector<16xi32>
            %select_n3A_234 = arith.select %eq3A_231, %shift_left3A_33, %broadcast_in_dim3A_233 : vector<16xi1>, vector<16xi32>
            %or3A_235 = arith.ori %select_n3A_228, %select_n3A_234 : vector<16xi32>
            %broadcast_in_dim3A_236 = arith.constant true
            %broadcast_in_dim3A_237 = vector.broadcast %broadcast_in_dim3A_236 : i1 to vector<16xi1>
            %masked_cumsum3A = tpu.scan <sum>, %or3A_235 masked %broadcast_in_dim3A_237 : vector<16xi32>, vector<16xi1> -> vector<16xi32>
            %slice3A_238 = vector.extract_strided_slice %masked_cumsum3A {offsets = [15], sizes = [1], strides = [1]} : vector<16xi32> to vector<1xi32>
            %squeeze3A_239 = vector.extract %slice3A_238[0] : i32 from vector<1xi32>
            %and3A_240 = arith.constant 65535 : i32
            %and3A_241 = arith.andi %squeeze3A_239, %and3A_240 : i32
            %shift_right_logical3A = arith.constant 16 : i32
            %shift_right_logical3A_242 = arith.shrui %squeeze3A_239, %shift_right_logical3A : i32
            %and3A_243 = arith.constant 65535 : i32
            %and3A_244 = arith.andi %shift_right_logical3A_242, %and3A_243 : i32
            %or3A_245 = arith.ori %and3A_241, %and3A_244 : i32
            %add3A_246 = arith.addi %or3A_245, %and3A_241 : i32
            %add3A_247 = arith.addi %add3A_246, %while3A_202 : i32
            %xor3A = arith.xori %add3A_247, %or3A_245 : i32
            %xor3A_248 = arith.xori %xor3A, %and3A_241 : i32
            %shift_right_logical3A_249 = arith.constant 16 : i32
            %shift_right_logical3A_250 = arith.shrui %add3A_247, %shift_right_logical3A_249 : i32
            %and3A_251 = arith.constant 1 : i32
            %and3A_252 = arith.andi %shift_right_logical3A_250, %and3A_251 : i32
            %broadcast_in_dim3A_253 = vector.broadcast %xor3A_248 : i32 to vector<16xi32>
            %shift_right_logical3A_254 = arith.shrui %broadcast_in_dim3A_253, %iota3A : vector<16xi32>
            %and3A_255 = arith.constant 1 : i32
            %and3A_256 = vector.broadcast %and3A_255 : i32 to vector<16xi32>
            %and3A_257 = arith.andi %shift_right_logical3A_254, %and3A_256 : vector<16xi32>
            %add3A_258 = arith.addi %add3A_218, %and3A_257 : vector<16xi32>
            %xor3A_259 = arith.xori %add3A_258, %get3A_212 : vector<16xi32>
            %or3A_260 = arith.ori %xor3A_259, %get3A_208 : vector<16xi32>
            %or3A_261 = arith.ori %or3A_260, %get3A_216 : vector<16xi32>
            %or3A_262 = arith.ori %or3A_261, %get3A_212 : vector<16xi32>
            %not3A_263 = arith.constant dense<-1> : vector<16xi32>
            %not3A_264 = arith.xori %or3A_262, %not3A_263 : vector<16xi32>
            %or3A_265 = arith.ori %get3A_216, %not3A_264 : vector<16xi32>
            %and3A_266 = arith.andi %get3A_212, %or3A_261 : vector<16xi32>
            %and3A_267 = arith.andi %or3A_265, %select_n3A_149 : vector<16xi32>
            %ne3A = arith.constant 0 : i32
            %ne3A_268 = vector.broadcast %ne3A : i32 to vector<16xi32>
            %ne3A_269 = arith.cmpi ne, %and3A_267, %ne3A_268 : vector<16xi32>
            %all_reduce_population_count3A = tpu.all_reduce %ne3A_269 {dim = 0 : i64, kind = #tpu.reduction_kind<sum>} : vector<16xi1> -> vector<16xi32>
            %slice3A_270 = vector.extract_strided_slice %all_reduce_population_count3A {offsets = [0], sizes = [1], strides = [1]} : vector<16xi32> to vector<1xi32>
            %squeeze3A_271 = vector.extract %slice3A_270[0] : i32 from vector<1xi32>
            %and3A_272 = arith.andi %and3A_266, %select_n3A_149 : vector<16xi32>
            %ne3A_273 = arith.constant 0 : i32
            %ne3A_274 = vector.broadcast %ne3A_273 : i32 to vector<16xi32>
            %ne3A_275 = arith.cmpi ne, %and3A_272, %ne3A_274 : vector<16xi32>
            %all_reduce_population_count3A_276 = tpu.all_reduce %ne3A_275 {dim = 0 : i64, kind = #tpu.reduction_kind<sum>} : vector<16xi1> -> vector<16xi32>
            %slice3A_277 = vector.extract_strided_slice %all_reduce_population_count3A_276 {offsets = [0], sizes = [1], strides = [1]} : vector<16xi32> to vector<1xi32>
            %squeeze3A_278 = vector.extract %slice3A_277[0] : i32 from vector<1xi32>
            %eq3A_279 = arith.cmpi eq, %while3A_200, %shift_right_arithmetic3A_137 : i32
            %jit3A_280 = arith.constant 0 : i32
            %select_n3A_281 = arith.select %eq3A_279, %while3A_34, %jit3A_280 : i32
            %sub3A_282 = arith.constant 1 : i32
            %sub3A_283 = arith.subi %sub3A_282, %squeeze3A_271 : i32
            %mul3A_284 = arith.muli %sub3A_283, %squeeze3A_278 : i32
            %sub3A_285 = arith.subi %squeeze3A_271, %mul3A_284 : i32
            %mul3A_286 = arith.muli %select_n3A_281, %sub3A_285 : i32
            %add3A_287 = arith.addi %while3A_201, %mul3A_286 : i32
            %lt3A_288 = arith.constant 0 : i32
            %lt3A_289 = vector.broadcast %lt3A_288 : i32 to vector<16xi32>
            %lt3A_290 = arith.cmpi slt, %or3A_265, %lt3A_289 : vector<16xi32>
            %jit3A_291 = arith.constant 0 : i32
            %broadcast_in_dim3A_292 = vector.broadcast %jit3A_291 : i32 to vector<16xi32>
            %select_n3A_293 = arith.select %lt3A_290, %shift_left3A_30, %broadcast_in_dim3A_292 : vector<16xi1>, vector<16xi32>
            %lt3A_294 = arith.constant 0 : i32
            %lt3A_295 = vector.broadcast %lt3A_294 : i32 to vector<16xi32>
            %lt3A_296 = arith.cmpi slt, %and3A_266, %lt3A_295 : vector<16xi32>
            %jit3A_297 = arith.constant 0 : i32
            %broadcast_in_dim3A_298 = vector.broadcast %jit3A_297 : i32 to vector<16xi32>
            %select_n3A_299 = arith.select %lt3A_296, %shift_left3A_33, %broadcast_in_dim3A_298 : vector<16xi1>, vector<16xi32>
            %or3A_300 = arith.ori %select_n3A_293, %select_n3A_299 : vector<16xi32>
            %broadcast_in_dim3A_301 = arith.constant true
            %broadcast_in_dim3A_302 = vector.broadcast %broadcast_in_dim3A_301 : i1 to vector<16xi1>
            %masked_cumsum3A_303 = tpu.scan <sum>, %or3A_300 masked %broadcast_in_dim3A_302 : vector<16xi32>, vector<16xi1> -> vector<16xi32>
            %slice3A_304 = vector.extract_strided_slice %masked_cumsum3A_303 {offsets = [15], sizes = [1], strides = [1]} : vector<16xi32> to vector<1xi32>
            %squeeze3A_305 = vector.extract %slice3A_304[0] : i32 from vector<1xi32>
            %and3A_306 = arith.constant 65535 : i32
            %and3A_307 = arith.andi %squeeze3A_305, %and3A_306 : i32
            %shift_right_logical3A_308 = arith.constant 16 : i32
            %shift_right_logical3A_309 = arith.shrui %squeeze3A_305, %shift_right_logical3A_308 : i32
            %and3A_310 = arith.constant 65535 : i32
            %and3A_311 = arith.andi %shift_right_logical3A_309, %and3A_310 : i32
            %shift_left3A_312 = arith.constant 1 : i32
            %shift_left3A_313 = arith.shli %and3A_307, %shift_left3A_312 : i32
            %or3A_314 = arith.ori %shift_left3A_313, %while3A_203 : i32
            %and3A_315 = arith.constant 65535 : i32
            %and3A_316 = arith.andi %or3A_314, %and3A_315 : i32
            %shift_left3A_317 = arith.constant 1 : i32
            %shift_left3A_318 = arith.shli %and3A_311, %shift_left3A_317 : i32
            %or3A_319 = arith.ori %shift_left3A_318, %while3A_204 : i32
            %and3A_320 = arith.constant 65535 : i32
            %and3A_321 = arith.andi %or3A_319, %and3A_320 : i32
            %shift_right_logical3A_322 = arith.constant 15 : i32
            %shift_right_logical3A_323 = arith.shrui %and3A_307, %shift_right_logical3A_322 : i32
            %and3A_324 = arith.constant 1 : i32
            %and3A_325 = arith.andi %shift_right_logical3A_323, %and3A_324 : i32
            %shift_right_logical3A_326 = arith.constant 15 : i32
            %shift_right_logical3A_327 = arith.shrui %and3A_311, %shift_right_logical3A_326 : i32
            %and3A_328 = arith.constant 1 : i32
            %and3A_329 = arith.andi %shift_right_logical3A_327, %and3A_328 : i32
            %shift_left3A_330 = arith.constant 1 : i32
            %shift_left3A_331 = vector.broadcast %shift_left3A_330 : i32 to vector<16xi32>
            %shift_left3A_332 = arith.shli %or3A_265, %shift_left3A_331 : vector<16xi32>
            %broadcast_in_dim3A_333 = vector.broadcast %and3A_316 : i32 to vector<16xi32>
            %shift_right_logical3A_334 = arith.shrui %broadcast_in_dim3A_333, %iota3A : vector<16xi32>
            %and3A_335 = arith.constant 1 : i32
            %and3A_336 = vector.broadcast %and3A_335 : i32 to vector<16xi32>
            %and3A_337 = arith.andi %shift_right_logical3A_334, %and3A_336 : vector<16xi32>
            %or3A_338 = arith.ori %shift_left3A_332, %and3A_337 : vector<16xi32>
            %shift_left3A_339 = arith.constant 1 : i32
            %shift_left3A_340 = vector.broadcast %shift_left3A_339 : i32 to vector<16xi32>
            %shift_left3A_341 = arith.shli %and3A_266, %shift_left3A_340 : vector<16xi32>
            %broadcast_in_dim3A_342 = vector.broadcast %and3A_321 : i32 to vector<16xi32>
            %shift_right_logical3A_343 = arith.shrui %broadcast_in_dim3A_342, %iota3A : vector<16xi32>
            %and3A_344 = arith.constant 1 : i32
            %and3A_345 = vector.broadcast %and3A_344 : i32 to vector<16xi32>
            %and3A_346 = arith.andi %shift_right_logical3A_343, %and3A_345 : vector<16xi32>
            %or3A_347 = arith.ori %shift_left3A_341, %and3A_346 : vector<16xi32>
            %or3A_348 = arith.ori %or3A_261, %or3A_338 : vector<16xi32>
            %not3A_349 = arith.constant dense<-1> : vector<16xi32>
            %not3A_350 = arith.xori %or3A_348, %not3A_349 : vector<16xi32>
            %or3A_351 = arith.ori %or3A_347, %not3A_350 : vector<16xi32>
            %mul3A_352 = arith.constant 16 : i32
            %mul3A_353 = arith.muli %while3A_200, %mul3A_352 : i32
            %swap3A = arith.index_cast %mul3A_353 : i32 to index
            %swap3A_354 = tpu.vector_load %arg12[%swap3A] {strides = array<i32>} : memref<384xi32, #tpu.memory_space<vmem>>, vector<16xi32>,
            tpu.vector_store %arg12[%swap3A], %or3A_351 {strides = array<i32>} : memref<384xi32, #tpu.memory_space<vmem>>, vector<16xi32>,
            %and3A_355 = arith.andi %or3A_338, %or3A_261 : vector<16xi32>
            %mul3A_356 = arith.constant 16 : i32
            %mul3A_357 = arith.muli %while3A_200, %mul3A_356 : i32
            %swap3A_358 = arith.index_cast %mul3A_357 : i32 to index
            %swap3A_359 = tpu.vector_load %arg13[%swap3A_358] {strides = array<i32>} : memref<384xi32, #tpu.memory_space<vmem>>, vector<16xi32>,
            tpu.vector_store %arg13[%swap3A_358], %and3A_355 {strides = array<i32>} : memref<384xi32, #tpu.memory_space<vmem>>, vector<16xi32>,
            scf.yield %add3A_287, %and3A_252, %and3A_325, %and3A_329 : i32, i32, i32, i32
          }
          %while3A_198 = arith.constant 1 : i32
          %while3A_199:4 = scf.for %while3A_200 = %while3A_195 to %while3A_191 step %while3A_198 iter_args(%while3A_201 = %while3A_197#0, %while3A_202 = %while3A_197#1, %while3A_203 = %while3A_197#2, %while3A_204 = %while3A_197#3) -> (i32, i32, i32, i32)  : i32 {
            %mul3A_205 = arith.constant 16 : i32
            %mul3A_206 = arith.muli %while3A_200, %mul3A_205 : i32
            %add3A_207 = arith.addi %mul3A_185, %mul3A_206 : i32
            %get3A = arith.index_cast %add3A_207 : i32 to index
            %get3A_208 = tpu.vector_load %arg11[%get3A] {strides = array<i32>} : memref<38400xi32, #tpu.memory_space<vmem>>, vector<16xi32>,
            %mul3A_209 = arith.constant 16 : i32
            %mul3A_210 = arith.muli %while3A_200, %mul3A_209 : i32
            %get3A_211 = arith.index_cast %mul3A_210 : i32 to index
            %get3A_212 = tpu.vector_load %arg12[%get3A_211] {strides = array<i32>} : memref<384xi32, #tpu.memory_space<vmem>>, vector<16xi32>,
            %mul3A_213 = arith.constant 16 : i32
            %mul3A_214 = arith.muli %while3A_200, %mul3A_213 : i32
            %get3A_215 = arith.index_cast %mul3A_214 : i32 to index
            %get3A_216 = tpu.vector_load %arg13[%get3A_215] {strides = array<i32>} : memref<384xi32, #tpu.memory_space<vmem>>, vector<16xi32>,
            %and3A_217 = arith.andi %get3A_208, %get3A_212 : vector<16xi32>
            %add3A_218 = arith.addi %and3A_217, %get3A_212 : vector<16xi32>
            %and3A_219 = arith.andi %and3A_217, %get3A_212 : vector<16xi32>
            %or3A = arith.ori %and3A_217, %get3A_212 : vector<16xi32>
            %not3A = arith.constant dense<-1> : vector<16xi32>
            %not3A_220 = arith.xori %add3A_218, %not3A : vector<16xi32>
            %and3A_221 = arith.andi %or3A, %not3A_220 : vector<16xi32>
            %or3A_222 = arith.ori %and3A_219, %and3A_221 : vector<16xi32>
            %lt3A_223 = arith.constant 0 : i32
            %lt3A_224 = vector.broadcast %lt3A_223 : i32 to vector<16xi32>
            %lt3A_225 = arith.cmpi slt, %or3A_222, %lt3A_224 : vector<16xi32>
            %jit3A_226 = arith.constant 0 : i32
            %broadcast_in_dim3A_227 = vector.broadcast %jit3A_226 : i32 to vector<16xi32>
            %select_n3A_228 = arith.select %lt3A_225, %shift_left3A_30, %broadcast_in_dim3A_227 : vector<16xi1>, vector<16xi32>
            %eq3A_229 = arith.constant -1 : i32
            %eq3A_230 = vector.broadcast %eq3A_229 : i32 to vector<16xi32>
            %eq3A_231 = arith.cmpi eq, %add3A_218, %eq3A_230 : vector<16xi32>
            %jit3A_232 = arith.constant 0 : i32
            %broadcast_in_dim3A_233 = vector.broadcast %jit3A_232 : i32 to vector<16xi32>
            %select_n3A_234 = arith.select %eq3A_231, %shift_left3A_33, %broadcast_in_dim3A_233 : vector<16xi1>, vector<16xi32>
            %or3A_235 = arith.ori %select_n3A_228, %select_n3A_234 : vector<16xi32>
            %broadcast_in_dim3A_236 = arith.constant true
            %broadcast_in_dim3A_237 = vector.broadcast %broadcast_in_dim3A_236 : i1 to vector<16xi1>
            %masked_cumsum3A = tpu.scan <sum>, %or3A_235 masked %broadcast_in_dim3A_237 : vector<16xi32>, vector<16xi1> -> vector<16xi32>
            %slice3A_238 = vector.extract_strided_slice %masked_cumsum3A {offsets = [15], sizes = [1], strides = [1]} : vector<16xi32> to vector<1xi32>
            %squeeze3A_239 = vector.extract %slice3A_238[0] : i32 from vector<1xi32>
            %and3A_240 = arith.constant 65535 : i32
            %and3A_241 = arith.andi %squeeze3A_239, %and3A_240 : i32
            %shift_right_logical3A = arith.constant 16 : i32
            %shift_right_logical3A_242 = arith.shrui %squeeze3A_239, %shift_right_logical3A : i32
            %and3A_243 = arith.constant 65535 : i32
            %and3A_244 = arith.andi %shift_right_logical3A_242, %and3A_243 : i32
            %or3A_245 = arith.ori %and3A_241, %and3A_244 : i32
            %add3A_246 = arith.addi %or3A_245, %and3A_241 : i32
            %add3A_247 = arith.addi %add3A_246, %while3A_202 : i32
            %xor3A = arith.xori %add3A_247, %or3A_245 : i32
            %xor3A_248 = arith.xori %xor3A, %and3A_241 : i32
            %shift_right_logical3A_249 = arith.constant 16 : i32
            %shift_right_logical3A_250 = arith.shrui %add3A_247, %shift_right_logical3A_249 : i32
            %and3A_251 = arith.constant 1 : i32
            %and3A_252 = arith.andi %shift_right_logical3A_250, %and3A_251 : i32
            %broadcast_in_dim3A_253 = vector.broadcast %xor3A_248 : i32 to vector<16xi32>
            %shift_right_logical3A_254 = arith.shrui %broadcast_in_dim3A_253, %iota3A : vector<16xi32>
            %and3A_255 = arith.constant 1 : i32
            %and3A_256 = vector.broadcast %and3A_255 : i32 to vector<16xi32>
            %and3A_257 = arith.andi %shift_right_logical3A_254, %and3A_256 : vector<16xi32>
            %add3A_258 = arith.addi %add3A_218, %and3A_257 : vector<16xi32>
            %xor3A_259 = arith.xori %add3A_258, %get3A_212 : vector<16xi32>
            %or3A_260 = arith.ori %xor3A_259, %get3A_208 : vector<16xi32>
            %or3A_261 = arith.ori %or3A_260, %get3A_216 : vector<16xi32>
            %or3A_262 = arith.ori %or3A_261, %get3A_212 : vector<16xi32>
            %not3A_263 = arith.constant dense<-1> : vector<16xi32>
            %not3A_264 = arith.xori %or3A_262, %not3A_263 : vector<16xi32>
            %or3A_265 = arith.ori %get3A_216, %not3A_264 : vector<16xi32>
            %and3A_266 = arith.andi %get3A_212, %or3A_261 : vector<16xi32>
            %and3A_267 = arith.andi %or3A_265, %select_n3A_149 : vector<16xi32>
            %ne3A = arith.constant 0 : i32
            %ne3A_268 = vector.broadcast %ne3A : i32 to vector<16xi32>
            %ne3A_269 = arith.cmpi ne, %and3A_267, %ne3A_268 : vector<16xi32>
            %all_reduce_population_count3A = tpu.all_reduce %ne3A_269 {dim = 0 : i64, kind = #tpu.reduction_kind<sum>} : vector<16xi1> -> vector<16xi32>
            %slice3A_270 = vector.extract_strided_slice %all_reduce_population_count3A {offsets = [0], sizes = [1], strides = [1]} : vector<16xi32> to vector<1xi32>
            %squeeze3A_271 = vector.extract %slice3A_270[0] : i32 from vector<1xi32>
            %and3A_272 = arith.andi %and3A_266, %select_n3A_149 : vector<16xi32>
            %ne3A_273 = arith.constant 0 : i32
            %ne3A_274 = vector.broadcast %ne3A_273 : i32 to vector<16xi32>
            %ne3A_275 = arith.cmpi ne, %and3A_272, %ne3A_274 : vector<16xi32>
            %all_reduce_population_count3A_276 = tpu.all_reduce %ne3A_275 {dim = 0 : i64, kind = #tpu.reduction_kind<sum>} : vector<16xi1> -> vector<16xi32>
            %slice3A_277 = vector.extract_strided_slice %all_reduce_population_count3A_276 {offsets = [0], sizes = [1], strides = [1]} : vector<16xi32> to vector<1xi32>
            %squeeze3A_278 = vector.extract %slice3A_277[0] : i32 from vector<1xi32>
            %eq3A_279 = arith.cmpi eq, %while3A_200, %shift_right_arithmetic3A_137 : i32
            %jit3A_280 = arith.constant 0 : i32
            %select_n3A_281 = arith.select %eq3A_279, %while3A_34, %jit3A_280 : i32
            %sub3A_282 = arith.constant 1 : i32
            %sub3A_283 = arith.subi %sub3A_282, %squeeze3A_271 : i32
            %mul3A_284 = arith.muli %sub3A_283, %squeeze3A_278 : i32
            %sub3A_285 = arith.subi %squeeze3A_271, %mul3A_284 : i32
            %mul3A_286 = arith.muli %select_n3A_281, %sub3A_285 : i32
            %add3A_287 = arith.addi %while3A_201, %mul3A_286 : i32
            %lt3A_288 = arith.constant 0 : i32
            %lt3A_289 = vector.broadcast %lt3A_288 : i32 to vector<16xi32>
            %lt3A_290 = arith.cmpi slt, %or3A_265, %lt3A_289 : vector<16xi32>
            %jit3A_291 = arith.constant 0 : i32
            %broadcast_in_dim3A_292 = vector.broadcast %jit3A_291 : i32 to vector<16xi32>
            %select_n3A_293 = arith.select %lt3A_290, %shift_left3A_30, %broadcast_in_dim3A_292 : vector<16xi1>, vector<16xi32>
            %lt3A_294 = arith.constant 0 : i32
            %lt3A_295 = vector.broadcast %lt3A_294 : i32 to vector<16xi32>
            %lt3A_296 = arith.cmpi slt, %and3A_266, %lt3A_295 : vector<16xi32>
            %jit3A_297 = arith.constant 0 : i32
            %broadcast_in_dim3A_298 = vector.broadcast %jit3A_297 : i32 to vector<16xi32>
            %select_n3A_299 = arith.select %lt3A_296, %shift_left3A_33, %broadcast_in_dim3A_298 : vector<16xi1>, vector<16xi32>
            %or3A_300 = arith.ori %select_n3A_293, %select_n3A_299 : vector<16xi32>
            %broadcast_in_dim3A_301 = arith.constant true
            %broadcast_in_dim3A_302 = vector.broadcast %broadcast_in_dim3A_301 : i1 to vector<16xi1>
            %masked_cumsum3A_303 = tpu.scan <sum>, %or3A_300 masked %broadcast_in_dim3A_302 : vector<16xi32>, vector<16xi1> -> vector<16xi32>
            %slice3A_304 = vector.extract_strided_slice %masked_cumsum3A_303 {offsets = [15], sizes = [1], strides = [1]} : vector<16xi32> to vector<1xi32>
            %squeeze3A_305 = vector.extract %slice3A_304[0] : i32 from vector<1xi32>
            %and3A_306 = arith.constant 65535 : i32
            %and3A_307 = arith.andi %squeeze3A_305, %and3A_306 : i32
            %shift_right_logical3A_308 = arith.constant 16 : i32
            %shift_right_logical3A_309 = arith.shrui %squeeze3A_305, %shift_right_logical3A_308 : i32
            %and3A_310 = arith.constant 65535 : i32
            %and3A_311 = arith.andi %shift_right_logical3A_309, %and3A_310 : i32
            %shift_left3A_312 = arith.constant 1 : i32
            %shift_left3A_313 = arith.shli %and3A_307, %shift_left3A_312 : i32
            %or3A_314 = arith.ori %shift_left3A_313, %while3A_203 : i32
            %and3A_315 = arith.constant 65535 : i32
            %and3A_316 = arith.andi %or3A_314, %and3A_315 : i32
            %shift_left3A_317 = arith.constant 1 : i32
            %shift_left3A_318 = arith.shli %and3A_311, %shift_left3A_317 : i32
            %or3A_319 = arith.ori %shift_left3A_318, %while3A_204 : i32
            %and3A_320 = arith.constant 65535 : i32
            %and3A_321 = arith.andi %or3A_319, %and3A_320 : i32
            %shift_right_logical3A_322 = arith.constant 15 : i32
            %shift_right_logical3A_323 = arith.shrui %and3A_307, %shift_right_logical3A_322 : i32
            %and3A_324 = arith.constant 1 : i32
            %and3A_325 = arith.andi %shift_right_logical3A_323, %and3A_324 : i32
            %shift_right_logical3A_326 = arith.constant 15 : i32
            %shift_right_logical3A_327 = arith.shrui %and3A_311, %shift_right_logical3A_326 : i32
            %and3A_328 = arith.constant 1 : i32
            %and3A_329 = arith.andi %shift_right_logical3A_327, %and3A_328 : i32
            %shift_left3A_330 = arith.constant 1 : i32
            %shift_left3A_331 = vector.broadcast %shift_left3A_330 : i32 to vector<16xi32>
            %shift_left3A_332 = arith.shli %or3A_265, %shift_left3A_331 : vector<16xi32>
            %broadcast_in_dim3A_333 = vector.broadcast %and3A_316 : i32 to vector<16xi32>
            %shift_right_logical3A_334 = arith.shrui %broadcast_in_dim3A_333, %iota3A : vector<16xi32>
            %and3A_335 = arith.constant 1 : i32
            %and3A_336 = vector.broadcast %and3A_335 : i32 to vector<16xi32>
            %and3A_337 = arith.andi %shift_right_logical3A_334, %and3A_336 : vector<16xi32>
            %or3A_338 = arith.ori %shift_left3A_332, %and3A_337 : vector<16xi32>
            %shift_left3A_339 = arith.constant 1 : i32
            %shift_left3A_340 = vector.broadcast %shift_left3A_339 : i32 to vector<16xi32>
            %shift_left3A_341 = arith.shli %and3A_266, %shift_left3A_340 : vector<16xi32>
            %broadcast_in_dim3A_342 = vector.broadcast %and3A_321 : i32 to vector<16xi32>
            %shift_right_logical3A_343 = arith.shrui %broadcast_in_dim3A_342, %iota3A : vector<16xi32>
            %and3A_344 = arith.constant 1 : i32
            %and3A_345 = vector.broadcast %and3A_344 : i32 to vector<16xi32>
            %and3A_346 = arith.andi %shift_right_logical3A_343, %and3A_345 : vector<16xi32>
            %or3A_347 = arith.ori %shift_left3A_341, %and3A_346 : vector<16xi32>
            %or3A_348 = arith.ori %or3A_261, %or3A_338 : vector<16xi32>
            %not3A_349 = arith.constant dense<-1> : vector<16xi32>
            %not3A_350 = arith.xori %or3A_348, %not3A_349 : vector<16xi32>
            %or3A_351 = arith.ori %or3A_347, %not3A_350 : vector<16xi32>
            %mul3A_352 = arith.constant 16 : i32
            %mul3A_353 = arith.muli %while3A_200, %mul3A_352 : i32
            %swap3A = arith.index_cast %mul3A_353 : i32 to index
            %swap3A_354 = tpu.vector_load %arg12[%swap3A] {strides = array<i32>} : memref<384xi32, #tpu.memory_space<vmem>>, vector<16xi32>,
            tpu.vector_store %arg12[%swap3A], %or3A_351 {strides = array<i32>} : memref<384xi32, #tpu.memory_space<vmem>>, vector<16xi32>,
            %and3A_355 = arith.andi %or3A_338, %or3A_261 : vector<16xi32>
            %mul3A_356 = arith.constant 16 : i32
            %mul3A_357 = arith.muli %while3A_200, %mul3A_356 : i32
            %swap3A_358 = arith.index_cast %mul3A_357 : i32 to index
            %swap3A_359 = tpu.vector_load %arg13[%swap3A_358] {strides = array<i32>} : memref<384xi32, #tpu.memory_space<vmem>>, vector<16xi32>,
            tpu.vector_store %arg13[%swap3A_358], %and3A_355 {strides = array<i32>} : memref<384xi32, #tpu.memory_space<vmem>>, vector<16xi32>,
            scf.yield %add3A_287, %and3A_252, %and3A_325, %and3A_329 : i32, i32, i32, i32
          }
          scf.yield %while3A_199#0 : i32
        }
        scf.yield %while3A_177 : i32
      }
      %broadcast_in_dim3A_164 = vector.broadcast %while3A_65 : i32 to vector<16xi32>
      %broadcast_in_dim3A_165 = vector.broadcast %cond3A_163 : i32 to vector<16xi32>
      tpu.vector_store_idx %arg15[%broadcast_in_dim3A_164], %broadcast_in_dim3A_165 : memref<784xi32, #tpu.memory_space<vmem>>[vector<16xi32>], vector<16xi32>,
      %while3A_166 = arith.constant 0 : i32
      scf.yield %while3A_166 : i32
    }
    %while3A_45 = arith.constant 1 : i32
    %while3A_46 = scf.for %while3A_65 = %while3A_42 to %while3A_38 step %while3A_45 iter_args(%while3A_66 = %while3A_44) -> (i32)  : i32 {
      %broadcast_in_dim3A_67 = vector.broadcast %while3A_65 : i32 to vector<16xi32>
      %gather3A_68 = tpu.vector_load_idx %arg14[%broadcast_in_dim3A_67] : memref<784xi32, #tpu.memory_space<vmem>>[vector<16xi32>], vector<16xi32>,
      %slice3A_69 = vector.extract_strided_slice %gather3A_68 {offsets = [0], sizes = [1], strides = [1]} : vector<16xi32> to vector<1xi32>
      %squeeze3A_70 = vector.extract %slice3A_69[0] : i32 from vector<1xi32>
      %sub3A_71 = arith.constant 1 : i32
      %sub3A_72 = arith.subi %squeeze3A_70, %sub3A_71 : i32
      %max3A_73 = arith.constant 0 : i32
      %max3A_74 = arith.maxsi %sub3A_72, %max3A_73 : i32
      %lt3A = arith.constant 1 : i32
      %lt3A_75 = vector.broadcast %lt3A : i32 to vector<16xi32>
      %lt3A_76 = arith.cmpi slt, %iota3A, %lt3A_75 : vector<16xi32>
      %broadcast_in_dim3A_77 = vector.broadcast %squeeze3A_70 : i32 to vector<16xi32>
      %broadcast_in_dim3A_78 = vector.broadcast %max3A_74 : i32 to vector<16xi32>
      %select_n3A_79 = arith.select %lt3A_76, %broadcast_in_dim3A_77, %broadcast_in_dim3A_78 : vector<16xi1>, vector<16xi32>
      %gather3A_80 = tpu.vector_load_idx %arg10[%select_n3A_79] : memref<12288xi32, #tpu.memory_space<vmem>>[vector<16xi32>], vector<16xi32>,
      %slice3A_81 = vector.extract_strided_slice %gather3A_80 {offsets = [0], sizes = [1], strides = [1]} : vector<16xi32> to vector<1xi32>
      %squeeze3A_82 = vector.extract %slice3A_81[0] : i32 from vector<1xi32>
      %eq3A = arith.constant 0 : i32
      %eq3A_83 = arith.cmpi eq, %squeeze3A_70, %eq3A : i32
      %slice3A_84 = vector.extract_strided_slice %gather3A_80 {offsets = [1], sizes = [1], strides = [1]} : vector<16xi32> to vector<1xi32>
      %squeeze3A_85 = vector.extract %slice3A_84[0] : i32 from vector<1xi32>
      %add3A_86 = arith.constant 1 : i32
      %add3A_87 = arith.addi %squeeze3A_85, %add3A_86 : i32
      %jit3A_88 = arith.constant 0 : i32
      %select_n3A_89 = arith.select %eq3A_83, %jit3A_88, %add3A_87 : i32
      %sub3A_90 = arith.subi %squeeze3A_82, %select_n3A_89 : i32
      %add3A_91 = arith.constant 511 : i32
      %add3A_92 = arith.addi %sub3A_90, %add3A_91 : i32
      %shift_right_arithmetic3A = arith.constant 9 : i32
      %shift_right_arithmetic3A_93 = arith.shrsi %add3A_92, %shift_right_arithmetic3A : i32
      %mul3A_94 = arith.constant 16 : i32
      %mul3A_95 = arith.muli %shift_right_arithmetic3A_93, %mul3A_94 : i32
      %mul3A_96 = arith.constant 100 : i32
      %mul3A_97 = arith.muli %mul3A_96, %shift_right_arithmetic3A_93 : i32
      %while3A_98 = arith.constant 0 : i32
      %while3A_99 = arith.constant 0 : i32
      %while3A_100 = arith.subi %mul3A_97, %while3A_98 : i32
      %while3A_101 = arith.addi %while3A_98, %while3A_100 : i32
      %while3A_102 = arith.constant 1 : i32
      %while3A_103 = arith.divsi %while3A_100, %while3A_102 : i32
      %while3A_104 = arith.muli %while3A_103, %while3A_102 : i32
      %while3A_105 = arith.addi %while3A_98, %while3A_104 : i32
      %while3A_106 = arith.constant 1 : i32
      %while3A_107 = scf.for %while3A_167 = %while3A_98 to %while3A_105 step %while3A_106 iter_args(%while3A_168 = %while3A_99) -> (i32)  : i32 {
        %broadcast_in_dim3A_169 = arith.constant 0 : i32
        %broadcast_in_dim3A_170 = vector.broadcast %broadcast_in_dim3A_169 : i32 to vector<16xi32>
        %mul3A_171 = arith.constant 16 : i32
        %mul3A_172 = arith.muli %while3A_167, %mul3A_171 : i32
        %swap3A = arith.index_cast %mul3A_172 : i32 to index
        %swap3A_173 = tpu.vector_load %arg11[%swap3A] {strides = array<i32>} : memref<38400xi32, #tpu.memory_space<vmem>>, vector<16xi32>,
        tpu.vector_store %arg11[%swap3A], %broadcast_in_dim3A_170 {strides = array<i32>} : memref<38400xi32, #tpu.memory_space<vmem>>, vector<16xi32>,
        %while3A_174 = arith.constant 0 : i32
        scf.yield %while3A_174 : i32
      }
      %while3A_108 = arith.constant 1 : i32
      %while3A_109 = scf.for %while3A_167 = %while3A_105 to %while3A_101 step %while3A_108 iter_args(%while3A_168 = %while3A_107) -> (i32)  : i32 {
        %broadcast_in_dim3A_169 = arith.constant 0 : i32
        %broadcast_in_dim3A_170 = vector.broadcast %broadcast_in_dim3A_169 : i32 to vector<16xi32>
        %mul3A_171 = arith.constant 16 : i32
        %mul3A_172 = arith.muli %while3A_167, %mul3A_171 : i32
        %swap3A = arith.index_cast %mul3A_172 : i32 to index
        %swap3A_173 = tpu.vector_load %arg11[%swap3A] {strides = array<i32>} : memref<38400xi32, #tpu.memory_space<vmem>>, vector<16xi32>,
        tpu.vector_store %arg11[%swap3A], %broadcast_in_dim3A_170 {strides = array<i32>} : memref<38400xi32, #tpu.memory_space<vmem>>, vector<16xi32>,
        %while3A_174 = arith.constant 0 : i32
        scf.yield %while3A_174 : i32
      }
      %while3A_110 = arith.constant 0 : i32
      %while3A_111 = arith.constant 0 : i32
      %while3A_112 = arith.subi %sub3A_90, %while3A_110 : i32
      %while3A_113 = arith.addi %while3A_110, %while3A_112 : i32
      %while3A_114 = arith.constant 1 : i32
      %while3A_115 = arith.divsi %while3A_112, %while3A_114 : i32
      %while3A_116 = arith.muli %while3A_115, %while3A_114 : i32
      %while3A_117 = arith.addi %while3A_110, %while3A_116 : i32
      %while3A_118 = arith.constant 1 : i32
      %while3A_119 = scf.for %while3A_167 = %while3A_110 to %while3A_117 step %while3A_118 iter_args(%while3A_168 = %while3A_111) -> (i32)  : i32 {
        %add3A_169 = arith.addi %select_n3A_89, %while3A_167 : i32
        %broadcast_in_dim3A_170 = vector.broadcast %add3A_169 : i32 to vector<16xi32>
        %gather3A_171 = tpu.vector_load_idx %arg7[%broadcast_in_dim3A_170] : memref<12304xi32, #tpu.memory_space<vmem>>[vector<16xi32>], vector<16xi32>,
        %shift_right_arithmetic3A_172 = arith.constant 5 : i32
        %shift_right_arithmetic3A_173 = arith.shrsi %while3A_167, %shift_right_arithmetic3A_172 : i32
        %and3A_174 = arith.constant 15 : i32
        %and3A_175 = arith.andi %shift_right_arithmetic3A_173, %and3A_174 : i32
        %shift_right_arithmetic3A_176 = arith.constant 9 : i32
        %shift_right_arithmetic3A_177 = arith.shrsi %while3A_167, %shift_right_arithmetic3A_176 : i32
        %shift_left3A_178 = arith.constant 4 : i32
        %shift_left3A_179 = arith.shli %shift_right_arithmetic3A_177, %shift_left3A_178 : i32
        %add3A_180 = arith.addi %and3A_175, %shift_left3A_179 : i32
        %mul3A_181 = vector.broadcast %mul3A_95 : i32 to vector<16xi32>
        %mul3A_182 = arith.muli %gather3A_171, %mul3A_181 : vector<16xi32>
        %add3A_183 = vector.broadcast %add3A_180 : i32 to vector<16xi32>
        %add3A_184 = arith.addi %mul3A_182, %add3A_183 : vector<16xi32>
        %gather3A_185 = tpu.vector_load_idx %arg11[%add3A_184] : memref<38400xi32, #tpu.memory_space<vmem>>[vector<16xi32>], vector<16xi32>,
        %and3A_186 = arith.constant 31 : i32
        %and3A_187 = arith.andi %while3A_167, %and3A_186 : i32
        %shift_left3A_188 = arith.shli %while3A_34, %and3A_187 : i32
        %or3A = vector.broadcast %shift_left3A_188 : i32 to vector<16xi32>
        %or3A_189 = arith.ori %gather3A_185, %or3A : vector<16xi32>
        tpu.vector_store_idx %arg11[%add3A_184], %or3A_189 : memref<38400xi32, #tpu.memory_space<vmem>>[vector<16xi32>], vector<16xi32>,
        %while3A_190 = arith.constant 0 : i32
        scf.yield %while3A_190 : i32
      }
      %while3A_120 = arith.constant 1 : i32
      %while3A_121 = scf.for %while3A_167 = %while3A_117 to %while3A_113 step %while3A_120 iter_args(%while3A_168 = %while3A_119) -> (i32)  : i32 {
        %add3A_169 = arith.addi %select_n3A_89, %while3A_167 : i32
        %broadcast_in_dim3A_170 = vector.broadcast %add3A_169 : i32 to vector<16xi32>
        %gather3A_171 = tpu.vector_load_idx %arg7[%broadcast_in_dim3A_170] : memref<12304xi32, #tpu.memory_space<vmem>>[vector<16xi32>], vector<16xi32>,
        %shift_right_arithmetic3A_172 = arith.constant 5 : i32
        %shift_right_arithmetic3A_173 = arith.shrsi %while3A_167, %shift_right_arithmetic3A_172 : i32
        %and3A_174 = arith.constant 15 : i32
        %and3A_175 = arith.andi %shift_right_arithmetic3A_173, %and3A_174 : i32
        %shift_right_arithmetic3A_176 = arith.constant 9 : i32
        %shift_right_arithmetic3A_177 = arith.shrsi %while3A_167, %shift_right_arithmetic3A_176 : i32
        %shift_left3A_178 = arith.constant 4 : i32
        %shift_left3A_179 = arith.shli %shift_right_arithmetic3A_177, %shift_left3A_178 : i32
        %add3A_180 = arith.addi %and3A_175, %shift_left3A_179 : i32
        %mul3A_181 = vector.broadcast %mul3A_95 : i32 to vector<16xi32>
        %mul3A_182 = arith.muli %gather3A_171, %mul3A_181 : vector<16xi32>
        %add3A_183 = vector.broadcast %add3A_180 : i32 to vector<16xi32>
        %add3A_184 = arith.addi %mul3A_182, %add3A_183 : vector<16xi32>
        %gather3A_185 = tpu.vector_load_idx %arg11[%add3A_184] : memref<38400xi32, #tpu.memory_space<vmem>>[vector<16xi32>], vector<16xi32>,
        %and3A_186 = arith.constant 31 : i32
        %and3A_187 = arith.andi %while3A_167, %and3A_186 : i32
        %shift_left3A_188 = arith.shli %while3A_34, %and3A_187 : i32
        %or3A = vector.broadcast %shift_left3A_188 : i32 to vector<16xi32>
        %or3A_189 = arith.ori %gather3A_185, %or3A : vector<16xi32>
        tpu.vector_store_idx %arg11[%add3A_184], %or3A_189 : memref<38400xi32, #tpu.memory_space<vmem>>[vector<16xi32>], vector<16xi32>,
        %while3A_190 = arith.constant 0 : i32
        scf.yield %while3A_190 : i32
      }
      %while3A_122 = arith.constant 0 : i32
      %while3A_123 = arith.constant 0 : i32
      %while3A_124 = arith.subi %shift_right_arithmetic3A_93, %while3A_122 : i32
      %while3A_125 = arith.addi %while3A_122, %while3A_124 : i32
      %while3A_126 = arith.constant 1 : i32
      %while3A_127 = arith.divsi %while3A_124, %while3A_126 : i32
      %while3A_128 = arith.muli %while3A_127, %while3A_126 : i32
      %while3A_129 = arith.addi %while3A_122, %while3A_128 : i32
      %while3A_130 = arith.constant 1 : i32
      %while3A_131 = scf.for %while3A_167 = %while3A_122 to %while3A_129 step %while3A_130 iter_args(%while3A_168 = %while3A_123) -> (i32)  : i32 {
        %mul3A_169 = arith.constant 512 : i32
        %mul3A_170 = arith.muli %while3A_167, %mul3A_169 : i32
        %mul3A_171 = arith.constant 32 : i32
        %mul3A_172 = vector.broadcast %mul3A_171 : i32 to vector<16xi32>
        %mul3A_173 = arith.muli %iota3A, %mul3A_172 : vector<16xi32>
        %add3A_174 = vector.broadcast %mul3A_170 : i32 to vector<16xi32>
        %add3A_175 = arith.addi %add3A_174, %mul3A_173 : vector<16xi32>
        %sub3A_176 = vector.broadcast %sub3A_90 : i32 to vector<16xi32>
        %sub3A_177 = arith.subi %sub3A_176, %add3A_175 : vector<16xi32>
        %jit3A_178 = arith.constant 0 : i32
        %jit3A_179 = arith.constant 32 : i32
        %max3A_180 = vector.broadcast %jit3A_178 : i32 to vector<16xi32>
        %max3A_181 = arith.maxsi %max3A_180, %sub3A_177 : vector<16xi32>
        %min3A = vector.broadcast %jit3A_179 : i32 to vector<16xi32>
        %min3A_182 = arith.minsi %min3A, %max3A_181 : vector<16xi32>
        %min3A_183 = arith.constant 31 : i32
        %min3A_184 = vector.broadcast %min3A_183 : i32 to vector<16xi32>
        %min3A_185 = arith.minsi %min3A_182, %min3A_184 : vector<16xi32>
        %ge3A = arith.constant 32 : i32
        %ge3A_186 = vector.broadcast %ge3A : i32 to vector<16xi32>
        %ge3A_187 = arith.cmpi sge, %min3A_182, %ge3A_186 : vector<16xi32>
        %le3A = arith.constant 0 : i32
        %le3A_188 = vector.broadcast %le3A : i32 to vector<16xi32>
        %le3A_189 = arith.cmpi sle, %min3A_182, %le3A_188 : vector<16xi32>
        %shift_left3A_190 = vector.broadcast %while3A_34 : i32 to vector<16xi32>
        %shift_left3A_191 = arith.shli %shift_left3A_190, %min3A_185 : vector<16xi32>
        %sub3A_192 = arith.constant 1 : i32
        %sub3A_193 = vector.broadcast %sub3A_192 : i32 to vector<16xi32>
        %sub3A_194 = arith.subi %shift_left3A_191, %sub3A_193 : vector<16xi32>
        %jit3A_195 = arith.constant 0 : i32
        %broadcast_in_dim3A_196 = vector.broadcast %jit3A_195 : i32 to vector<16xi32>
        %select_n3A_197 = arith.select %le3A_189, %broadcast_in_dim3A_196, %sub3A_194 : vector<16xi1>, vector<16xi32>
        %jit3A_198 = arith.constant -1 : i32
        %broadcast_in_dim3A_199 = vector.broadcast %jit3A_198 : i32 to vector<16xi32>
        %select_n3A_200 = arith.select %ge3A_187, %broadcast_in_dim3A_199, %select_n3A_197 : vector<16xi1>, vector<16xi32>
        %mul3A_201 = arith.constant 16 : i32
        %mul3A_202 = arith.muli %while3A_167, %mul3A_201 : i32
        %swap3A = arith.index_cast %mul3A_202 : i32 to index
        %swap3A_203 = tpu.vector_load %arg12[%swap3A] {strides = array<i32>} : memref<384xi32, #tpu.memory_space<vmem>>, vector<16xi32>,
        tpu.vector_store %arg12[%swap3A], %select_n3A_200 {strides = array<i32>} : memref<384xi32, #tpu.memory_space<vmem>>, vector<16xi32>,
        %broadcast_in_dim3A_204 = arith.constant 0 : i32
        %broadcast_in_dim3A_205 = vector.broadcast %broadcast_in_dim3A_204 : i32 to vector<16xi32>
        %mul3A_206 = arith.constant 16 : i32
        %mul3A_207 = arith.muli %while3A_167, %mul3A_206 : i32
        %swap3A_208 = arith.index_cast %mul3A_207 : i32 to index
        %swap3A_209 = tpu.vector_load %arg13[%swap3A_208] {strides = array<i32>} : memref<384xi32, #tpu.memory_space<vmem>>, vector<16xi32>,
        tpu.vector_store %arg13[%swap3A_208], %broadcast_in_dim3A_205 {strides = array<i32>} : memref<384xi32, #tpu.memory_space<vmem>>, vector<16xi32>,
        %while3A_210 = arith.constant 0 : i32
        scf.yield %while3A_210 : i32
      }
      %while3A_132 = arith.constant 1 : i32
      %while3A_133 = scf.for %while3A_167 = %while3A_129 to %while3A_125 step %while3A_132 iter_args(%while3A_168 = %while3A_131) -> (i32)  : i32 {
        %mul3A_169 = arith.constant 512 : i32
        %mul3A_170 = arith.muli %while3A_167, %mul3A_169 : i32
        %mul3A_171 = arith.constant 32 : i32
        %mul3A_172 = vector.broadcast %mul3A_171 : i32 to vector<16xi32>
        %mul3A_173 = arith.muli %iota3A, %mul3A_172 : vector<16xi32>
        %add3A_174 = vector.broadcast %mul3A_170 : i32 to vector<16xi32>
        %add3A_175 = arith.addi %add3A_174, %mul3A_173 : vector<16xi32>
        %sub3A_176 = vector.broadcast %sub3A_90 : i32 to vector<16xi32>
        %sub3A_177 = arith.subi %sub3A_176, %add3A_175 : vector<16xi32>
        %jit3A_178 = arith.constant 0 : i32
        %jit3A_179 = arith.constant 32 : i32
        %max3A_180 = vector.broadcast %jit3A_178 : i32 to vector<16xi32>
        %max3A_181 = arith.maxsi %max3A_180, %sub3A_177 : vector<16xi32>
        %min3A = vector.broadcast %jit3A_179 : i32 to vector<16xi32>
        %min3A_182 = arith.minsi %min3A, %max3A_181 : vector<16xi32>
        %min3A_183 = arith.constant 31 : i32
        %min3A_184 = vector.broadcast %min3A_183 : i32 to vector<16xi32>
        %min3A_185 = arith.minsi %min3A_182, %min3A_184 : vector<16xi32>
        %ge3A = arith.constant 32 : i32
        %ge3A_186 = vector.broadcast %ge3A : i32 to vector<16xi32>
        %ge3A_187 = arith.cmpi sge, %min3A_182, %ge3A_186 : vector<16xi32>
        %le3A = arith.constant 0 : i32
        %le3A_188 = vector.broadcast %le3A : i32 to vector<16xi32>
        %le3A_189 = arith.cmpi sle, %min3A_182, %le3A_188 : vector<16xi32>
        %shift_left3A_190 = vector.broadcast %while3A_34 : i32 to vector<16xi32>
        %shift_left3A_191 = arith.shli %shift_left3A_190, %min3A_185 : vector<16xi32>
        %sub3A_192 = arith.constant 1 : i32
        %sub3A_193 = vector.broadcast %sub3A_192 : i32 to vector<16xi32>
        %sub3A_194 = arith.subi %shift_left3A_191, %sub3A_193 : vector<16xi32>
        %jit3A_195 = arith.constant 0 : i32
        %broadcast_in_dim3A_196 = vector.broadcast %jit3A_195 : i32 to vector<16xi32>
        %select_n3A_197 = arith.select %le3A_189, %broadcast_in_dim3A_196, %sub3A_194 : vector<16xi1>, vector<16xi32>
        %jit3A_198 = arith.constant -1 : i32
        %broadcast_in_dim3A_199 = vector.broadcast %jit3A_198 : i32 to vector<16xi32>
        %select_n3A_200 = arith.select %ge3A_187, %broadcast_in_dim3A_199, %select_n3A_197 : vector<16xi1>, vector<16xi32>
        %mul3A_201 = arith.constant 16 : i32
        %mul3A_202 = arith.muli %while3A_167, %mul3A_201 : i32
        %swap3A = arith.index_cast %mul3A_202 : i32 to index
        %swap3A_203 = tpu.vector_load %arg12[%swap3A] {strides = array<i32>} : memref<384xi32, #tpu.memory_space<vmem>>, vector<16xi32>,
        tpu.vector_store %arg12[%swap3A], %select_n3A_200 {strides = array<i32>} : memref<384xi32, #tpu.memory_space<vmem>>, vector<16xi32>,
        %broadcast_in_dim3A_204 = arith.constant 0 : i32
        %broadcast_in_dim3A_205 = vector.broadcast %broadcast_in_dim3A_204 : i32 to vector<16xi32>
        %mul3A_206 = arith.constant 16 : i32
        %mul3A_207 = arith.muli %while3A_167, %mul3A_206 : i32
        %swap3A_208 = arith.index_cast %mul3A_207 : i32 to index
        %swap3A_209 = tpu.vector_load %arg13[%swap3A_208] {strides = array<i32>} : memref<384xi32, #tpu.memory_space<vmem>>, vector<16xi32>,
        tpu.vector_store %arg13[%swap3A_208], %broadcast_in_dim3A_205 {strides = array<i32>} : memref<384xi32, #tpu.memory_space<vmem>>, vector<16xi32>,
        %while3A_210 = arith.constant 0 : i32
        scf.yield %while3A_210 : i32
      }
      %sub3A_134 = arith.constant 1 : i32
      %sub3A_135 = arith.subi %sub3A_90, %sub3A_134 : i32
      %shift_right_arithmetic3A_136 = arith.constant 9 : i32
      %shift_right_arithmetic3A_137 = arith.shrsi %sub3A_135, %shift_right_arithmetic3A_136 : i32
      %shift_right_arithmetic3A_138 = arith.constant 5 : i32
      %shift_right_arithmetic3A_139 = arith.shrsi %sub3A_135, %shift_right_arithmetic3A_138 : i32
      %and3A = arith.constant 15 : i32
      %and3A_140 = arith.andi %shift_right_arithmetic3A_139, %and3A : i32
      %eq3A_141 = vector.broadcast %and3A_140 : i32 to vector<16xi32>
      %eq3A_142 = arith.cmpi eq, %iota3A, %eq3A_141 : vector<16xi32>
      %and3A_143 = arith.constant 31 : i32
      %and3A_144 = arith.andi %sub3A_135, %and3A_143 : i32
      %shift_left3A_145 = arith.shli %while3A_34, %and3A_144 : i32
      %jit3A_146 = arith.constant 0 : i32
      %broadcast_in_dim3A_147 = vector.broadcast %shift_left3A_145 : i32 to vector<16xi32>
      %broadcast_in_dim3A_148 = vector.broadcast %jit3A_146 : i32 to vector<16xi32>
      %select_n3A_149 = arith.select %eq3A_142, %broadcast_in_dim3A_147, %broadcast_in_dim3A_148 : vector<16xi1>, vector<16xi32>
      %sub3A_150 = arith.constant 1 : i32
      %sub3A_151 = vector.broadcast %sub3A_150 : i32 to vector<16xi32>
      %sub3A_152 = arith.subi %iota3A, %sub3A_151 : vector<16xi32>
      %max3A_153 = arith.constant 0 : i32
      %max3A_154 = vector.broadcast %max3A_153 : i32 to vector<16xi32>
      %max3A_155 = arith.maxsi %sub3A_152, %max3A_154 : vector<16xi32>
      %eq3A_156 = arith.constant 0 : i32
      %eq3A_157 = vector.broadcast %eq3A_156 : i32 to vector<16xi32>
      %eq3A_158 = arith.cmpi eq, %iota3A, %eq3A_157 : vector<16xi32>
      %eq3A_159 = arith.constant 1 : i32
      %eq3A_160 = arith.cmpi eq, %shift_right_arithmetic3A_93, %eq3A_159 : i32
      %convert_element_type3A = arith.extui %eq3A_160 : i1 to i32
      %cond3A = arith.constant 0 : i32
      %cond3A_161 = arith.constant 0 : i32
      %cond3A_162 = arith.cmpi ne, %convert_element_type3A, %cond3A_161 : i32
      %cond3A_163 = scf.if %cond3A_162 -> (i32) {
        %get3A = arith.constant 0 : index
        %get3A_167 = tpu.vector_load %arg12[%get3A] {strides = array<i32>} : memref<384xi32, #tpu.memory_space<vmem>>, vector<16xi32>,
        %broadcast_in_dim3A_168 = arith.constant 0 : i32
        %broadcast_in_dim3A_169 = vector.broadcast %broadcast_in_dim3A_168 : i32 to vector<16xi32>
        %while3A_170 = arith.constant 0 : i32
        %while3A_171 = arith.subi %sub3A_90, %while3A_170 : i32
        %while3A_172 = arith.addi %while3A_170, %while3A_171 : i32
        %while3A_173 = arith.constant 1 : i32
        %while3A_174 = arith.divsi %while3A_171, %while3A_173 : i32
        %while3A_175 = arith.muli %while3A_174, %while3A_173 : i32
        %while3A_176 = arith.addi %while3A_170, %while3A_175 : i32
        %while3A_177 = arith.constant 1 : i32
        %while3A_178:3 = scf.for %while3A_186 = %while3A_170 to %while3A_176 step %while3A_177 iter_args(%while3A_187 = %get3A_167, %while3A_188 = %broadcast_in_dim3A_169, %while3A_189 = %broadcast_in_dim3A_169) -> (vector<16xi32>, vector<16xi32>, vector<16xi32>)  : i32 {
          %add3A_190 = arith.addi %select_n3A_89, %while3A_186 : i32
          %broadcast_in_dim3A_191 = vector.broadcast %add3A_190 : i32 to vector<16xi32>
          %gather3A_192 = tpu.vector_load_idx %arg8[%broadcast_in_dim3A_191] : memref<12304xi32, #tpu.memory_space<vmem>>[vector<16xi32>], vector<16xi32>,
          %mul3A_193 = arith.constant 16 : i32
          %mul3A_194 = vector.broadcast %mul3A_193 : i32 to vector<16xi32>
          %mul3A_195 = arith.muli %gather3A_192, %mul3A_194 : vector<16xi32>
          %add3A_196 = arith.addi %mul3A_195, %iota3A : vector<16xi32>
          %gather3A_197 = tpu.vector_load_idx %arg11[%add3A_196] : memref<38400xi32, #tpu.memory_space<vmem>>[vector<16xi32>], vector<16xi32>,
          %and3A_198 = arith.andi %gather3A_197, %while3A_187 : vector<16xi32>
          %add3A_199 = arith.addi %and3A_198, %while3A_187 : vector<16xi32>
          %and3A_200 = arith.andi %and3A_198, %while3A_187 : vector<16xi32>
          %or3A = arith.ori %and3A_198, %while3A_187 : vector<16xi32>
          %not3A = arith.constant dense<-1> : vector<16xi32>
          %not3A_201 = arith.xori %add3A_199, %not3A : vector<16xi32>
          %and3A_202 = arith.andi %or3A, %not3A_201 : vector<16xi32>
          %or3A_203 = arith.ori %and3A_200, %and3A_202 : vector<16xi32>
          %lt3A_204 = arith.constant 0 : i32
          %lt3A_205 = vector.broadcast %lt3A_204 : i32 to vector<16xi32>
          %lt3A_206 = arith.cmpi slt, %or3A_203, %lt3A_205 : vector<16xi32>
          %jit3A_207 = arith.constant 0 : i32
          %broadcast_in_dim3A_208 = vector.broadcast %jit3A_207 : i32 to vector<16xi32>
          %select_n3A_209 = arith.select %lt3A_206, %shift_left3A_30, %broadcast_in_dim3A_208 : vector<16xi1>, vector<16xi32>
          %eq3A_210 = arith.constant -1 : i32
          %eq3A_211 = vector.broadcast %eq3A_210 : i32 to vector<16xi32>
          %eq3A_212 = arith.cmpi eq, %add3A_199, %eq3A_211 : vector<16xi32>
          %jit3A_213 = arith.constant 0 : i32
          %broadcast_in_dim3A_214 = vector.broadcast %jit3A_213 : i32 to vector<16xi32>
          %select_n3A_215 = arith.select %eq3A_212, %shift_left3A_33, %broadcast_in_dim3A_214 : vector<16xi1>, vector<16xi32>
          %or3A_216 = arith.ori %select_n3A_209, %select_n3A_215 : vector<16xi32>
          %broadcast_in_dim3A_217 = arith.constant true
          %broadcast_in_dim3A_218 = vector.broadcast %broadcast_in_dim3A_217 : i1 to vector<16xi1>
          %masked_cumsum3A_219 = tpu.scan <sum>, %or3A_216 masked %broadcast_in_dim3A_218 : vector<16xi32>, vector<16xi1> -> vector<16xi32>
          %sub3A_220 = arith.subi %masked_cumsum3A_219, %or3A_216 : vector<16xi32>
          %and3A_221 = arith.constant 65535 : i32
          %and3A_222 = vector.broadcast %and3A_221 : i32 to vector<16xi32>
          %and3A_223 = arith.andi %sub3A_220, %and3A_222 : vector<16xi32>
          %shift_right_logical3A = arith.constant 16 : i32
          %shift_right_logical3A_224 = vector.broadcast %shift_right_logical3A : i32 to vector<16xi32>
          %shift_right_logical3A_225 = arith.shrui %sub3A_220, %shift_right_logical3A_224 : vector<16xi32>
          %or3A_226 = arith.ori %and3A_223, %shift_right_logical3A_225 : vector<16xi32>
          %add3A_227 = arith.addi %or3A_226, %and3A_223 : vector<16xi32>
          %xor3A = arith.xori %add3A_227, %or3A_226 : vector<16xi32>
          %xor3A_228 = arith.xori %xor3A, %and3A_223 : vector<16xi32>
          %shift_right_logical3A_229 = arith.shrui %xor3A_228, %iota3A : vector<16xi32>
          %and3A_230 = arith.constant 1 : i32
          %and3A_231 = vector.broadcast %and3A_230 : i32 to vector<16xi32>
          %and3A_232 = arith.andi %shift_right_logical3A_229, %and3A_231 : vector<16xi32>
          %add3A_233 = arith.addi %add3A_199, %and3A_232 : vector<16xi32>
          %xor3A_234 = arith.xori %add3A_233, %while3A_187 : vector<16xi32>
          %or3A_235 = arith.ori %xor3A_234, %gather3A_197 : vector<16xi32>
          %or3A_236 = arith.ori %or3A_235, %while3A_188 : vector<16xi32>
          %or3A_237 = arith.ori %or3A_236, %while3A_187 : vector<16xi32>
          %not3A_238 = arith.constant dense<-1> : vector<16xi32>
          %not3A_239 = arith.xori %or3A_237, %not3A_238 : vector<16xi32>
          %or3A_240 = arith.ori %while3A_188, %not3A_239 : vector<16xi32>
          %and3A_241 = arith.andi %while3A_187, %or3A_236 : vector<16xi32>
          %and3A_242 = arith.andi %or3A_240, %select_n3A_149 : vector<16xi32>
          %ne3A = arith.constant 0 : i32
          %ne3A_243 = vector.broadcast %ne3A : i32 to vector<16xi32>
          %ne3A_244 = arith.cmpi ne, %and3A_242, %ne3A_243 : vector<16xi32>
          %jit3A_245 = arith.constant 0 : i32
          %broadcast_in_dim3A_246 = vector.broadcast %while3A_34 : i32 to vector<16xi32>
          %broadcast_in_dim3A_247 = vector.broadcast %jit3A_245 : i32 to vector<16xi32>
          %select_n3A_248 = arith.select %ne3A_244, %broadcast_in_dim3A_246, %broadcast_in_dim3A_247 : vector<16xi1>, vector<16xi32>
          %add3A_249 = arith.addi %while3A_189, %select_n3A_248 : vector<16xi32>
          %and3A_250 = arith.andi %and3A_241, %select_n3A_149 : vector<16xi32>
          %ne3A_251 = arith.constant 0 : i32
          %ne3A_252 = vector.broadcast %ne3A_251 : i32 to vector<16xi32>
          %ne3A_253 = arith.cmpi ne, %and3A_250, %ne3A_252 : vector<16xi32>
          %jit3A_254 = arith.constant 0 : i32
          %broadcast_in_dim3A_255 = vector.broadcast %while3A_34 : i32 to vector<16xi32>
          %broadcast_in_dim3A_256 = vector.broadcast %jit3A_254 : i32 to vector<16xi32>
          %select_n3A_257 = arith.select %ne3A_253, %broadcast_in_dim3A_255, %broadcast_in_dim3A_256 : vector<16xi1>, vector<16xi32>
          %sub3A_258 = arith.subi %add3A_249, %select_n3A_257 : vector<16xi32>
          %lt3A_259 = arith.constant 0 : i32
          %lt3A_260 = vector.broadcast %lt3A_259 : i32 to vector<16xi32>
          %lt3A_261 = arith.cmpi slt, %or3A_240, %lt3A_260 : vector<16xi32>
          %jit3A_262 = arith.constant 0 : i32
          %broadcast_in_dim3A_263 = vector.broadcast %jit3A_262 : i32 to vector<16xi32>
          %select_n3A_264 = arith.select %lt3A_261, %shift_left3A_30, %broadcast_in_dim3A_263 : vector<16xi1>, vector<16xi32>
          %lt3A_265 = arith.constant 0 : i32
          %lt3A_266 = vector.broadcast %lt3A_265 : i32 to vector<16xi32>
          %lt3A_267 = arith.cmpi slt, %and3A_241, %lt3A_266 : vector<16xi32>
          %jit3A_268 = arith.constant 0 : i32
          %broadcast_in_dim3A_269 = vector.broadcast %jit3A_268 : i32 to vector<16xi32>
          %select_n3A_270 = arith.select %lt3A_267, %shift_left3A_33, %broadcast_in_dim3A_269 : vector<16xi1>, vector<16xi32>
          %or3A_271 = arith.ori %select_n3A_264, %select_n3A_270 : vector<16xi32>
          %broadcast_in_dim3A_272 = arith.constant true
          %broadcast_in_dim3A_273 = vector.broadcast %broadcast_in_dim3A_272 : i1 to vector<16xi1>
          %masked_cumsum3A_274 = tpu.scan <sum>, %or3A_271 masked %broadcast_in_dim3A_273 : vector<16xi32>, vector<16xi1> -> vector<16xi32>
          %sub3A_275 = arith.subi %masked_cumsum3A_274, %or3A_271 : vector<16xi32>
          %and3A_276 = arith.constant 65535 : i32
          %and3A_277 = vector.broadcast %and3A_276 : i32 to vector<16xi32>
          %and3A_278 = arith.andi %sub3A_275, %and3A_277 : vector<16xi32>
          %shift_right_logical3A_279 = arith.shrui %and3A_278, %max3A_155 : vector<16xi32>
          %and3A_280 = arith.constant 1 : i32
          %and3A_281 = vector.broadcast %and3A_280 : i32 to vector<16xi32>
          %and3A_282 = arith.andi %shift_right_logical3A_279, %and3A_281 : vector<16xi32>
          %broadcast_in_dim3A_283 = vector.broadcast %while3A_34 : i32 to vector<16xi32>
          %select_n3A_284 = arith.select %eq3A_158, %broadcast_in_dim3A_283, %and3A_282 : vector<16xi1>, vector<16xi32>
          %shift_right_logical3A_285 = arith.constant 16 : i32
          %shift_right_logical3A_286 = vector.broadcast %shift_right_logical3A_285 : i32 to vector<16xi32>
          %shift_right_logical3A_287 = arith.shrui %sub3A_275, %shift_right_logical3A_286 : vector<16xi32>
          %shift_right_logical3A_288 = arith.shrui %shift_right_logical3A_287, %max3A_155 : vector<16xi32>
          %and3A_289 = arith.constant 1 : i32
          %and3A_290 = vector.broadcast %and3A_289 : i32 to vector<16xi32>
          %and3A_291 = arith.andi %shift_right_logical3A_288, %and3A_290 : vector<16xi32>
          %shift_left3A_292 = arith.constant 1 : i32
          %shift_left3A_293 = vector.broadcast %shift_left3A_292 : i32 to vector<16xi32>
          %shift_left3A_294 = arith.shli %or3A_240, %shift_left3A_293 : vector<16xi32>
          %or3A_295 = arith.ori %shift_left3A_294, %select_n3A_284 : vector<16xi32>
          %shift_left3A_296 = arith.constant 1 : i32
          %shift_left3A_297 = vector.broadcast %shift_left3A_296 : i32 to vector<16xi32>
          %shift_left3A_298 = arith.shli %and3A_241, %shift_left3A_297 : vector<16xi32>
          %or3A_299 = arith.ori %shift_left3A_298, %and3A_291 : vector<16xi32>
          %or3A_300 = arith.ori %or3A_236, %or3A_295 : vector<16xi32>
          %not3A_301 = arith.constant dense<-1> : vector<16xi32>
          %not3A_302 = arith.xori %or3A_300, %not3A_301 : vector<16xi32>
          %or3A_303 = arith.ori %or3A_299, %not3A_302 : vector<16xi32>
          %and3A_304 = arith.andi %or3A_295, %or3A_236 : vector<16xi32>
          scf.yield %or3A_303, %and3A_304, %sub3A_258 : vector<16xi32>, vector<16xi32>, vector<16xi32>
        }
        %while3A_179 = arith.constant 1 : i32
        %while3A_180:3 = scf.for %while3A_186 = %while3A_176 to %while3A_172 step %while3A_179 iter_args(%while3A_187 = %while3A_178#0, %while3A_188 = %while3A_178#1, %while3A_189 = %while3A_178#2) -> (vector<16xi32>, vector<16xi32>, vector<16xi32>)  : i32 {
          %add3A_190 = arith.addi %select_n3A_89, %while3A_186 : i32
          %broadcast_in_dim3A_191 = vector.broadcast %add3A_190 : i32 to vector<16xi32>
          %gather3A_192 = tpu.vector_load_idx %arg8[%broadcast_in_dim3A_191] : memref<12304xi32, #tpu.memory_space<vmem>>[vector<16xi32>], vector<16xi32>,
          %mul3A_193 = arith.constant 16 : i32
          %mul3A_194 = vector.broadcast %mul3A_193 : i32 to vector<16xi32>
          %mul3A_195 = arith.muli %gather3A_192, %mul3A_194 : vector<16xi32>
          %add3A_196 = arith.addi %mul3A_195, %iota3A : vector<16xi32>
          %gather3A_197 = tpu.vector_load_idx %arg11[%add3A_196] : memref<38400xi32, #tpu.memory_space<vmem>>[vector<16xi32>], vector<16xi32>,
          %and3A_198 = arith.andi %gather3A_197, %while3A_187 : vector<16xi32>
          %add3A_199 = arith.addi %and3A_198, %while3A_187 : vector<16xi32>
          %and3A_200 = arith.andi %and3A_198, %while3A_187 : vector<16xi32>
          %or3A = arith.ori %and3A_198, %while3A_187 : vector<16xi32>
          %not3A = arith.constant dense<-1> : vector<16xi32>
          %not3A_201 = arith.xori %add3A_199, %not3A : vector<16xi32>
          %and3A_202 = arith.andi %or3A, %not3A_201 : vector<16xi32>
          %or3A_203 = arith.ori %and3A_200, %and3A_202 : vector<16xi32>
          %lt3A_204 = arith.constant 0 : i32
          %lt3A_205 = vector.broadcast %lt3A_204 : i32 to vector<16xi32>
          %lt3A_206 = arith.cmpi slt, %or3A_203, %lt3A_205 : vector<16xi32>
          %jit3A_207 = arith.constant 0 : i32
          %broadcast_in_dim3A_208 = vector.broadcast %jit3A_207 : i32 to vector<16xi32>
          %select_n3A_209 = arith.select %lt3A_206, %shift_left3A_30, %broadcast_in_dim3A_208 : vector<16xi1>, vector<16xi32>
          %eq3A_210 = arith.constant -1 : i32
          %eq3A_211 = vector.broadcast %eq3A_210 : i32 to vector<16xi32>
          %eq3A_212 = arith.cmpi eq, %add3A_199, %eq3A_211 : vector<16xi32>
          %jit3A_213 = arith.constant 0 : i32
          %broadcast_in_dim3A_214 = vector.broadcast %jit3A_213 : i32 to vector<16xi32>
          %select_n3A_215 = arith.select %eq3A_212, %shift_left3A_33, %broadcast_in_dim3A_214 : vector<16xi1>, vector<16xi32>
          %or3A_216 = arith.ori %select_n3A_209, %select_n3A_215 : vector<16xi32>
          %broadcast_in_dim3A_217 = arith.constant true
          %broadcast_in_dim3A_218 = vector.broadcast %broadcast_in_dim3A_217 : i1 to vector<16xi1>
          %masked_cumsum3A_219 = tpu.scan <sum>, %or3A_216 masked %broadcast_in_dim3A_218 : vector<16xi32>, vector<16xi1> -> vector<16xi32>
          %sub3A_220 = arith.subi %masked_cumsum3A_219, %or3A_216 : vector<16xi32>
          %and3A_221 = arith.constant 65535 : i32
          %and3A_222 = vector.broadcast %and3A_221 : i32 to vector<16xi32>
          %and3A_223 = arith.andi %sub3A_220, %and3A_222 : vector<16xi32>
          %shift_right_logical3A = arith.constant 16 : i32
          %shift_right_logical3A_224 = vector.broadcast %shift_right_logical3A : i32 to vector<16xi32>
          %shift_right_logical3A_225 = arith.shrui %sub3A_220, %shift_right_logical3A_224 : vector<16xi32>
          %or3A_226 = arith.ori %and3A_223, %shift_right_logical3A_225 : vector<16xi32>
          %add3A_227 = arith.addi %or3A_226, %and3A_223 : vector<16xi32>
          %xor3A = arith.xori %add3A_227, %or3A_226 : vector<16xi32>
          %xor3A_228 = arith.xori %xor3A, %and3A_223 : vector<16xi32>
          %shift_right_logical3A_229 = arith.shrui %xor3A_228, %iota3A : vector<16xi32>
          %and3A_230 = arith.constant 1 : i32
          %and3A_231 = vector.broadcast %and3A_230 : i32 to vector<16xi32>
          %and3A_232 = arith.andi %shift_right_logical3A_229, %and3A_231 : vector<16xi32>
          %add3A_233 = arith.addi %add3A_199, %and3A_232 : vector<16xi32>
          %xor3A_234 = arith.xori %add3A_233, %while3A_187 : vector<16xi32>
          %or3A_235 = arith.ori %xor3A_234, %gather3A_197 : vector<16xi32>
          %or3A_236 = arith.ori %or3A_235, %while3A_188 : vector<16xi32>
          %or3A_237 = arith.ori %or3A_236, %while3A_187 : vector<16xi32>
          %not3A_238 = arith.constant dense<-1> : vector<16xi32>
          %not3A_239 = arith.xori %or3A_237, %not3A_238 : vector<16xi32>
          %or3A_240 = arith.ori %while3A_188, %not3A_239 : vector<16xi32>
          %and3A_241 = arith.andi %while3A_187, %or3A_236 : vector<16xi32>
          %and3A_242 = arith.andi %or3A_240, %select_n3A_149 : vector<16xi32>
          %ne3A = arith.constant 0 : i32
          %ne3A_243 = vector.broadcast %ne3A : i32 to vector<16xi32>
          %ne3A_244 = arith.cmpi ne, %and3A_242, %ne3A_243 : vector<16xi32>
          %jit3A_245 = arith.constant 0 : i32
          %broadcast_in_dim3A_246 = vector.broadcast %while3A_34 : i32 to vector<16xi32>
          %broadcast_in_dim3A_247 = vector.broadcast %jit3A_245 : i32 to vector<16xi32>
          %select_n3A_248 = arith.select %ne3A_244, %broadcast_in_dim3A_246, %broadcast_in_dim3A_247 : vector<16xi1>, vector<16xi32>
          %add3A_249 = arith.addi %while3A_189, %select_n3A_248 : vector<16xi32>
          %and3A_250 = arith.andi %and3A_241, %select_n3A_149 : vector<16xi32>
          %ne3A_251 = arith.constant 0 : i32
          %ne3A_252 = vector.broadcast %ne3A_251 : i32 to vector<16xi32>
          %ne3A_253 = arith.cmpi ne, %and3A_250, %ne3A_252 : vector<16xi32>
          %jit3A_254 = arith.constant 0 : i32
          %broadcast_in_dim3A_255 = vector.broadcast %while3A_34 : i32 to vector<16xi32>
          %broadcast_in_dim3A_256 = vector.broadcast %jit3A_254 : i32 to vector<16xi32>
          %select_n3A_257 = arith.select %ne3A_253, %broadcast_in_dim3A_255, %broadcast_in_dim3A_256 : vector<16xi1>, vector<16xi32>
          %sub3A_258 = arith.subi %add3A_249, %select_n3A_257 : vector<16xi32>
          %lt3A_259 = arith.constant 0 : i32
          %lt3A_260 = vector.broadcast %lt3A_259 : i32 to vector<16xi32>
          %lt3A_261 = arith.cmpi slt, %or3A_240, %lt3A_260 : vector<16xi32>
          %jit3A_262 = arith.constant 0 : i32
          %broadcast_in_dim3A_263 = vector.broadcast %jit3A_262 : i32 to vector<16xi32>
          %select_n3A_264 = arith.select %lt3A_261, %shift_left3A_30, %broadcast_in_dim3A_263 : vector<16xi1>, vector<16xi32>
          %lt3A_265 = arith.constant 0 : i32
          %lt3A_266 = vector.broadcast %lt3A_265 : i32 to vector<16xi32>
          %lt3A_267 = arith.cmpi slt, %and3A_241, %lt3A_266 : vector<16xi32>
          %jit3A_268 = arith.constant 0 : i32
          %broadcast_in_dim3A_269 = vector.broadcast %jit3A_268 : i32 to vector<16xi32>
          %select_n3A_270 = arith.select %lt3A_267, %shift_left3A_33, %broadcast_in_dim3A_269 : vector<16xi1>, vector<16xi32>
          %or3A_271 = arith.ori %select_n3A_264, %select_n3A_270 : vector<16xi32>
          %broadcast_in_dim3A_272 = arith.constant true
          %broadcast_in_dim3A_273 = vector.broadcast %broadcast_in_dim3A_272 : i1 to vector<16xi1>
          %masked_cumsum3A_274 = tpu.scan <sum>, %or3A_271 masked %broadcast_in_dim3A_273 : vector<16xi32>, vector<16xi1> -> vector<16xi32>
          %sub3A_275 = arith.subi %masked_cumsum3A_274, %or3A_271 : vector<16xi32>
          %and3A_276 = arith.constant 65535 : i32
          %and3A_277 = vector.broadcast %and3A_276 : i32 to vector<16xi32>
          %and3A_278 = arith.andi %sub3A_275, %and3A_277 : vector<16xi32>
          %shift_right_logical3A_279 = arith.shrui %and3A_278, %max3A_155 : vector<16xi32>
          %and3A_280 = arith.constant 1 : i32
          %and3A_281 = vector.broadcast %and3A_280 : i32 to vector<16xi32>
          %and3A_282 = arith.andi %shift_right_logical3A_279, %and3A_281 : vector<16xi32>
          %broadcast_in_dim3A_283 = vector.broadcast %while3A_34 : i32 to vector<16xi32>
          %select_n3A_284 = arith.select %eq3A_158, %broadcast_in_dim3A_283, %and3A_282 : vector<16xi1>, vector<16xi32>
          %shift_right_logical3A_285 = arith.constant 16 : i32
          %shift_right_logical3A_286 = vector.broadcast %shift_right_logical3A_285 : i32 to vector<16xi32>
          %shift_right_logical3A_287 = arith.shrui %sub3A_275, %shift_right_logical3A_286 : vector<16xi32>
          %shift_right_logical3A_288 = arith.shrui %shift_right_logical3A_287, %max3A_155 : vector<16xi32>
          %and3A_289 = arith.constant 1 : i32
          %and3A_290 = vector.broadcast %and3A_289 : i32 to vector<16xi32>
          %and3A_291 = arith.andi %shift_right_logical3A_288, %and3A_290 : vector<16xi32>
          %shift_left3A_292 = arith.constant 1 : i32
          %shift_left3A_293 = vector.broadcast %shift_left3A_292 : i32 to vector<16xi32>
          %shift_left3A_294 = arith.shli %or3A_240, %shift_left3A_293 : vector<16xi32>
          %or3A_295 = arith.ori %shift_left3A_294, %select_n3A_284 : vector<16xi32>
          %shift_left3A_296 = arith.constant 1 : i32
          %shift_left3A_297 = vector.broadcast %shift_left3A_296 : i32 to vector<16xi32>
          %shift_left3A_298 = arith.shli %and3A_241, %shift_left3A_297 : vector<16xi32>
          %or3A_299 = arith.ori %shift_left3A_298, %and3A_291 : vector<16xi32>
          %or3A_300 = arith.ori %or3A_236, %or3A_295 : vector<16xi32>
          %not3A_301 = arith.constant dense<-1> : vector<16xi32>
          %not3A_302 = arith.xori %or3A_300, %not3A_301 : vector<16xi32>
          %or3A_303 = arith.ori %or3A_299, %not3A_302 : vector<16xi32>
          %and3A_304 = arith.andi %or3A_295, %or3A_236 : vector<16xi32>
          scf.yield %or3A_303, %and3A_304, %sub3A_258 : vector<16xi32>, vector<16xi32>, vector<16xi32>
        }
        %broadcast_in_dim3A_181 = arith.constant true
        %broadcast_in_dim3A_182 = vector.broadcast %broadcast_in_dim3A_181 : i1 to vector<16xi1>
        %masked_cumsum3A = tpu.scan <sum>, %while3A_180#2 masked %broadcast_in_dim3A_182 : vector<16xi32>, vector<16xi1> -> vector<16xi32>
        %slice3A_183 = vector.extract_strided_slice %masked_cumsum3A {offsets = [15], sizes = [1], strides = [1]} : vector<16xi32> to vector<1xi32>
        %squeeze3A_184 = vector.extract %slice3A_183[0] : i32 from vector<1xi32>
        %add3A_185 = arith.addi %sub3A_90, %squeeze3A_184 : i32
        scf.yield %add3A_185 : i32
      } else {
        %while3A_167 = arith.constant 0 : i32
        %while3A_168 = arith.subi %sub3A_90, %while3A_167 : i32
        %while3A_169 = arith.addi %while3A_167, %while3A_168 : i32
        %while3A_170 = arith.constant 1 : i32
        %while3A_171 = arith.divsi %while3A_168, %while3A_170 : i32
        %while3A_172 = arith.muli %while3A_171, %while3A_170 : i32
        %while3A_173 = arith.addi %while3A_167, %while3A_172 : i32
        %while3A_174 = arith.constant 1 : i32
        %while3A_175 = scf.for %while3A_178 = %while3A_167 to %while3A_173 step %while3A_174 iter_args(%while3A_179 = %sub3A_90) -> (i32)  : i32 {
          %add3A_180 = arith.addi %select_n3A_89, %while3A_178 : i32
          %broadcast_in_dim3A_181 = vector.broadcast %add3A_180 : i32 to vector<16xi32>
          %gather3A_182 = tpu.vector_load_idx %arg8[%broadcast_in_dim3A_181] : memref<12304xi32, #tpu.memory_space<vmem>>[vector<16xi32>], vector<16xi32>,
          %slice3A_183 = vector.extract_strided_slice %gather3A_182 {offsets = [0], sizes = [1], strides = [1]} : vector<16xi32> to vector<1xi32>
          %squeeze3A_184 = vector.extract %slice3A_183[0] : i32 from vector<1xi32>
          %mul3A_185 = arith.muli %squeeze3A_184, %mul3A_95 : i32
          %while3A_186 = arith.constant 0 : i32
          %while3A_187 = arith.constant 0 : i32
          %while3A_188 = arith.constant 1 : i32
          %while3A_189 = arith.constant 0 : i32
          %while3A_190 = arith.subi %shift_right_arithmetic3A_93, %while3A_186 : i32
          %while3A_191 = arith.addi %while3A_186, %while3A_190 : i32
          %while3A_192 = arith.constant 1 : i32
          %while3A_193 = arith.divsi %while3A_190, %while3A_192 : i32
          %while3A_194 = arith.muli %while3A_193, %while3A_192 : i32
          %while3A_195 = arith.addi %while3A_186, %while3A_194 : i32
          %while3A_196 = arith.constant 1 : i32
          %while3A_197:4 = scf.for %while3A_200 = %while3A_186 to %while3A_195 step %while3A_196 iter_args(%while3A_201 = %while3A_179, %while3A_202 = %while3A_187, %while3A_203 = %while3A_188, %while3A_204 = %while3A_189) -> (i32, i32, i32, i32)  : i32 {
            %mul3A_205 = arith.constant 16 : i32
            %mul3A_206 = arith.muli %while3A_200, %mul3A_205 : i32
            %add3A_207 = arith.addi %mul3A_185, %mul3A_206 : i32
            %get3A = arith.index_cast %add3A_207 : i32 to index
            %get3A_208 = tpu.vector_load %arg11[%get3A] {strides = array<i32>} : memref<38400xi32, #tpu.memory_space<vmem>>, vector<16xi32>,
            %mul3A_209 = arith.constant 16 : i32
            %mul3A_210 = arith.muli %while3A_200, %mul3A_209 : i32
            %get3A_211 = arith.index_cast %mul3A_210 : i32 to index
            %get3A_212 = tpu.vector_load %arg12[%get3A_211] {strides = array<i32>} : memref<384xi32, #tpu.memory_space<vmem>>, vector<16xi32>,
            %mul3A_213 = arith.constant 16 : i32
            %mul3A_214 = arith.muli %while3A_200, %mul3A_213 : i32
            %get3A_215 = arith.index_cast %mul3A_214 : i32 to index
            %get3A_216 = tpu.vector_load %arg13[%get3A_215] {strides = array<i32>} : memref<384xi32, #tpu.memory_space<vmem>>, vector<16xi32>,
            %and3A_217 = arith.andi %get3A_208, %get3A_212 : vector<16xi32>
            %add3A_218 = arith.addi %and3A_217, %get3A_212 : vector<16xi32>
            %and3A_219 = arith.andi %and3A_217, %get3A_212 : vector<16xi32>
            %or3A = arith.ori %and3A_217, %get3A_212 : vector<16xi32>
            %not3A = arith.constant dense<-1> : vector<16xi32>
            %not3A_220 = arith.xori %add3A_218, %not3A : vector<16xi32>
            %and3A_221 = arith.andi %or3A, %not3A_220 : vector<16xi32>
            %or3A_222 = arith.ori %and3A_219, %and3A_221 : vector<16xi32>
            %lt3A_223 = arith.constant 0 : i32
            %lt3A_224 = vector.broadcast %lt3A_223 : i32 to vector<16xi32>
            %lt3A_225 = arith.cmpi slt, %or3A_222, %lt3A_224 : vector<16xi32>
            %jit3A_226 = arith.constant 0 : i32
            %broadcast_in_dim3A_227 = vector.broadcast %jit3A_226 : i32 to vector<16xi32>
            %select_n3A_228 = arith.select %lt3A_225, %shift_left3A_30, %broadcast_in_dim3A_227 : vector<16xi1>, vector<16xi32>
            %eq3A_229 = arith.constant -1 : i32
            %eq3A_230 = vector.broadcast %eq3A_229 : i32 to vector<16xi32>
            %eq3A_231 = arith.cmpi eq, %add3A_218, %eq3A_230 : vector<16xi32>
            %jit3A_232 = arith.constant 0 : i32
            %broadcast_in_dim3A_233 = vector.broadcast %jit3A_232 : i32 to vector<16xi32>
            %select_n3A_234 = arith.select %eq3A_231, %shift_left3A_33, %broadcast_in_dim3A_233 : vector<16xi1>, vector<16xi32>
            %or3A_235 = arith.ori %select_n3A_228, %select_n3A_234 : vector<16xi32>
            %broadcast_in_dim3A_236 = arith.constant true
            %broadcast_in_dim3A_237 = vector.broadcast %broadcast_in_dim3A_236 : i1 to vector<16xi1>
            %masked_cumsum3A = tpu.scan <sum>, %or3A_235 masked %broadcast_in_dim3A_237 : vector<16xi32>, vector<16xi1> -> vector<16xi32>
            %slice3A_238 = vector.extract_strided_slice %masked_cumsum3A {offsets = [15], sizes = [1], strides = [1]} : vector<16xi32> to vector<1xi32>
            %squeeze3A_239 = vector.extract %slice3A_238[0] : i32 from vector<1xi32>
            %and3A_240 = arith.constant 65535 : i32
            %and3A_241 = arith.andi %squeeze3A_239, %and3A_240 : i32
            %shift_right_logical3A = arith.constant 16 : i32
            %shift_right_logical3A_242 = arith.shrui %squeeze3A_239, %shift_right_logical3A : i32
            %and3A_243 = arith.constant 65535 : i32
            %and3A_244 = arith.andi %shift_right_logical3A_242, %and3A_243 : i32
            %or3A_245 = arith.ori %and3A_241, %and3A_244 : i32
            %add3A_246 = arith.addi %or3A_245, %and3A_241 : i32
            %add3A_247 = arith.addi %add3A_246, %while3A_202 : i32
            %xor3A = arith.xori %add3A_247, %or3A_245 : i32
            %xor3A_248 = arith.xori %xor3A, %and3A_241 : i32
            %shift_right_logical3A_249 = arith.constant 16 : i32
            %shift_right_logical3A_250 = arith.shrui %add3A_247, %shift_right_logical3A_249 : i32
            %and3A_251 = arith.constant 1 : i32
            %and3A_252 = arith.andi %shift_right_logical3A_250, %and3A_251 : i32
            %broadcast_in_dim3A_253 = vector.broadcast %xor3A_248 : i32 to vector<16xi32>
            %shift_right_logical3A_254 = arith.shrui %broadcast_in_dim3A_253, %iota3A : vector<16xi32>
            %and3A_255 = arith.constant 1 : i32
            %and3A_256 = vector.broadcast %and3A_255 : i32 to vector<16xi32>
            %and3A_257 = arith.andi %shift_right_logical3A_254, %and3A_256 : vector<16xi32>
            %add3A_258 = arith.addi %add3A_218, %and3A_257 : vector<16xi32>
            %xor3A_259 = arith.xori %add3A_258, %get3A_212 : vector<16xi32>
            %or3A_260 = arith.ori %xor3A_259, %get3A_208 : vector<16xi32>
            %or3A_261 = arith.ori %or3A_260, %get3A_216 : vector<16xi32>
            %or3A_262 = arith.ori %or3A_261, %get3A_212 : vector<16xi32>
            %not3A_263 = arith.constant dense<-1> : vector<16xi32>
            %not3A_264 = arith.xori %or3A_262, %not3A_263 : vector<16xi32>
            %or3A_265 = arith.ori %get3A_216, %not3A_264 : vector<16xi32>
            %and3A_266 = arith.andi %get3A_212, %or3A_261 : vector<16xi32>
            %and3A_267 = arith.andi %or3A_265, %select_n3A_149 : vector<16xi32>
            %ne3A = arith.constant 0 : i32
            %ne3A_268 = vector.broadcast %ne3A : i32 to vector<16xi32>
            %ne3A_269 = arith.cmpi ne, %and3A_267, %ne3A_268 : vector<16xi32>
            %all_reduce_population_count3A = tpu.all_reduce %ne3A_269 {dim = 0 : i64, kind = #tpu.reduction_kind<sum>} : vector<16xi1> -> vector<16xi32>
            %slice3A_270 = vector.extract_strided_slice %all_reduce_population_count3A {offsets = [0], sizes = [1], strides = [1]} : vector<16xi32> to vector<1xi32>
            %squeeze3A_271 = vector.extract %slice3A_270[0] : i32 from vector<1xi32>
            %and3A_272 = arith.andi %and3A_266, %select_n3A_149 : vector<16xi32>
            %ne3A_273 = arith.constant 0 : i32
            %ne3A_274 = vector.broadcast %ne3A_273 : i32 to vector<16xi32>
            %ne3A_275 = arith.cmpi ne, %and3A_272, %ne3A_274 : vector<16xi32>
            %all_reduce_population_count3A_276 = tpu.all_reduce %ne3A_275 {dim = 0 : i64, kind = #tpu.reduction_kind<sum>} : vector<16xi1> -> vector<16xi32>
            %slice3A_277 = vector.extract_strided_slice %all_reduce_population_count3A_276 {offsets = [0], sizes = [1], strides = [1]} : vector<16xi32> to vector<1xi32>
            %squeeze3A_278 = vector.extract %slice3A_277[0] : i32 from vector<1xi32>
            %eq3A_279 = arith.cmpi eq, %while3A_200, %shift_right_arithmetic3A_137 : i32
            %jit3A_280 = arith.constant 0 : i32
            %select_n3A_281 = arith.select %eq3A_279, %while3A_34, %jit3A_280 : i32
            %sub3A_282 = arith.constant 1 : i32
            %sub3A_283 = arith.subi %sub3A_282, %squeeze3A_271 : i32
            %mul3A_284 = arith.muli %sub3A_283, %squeeze3A_278 : i32
            %sub3A_285 = arith.subi %squeeze3A_271, %mul3A_284 : i32
            %mul3A_286 = arith.muli %select_n3A_281, %sub3A_285 : i32
            %add3A_287 = arith.addi %while3A_201, %mul3A_286 : i32
            %lt3A_288 = arith.constant 0 : i32
            %lt3A_289 = vector.broadcast %lt3A_288 : i32 to vector<16xi32>
            %lt3A_290 = arith.cmpi slt, %or3A_265, %lt3A_289 : vector<16xi32>
            %jit3A_291 = arith.constant 0 : i32
            %broadcast_in_dim3A_292 = vector.broadcast %jit3A_291 : i32 to vector<16xi32>
            %select_n3A_293 = arith.select %lt3A_290, %shift_left3A_30, %broadcast_in_dim3A_292 : vector<16xi1>, vector<16xi32>
            %lt3A_294 = arith.constant 0 : i32
            %lt3A_295 = vector.broadcast %lt3A_294 : i32 to vector<16xi32>
            %lt3A_296 = arith.cmpi slt, %and3A_266, %lt3A_295 : vector<16xi32>
            %jit3A_297 = arith.constant 0 : i32
            %broadcast_in_dim3A_298 = vector.broadcast %jit3A_297 : i32 to vector<16xi32>
            %select_n3A_299 = arith.select %lt3A_296, %shift_left3A_33, %broadcast_in_dim3A_298 : vector<16xi1>, vector<16xi32>
            %or3A_300 = arith.ori %select_n3A_293, %select_n3A_299 : vector<16xi32>
            %broadcast_in_dim3A_301 = arith.constant true
            %broadcast_in_dim3A_302 = vector.broadcast %broadcast_in_dim3A_301 : i1 to vector<16xi1>
            %masked_cumsum3A_303 = tpu.scan <sum>, %or3A_300 masked %broadcast_in_dim3A_302 : vector<16xi32>, vector<16xi1> -> vector<16xi32>
            %slice3A_304 = vector.extract_strided_slice %masked_cumsum3A_303 {offsets = [15], sizes = [1], strides = [1]} : vector<16xi32> to vector<1xi32>
            %squeeze3A_305 = vector.extract %slice3A_304[0] : i32 from vector<1xi32>
            %and3A_306 = arith.constant 65535 : i32
            %and3A_307 = arith.andi %squeeze3A_305, %and3A_306 : i32
            %shift_right_logical3A_308 = arith.constant 16 : i32
            %shift_right_logical3A_309 = arith.shrui %squeeze3A_305, %shift_right_logical3A_308 : i32
            %and3A_310 = arith.constant 65535 : i32
            %and3A_311 = arith.andi %shift_right_logical3A_309, %and3A_310 : i32
            %shift_left3A_312 = arith.constant 1 : i32
            %shift_left3A_313 = arith.shli %and3A_307, %shift_left3A_312 : i32
            %or3A_314 = arith.ori %shift_left3A_313, %while3A_203 : i32
            %and3A_315 = arith.constant 65535 : i32
            %and3A_316 = arith.andi %or3A_314, %and3A_315 : i32
            %shift_left3A_317 = arith.constant 1 : i32
            %shift_left3A_318 = arith.shli %and3A_311, %shift_left3A_317 : i32
            %or3A_319 = arith.ori %shift_left3A_318, %while3A_204 : i32
            %and3A_320 = arith.constant 65535 : i32
            %and3A_321 = arith.andi %or3A_319, %and3A_320 : i32
            %shift_right_logical3A_322 = arith.constant 15 : i32
            %shift_right_logical3A_323 = arith.shrui %and3A_307, %shift_right_logical3A_322 : i32
            %and3A_324 = arith.constant 1 : i32
            %and3A_325 = arith.andi %shift_right_logical3A_323, %and3A_324 : i32
            %shift_right_logical3A_326 = arith.constant 15 : i32
            %shift_right_logical3A_327 = arith.shrui %and3A_311, %shift_right_logical3A_326 : i32
            %and3A_328 = arith.constant 1 : i32
            %and3A_329 = arith.andi %shift_right_logical3A_327, %and3A_328 : i32
            %shift_left3A_330 = arith.constant 1 : i32
            %shift_left3A_331 = vector.broadcast %shift_left3A_330 : i32 to vector<16xi32>
            %shift_left3A_332 = arith.shli %or3A_265, %shift_left3A_331 : vector<16xi32>
            %broadcast_in_dim3A_333 = vector.broadcast %and3A_316 : i32 to vector<16xi32>
            %shift_right_logical3A_334 = arith.shrui %broadcast_in_dim3A_333, %iota3A : vector<16xi32>
            %and3A_335 = arith.constant 1 : i32
            %and3A_336 = vector.broadcast %and3A_335 : i32 to vector<16xi32>
            %and3A_337 = arith.andi %shift_right_logical3A_334, %and3A_336 : vector<16xi32>
            %or3A_338 = arith.ori %shift_left3A_332, %and3A_337 : vector<16xi32>
            %shift_left3A_339 = arith.constant 1 : i32
            %shift_left3A_340 = vector.broadcast %shift_left3A_339 : i32 to vector<16xi32>
            %shift_left3A_341 = arith.shli %and3A_266, %shift_left3A_340 : vector<16xi32>
            %broadcast_in_dim3A_342 = vector.broadcast %and3A_321 : i32 to vector<16xi32>
            %shift_right_logical3A_343 = arith.shrui %broadcast_in_dim3A_342, %iota3A : vector<16xi32>
            %and3A_344 = arith.constant 1 : i32
            %and3A_345 = vector.broadcast %and3A_344 : i32 to vector<16xi32>
            %and3A_346 = arith.andi %shift_right_logical3A_343, %and3A_345 : vector<16xi32>
            %or3A_347 = arith.ori %shift_left3A_341, %and3A_346 : vector<16xi32>
            %or3A_348 = arith.ori %or3A_261, %or3A_338 : vector<16xi32>
            %not3A_349 = arith.constant dense<-1> : vector<16xi32>
            %not3A_350 = arith.xori %or3A_348, %not3A_349 : vector<16xi32>
            %or3A_351 = arith.ori %or3A_347, %not3A_350 : vector<16xi32>
            %mul3A_352 = arith.constant 16 : i32
            %mul3A_353 = arith.muli %while3A_200, %mul3A_352 : i32
            %swap3A = arith.index_cast %mul3A_353 : i32 to index
            %swap3A_354 = tpu.vector_load %arg12[%swap3A] {strides = array<i32>} : memref<384xi32, #tpu.memory_space<vmem>>, vector<16xi32>,
            tpu.vector_store %arg12[%swap3A], %or3A_351 {strides = array<i32>} : memref<384xi32, #tpu.memory_space<vmem>>, vector<16xi32>,
            %and3A_355 = arith.andi %or3A_338, %or3A_261 : vector<16xi32>
            %mul3A_356 = arith.constant 16 : i32
            %mul3A_357 = arith.muli %while3A_200, %mul3A_356 : i32
            %swap3A_358 = arith.index_cast %mul3A_357 : i32 to index
            %swap3A_359 = tpu.vector_load %arg13[%swap3A_358] {strides = array<i32>} : memref<384xi32, #tpu.memory_space<vmem>>, vector<16xi32>,
            tpu.vector_store %arg13[%swap3A_358], %and3A_355 {strides = array<i32>} : memref<384xi32, #tpu.memory_space<vmem>>, vector<16xi32>,
            scf.yield %add3A_287, %and3A_252, %and3A_325, %and3A_329 : i32, i32, i32, i32
          }
          %while3A_198 = arith.constant 1 : i32
          %while3A_199:4 = scf.for %while3A_200 = %while3A_195 to %while3A_191 step %while3A_198 iter_args(%while3A_201 = %while3A_197#0, %while3A_202 = %while3A_197#1, %while3A_203 = %while3A_197#2, %while3A_204 = %while3A_197#3) -> (i32, i32, i32, i32)  : i32 {
            %mul3A_205 = arith.constant 16 : i32
            %mul3A_206 = arith.muli %while3A_200, %mul3A_205 : i32
            %add3A_207 = arith.addi %mul3A_185, %mul3A_206 : i32
            %get3A = arith.index_cast %add3A_207 : i32 to index
            %get3A_208 = tpu.vector_load %arg11[%get3A] {strides = array<i32>} : memref<38400xi32, #tpu.memory_space<vmem>>, vector<16xi32>,
            %mul3A_209 = arith.constant 16 : i32
            %mul3A_210 = arith.muli %while3A_200, %mul3A_209 : i32
            %get3A_211 = arith.index_cast %mul3A_210 : i32 to index
            %get3A_212 = tpu.vector_load %arg12[%get3A_211] {strides = array<i32>} : memref<384xi32, #tpu.memory_space<vmem>>, vector<16xi32>,
            %mul3A_213 = arith.constant 16 : i32
            %mul3A_214 = arith.muli %while3A_200, %mul3A_213 : i32
            %get3A_215 = arith.index_cast %mul3A_214 : i32 to index
            %get3A_216 = tpu.vector_load %arg13[%get3A_215] {strides = array<i32>} : memref<384xi32, #tpu.memory_space<vmem>>, vector<16xi32>,
            %and3A_217 = arith.andi %get3A_208, %get3A_212 : vector<16xi32>
            %add3A_218 = arith.addi %and3A_217, %get3A_212 : vector<16xi32>
            %and3A_219 = arith.andi %and3A_217, %get3A_212 : vector<16xi32>
            %or3A = arith.ori %and3A_217, %get3A_212 : vector<16xi32>
            %not3A = arith.constant dense<-1> : vector<16xi32>
            %not3A_220 = arith.xori %add3A_218, %not3A : vector<16xi32>
            %and3A_221 = arith.andi %or3A, %not3A_220 : vector<16xi32>
            %or3A_222 = arith.ori %and3A_219, %and3A_221 : vector<16xi32>
            %lt3A_223 = arith.constant 0 : i32
            %lt3A_224 = vector.broadcast %lt3A_223 : i32 to vector<16xi32>
            %lt3A_225 = arith.cmpi slt, %or3A_222, %lt3A_224 : vector<16xi32>
            %jit3A_226 = arith.constant 0 : i32
            %broadcast_in_dim3A_227 = vector.broadcast %jit3A_226 : i32 to vector<16xi32>
            %select_n3A_228 = arith.select %lt3A_225, %shift_left3A_30, %broadcast_in_dim3A_227 : vector<16xi1>, vector<16xi32>
            %eq3A_229 = arith.constant -1 : i32
            %eq3A_230 = vector.broadcast %eq3A_229 : i32 to vector<16xi32>
            %eq3A_231 = arith.cmpi eq, %add3A_218, %eq3A_230 : vector<16xi32>
            %jit3A_232 = arith.constant 0 : i32
            %broadcast_in_dim3A_233 = vector.broadcast %jit3A_232 : i32 to vector<16xi32>
            %select_n3A_234 = arith.select %eq3A_231, %shift_left3A_33, %broadcast_in_dim3A_233 : vector<16xi1>, vector<16xi32>
            %or3A_235 = arith.ori %select_n3A_228, %select_n3A_234 : vector<16xi32>
            %broadcast_in_dim3A_236 = arith.constant true
            %broadcast_in_dim3A_237 = vector.broadcast %broadcast_in_dim3A_236 : i1 to vector<16xi1>
            %masked_cumsum3A = tpu.scan <sum>, %or3A_235 masked %broadcast_in_dim3A_237 : vector<16xi32>, vector<16xi1> -> vector<16xi32>
            %slice3A_238 = vector.extract_strided_slice %masked_cumsum3A {offsets = [15], sizes = [1], strides = [1]} : vector<16xi32> to vector<1xi32>
            %squeeze3A_239 = vector.extract %slice3A_238[0] : i32 from vector<1xi32>
            %and3A_240 = arith.constant 65535 : i32
            %and3A_241 = arith.andi %squeeze3A_239, %and3A_240 : i32
            %shift_right_logical3A = arith.constant 16 : i32
            %shift_right_logical3A_242 = arith.shrui %squeeze3A_239, %shift_right_logical3A : i32
            %and3A_243 = arith.constant 65535 : i32
            %and3A_244 = arith.andi %shift_right_logical3A_242, %and3A_243 : i32
            %or3A_245 = arith.ori %and3A_241, %and3A_244 : i32
            %add3A_246 = arith.addi %or3A_245, %and3A_241 : i32
            %add3A_247 = arith.addi %add3A_246, %while3A_202 : i32
            %xor3A = arith.xori %add3A_247, %or3A_245 : i32
            %xor3A_248 = arith.xori %xor3A, %and3A_241 : i32
            %shift_right_logical3A_249 = arith.constant 16 : i32
            %shift_right_logical3A_250 = arith.shrui %add3A_247, %shift_right_logical3A_249 : i32
            %and3A_251 = arith.constant 1 : i32
            %and3A_252 = arith.andi %shift_right_logical3A_250, %and3A_251 : i32
            %broadcast_in_dim3A_253 = vector.broadcast %xor3A_248 : i32 to vector<16xi32>
            %shift_right_logical3A_254 = arith.shrui %broadcast_in_dim3A_253, %iota3A : vector<16xi32>
            %and3A_255 = arith.constant 1 : i32
            %and3A_256 = vector.broadcast %and3A_255 : i32 to vector<16xi32>
            %and3A_257 = arith.andi %shift_right_logical3A_254, %and3A_256 : vector<16xi32>
            %add3A_258 = arith.addi %add3A_218, %and3A_257 : vector<16xi32>
            %xor3A_259 = arith.xori %add3A_258, %get3A_212 : vector<16xi32>
            %or3A_260 = arith.ori %xor3A_259, %get3A_208 : vector<16xi32>
            %or3A_261 = arith.ori %or3A_260, %get3A_216 : vector<16xi32>
            %or3A_262 = arith.ori %or3A_261, %get3A_212 : vector<16xi32>
            %not3A_263 = arith.constant dense<-1> : vector<16xi32>
            %not3A_264 = arith.xori %or3A_262, %not3A_263 : vector<16xi32>
            %or3A_265 = arith.ori %get3A_216, %not3A_264 : vector<16xi32>
            %and3A_266 = arith.andi %get3A_212, %or3A_261 : vector<16xi32>
            %and3A_267 = arith.andi %or3A_265, %select_n3A_149 : vector<16xi32>
            %ne3A = arith.constant 0 : i32
            %ne3A_268 = vector.broadcast %ne3A : i32 to vector<16xi32>
            %ne3A_269 = arith.cmpi ne, %and3A_267, %ne3A_268 : vector<16xi32>
            %all_reduce_population_count3A = tpu.all_reduce %ne3A_269 {dim = 0 : i64, kind = #tpu.reduction_kind<sum>} : vector<16xi1> -> vector<16xi32>
            %slice3A_270 = vector.extract_strided_slice %all_reduce_population_count3A {offsets = [0], sizes = [1], strides = [1]} : vector<16xi32> to vector<1xi32>
            %squeeze3A_271 = vector.extract %slice3A_270[0] : i32 from vector<1xi32>
            %and3A_272 = arith.andi %and3A_266, %select_n3A_149 : vector<16xi32>
            %ne3A_273 = arith.constant 0 : i32
            %ne3A_274 = vector.broadcast %ne3A_273 : i32 to vector<16xi32>
            %ne3A_275 = arith.cmpi ne, %and3A_272, %ne3A_274 : vector<16xi32>
            %all_reduce_population_count3A_276 = tpu.all_reduce %ne3A_275 {dim = 0 : i64, kind = #tpu.reduction_kind<sum>} : vector<16xi1> -> vector<16xi32>
            %slice3A_277 = vector.extract_strided_slice %all_reduce_population_count3A_276 {offsets = [0], sizes = [1], strides = [1]} : vector<16xi32> to vector<1xi32>
            %squeeze3A_278 = vector.extract %slice3A_277[0] : i32 from vector<1xi32>
            %eq3A_279 = arith.cmpi eq, %while3A_200, %shift_right_arithmetic3A_137 : i32
            %jit3A_280 = arith.constant 0 : i32
            %select_n3A_281 = arith.select %eq3A_279, %while3A_34, %jit3A_280 : i32
            %sub3A_282 = arith.constant 1 : i32
            %sub3A_283 = arith.subi %sub3A_282, %squeeze3A_271 : i32
            %mul3A_284 = arith.muli %sub3A_283, %squeeze3A_278 : i32
            %sub3A_285 = arith.subi %squeeze3A_271, %mul3A_284 : i32
            %mul3A_286 = arith.muli %select_n3A_281, %sub3A_285 : i32
            %add3A_287 = arith.addi %while3A_201, %mul3A_286 : i32
            %lt3A_288 = arith.constant 0 : i32
            %lt3A_289 = vector.broadcast %lt3A_288 : i32 to vector<16xi32>
            %lt3A_290 = arith.cmpi slt, %or3A_265, %lt3A_289 : vector<16xi32>
            %jit3A_291 = arith.constant 0 : i32
            %broadcast_in_dim3A_292 = vector.broadcast %jit3A_291 : i32 to vector<16xi32>
            %select_n3A_293 = arith.select %lt3A_290, %shift_left3A_30, %broadcast_in_dim3A_292 : vector<16xi1>, vector<16xi32>
            %lt3A_294 = arith.constant 0 : i32
            %lt3A_295 = vector.broadcast %lt3A_294 : i32 to vector<16xi32>
            %lt3A_296 = arith.cmpi slt, %and3A_266, %lt3A_295 : vector<16xi32>
            %jit3A_297 = arith.constant 0 : i32
            %broadcast_in_dim3A_298 = vector.broadcast %jit3A_297 : i32 to vector<16xi32>
            %select_n3A_299 = arith.select %lt3A_296, %shift_left3A_33, %broadcast_in_dim3A_298 : vector<16xi1>, vector<16xi32>
            %or3A_300 = arith.ori %select_n3A_293, %select_n3A_299 : vector<16xi32>
            %broadcast_in_dim3A_301 = arith.constant true
            %broadcast_in_dim3A_302 = vector.broadcast %broadcast_in_dim3A_301 : i1 to vector<16xi1>
            %masked_cumsum3A_303 = tpu.scan <sum>, %or3A_300 masked %broadcast_in_dim3A_302 : vector<16xi32>, vector<16xi1> -> vector<16xi32>
            %slice3A_304 = vector.extract_strided_slice %masked_cumsum3A_303 {offsets = [15], sizes = [1], strides = [1]} : vector<16xi32> to vector<1xi32>
            %squeeze3A_305 = vector.extract %slice3A_304[0] : i32 from vector<1xi32>
            %and3A_306 = arith.constant 65535 : i32
            %and3A_307 = arith.andi %squeeze3A_305, %and3A_306 : i32
            %shift_right_logical3A_308 = arith.constant 16 : i32
            %shift_right_logical3A_309 = arith.shrui %squeeze3A_305, %shift_right_logical3A_308 : i32
            %and3A_310 = arith.constant 65535 : i32
            %and3A_311 = arith.andi %shift_right_logical3A_309, %and3A_310 : i32
            %shift_left3A_312 = arith.constant 1 : i32
            %shift_left3A_313 = arith.shli %and3A_307, %shift_left3A_312 : i32
            %or3A_314 = arith.ori %shift_left3A_313, %while3A_203 : i32
            %and3A_315 = arith.constant 65535 : i32
            %and3A_316 = arith.andi %or3A_314, %and3A_315 : i32
            %shift_left3A_317 = arith.constant 1 : i32
            %shift_left3A_318 = arith.shli %and3A_311, %shift_left3A_317 : i32
            %or3A_319 = arith.ori %shift_left3A_318, %while3A_204 : i32
            %and3A_320 = arith.constant 65535 : i32
            %and3A_321 = arith.andi %or3A_319, %and3A_320 : i32
            %shift_right_logical3A_322 = arith.constant 15 : i32
            %shift_right_logical3A_323 = arith.shrui %and3A_307, %shift_right_logical3A_322 : i32
            %and3A_324 = arith.constant 1 : i32
            %and3A_325 = arith.andi %shift_right_logical3A_323, %and3A_324 : i32
            %shift_right_logical3A_326 = arith.constant 15 : i32
            %shift_right_logical3A_327 = arith.shrui %and3A_311, %shift_right_logical3A_326 : i32
            %and3A_328 = arith.constant 1 : i32
            %and3A_329 = arith.andi %shift_right_logical3A_327, %and3A_328 : i32
            %shift_left3A_330 = arith.constant 1 : i32
            %shift_left3A_331 = vector.broadcast %shift_left3A_330 : i32 to vector<16xi32>
            %shift_left3A_332 = arith.shli %or3A_265, %shift_left3A_331 : vector<16xi32>
            %broadcast_in_dim3A_333 = vector.broadcast %and3A_316 : i32 to vector<16xi32>
            %shift_right_logical3A_334 = arith.shrui %broadcast_in_dim3A_333, %iota3A : vector<16xi32>
            %and3A_335 = arith.constant 1 : i32
            %and3A_336 = vector.broadcast %and3A_335 : i32 to vector<16xi32>
            %and3A_337 = arith.andi %shift_right_logical3A_334, %and3A_336 : vector<16xi32>
            %or3A_338 = arith.ori %shift_left3A_332, %and3A_337 : vector<16xi32>
            %shift_left3A_339 = arith.constant 1 : i32
            %shift_left3A_340 = vector.broadcast %shift_left3A_339 : i32 to vector<16xi32>
            %shift_left3A_341 = arith.shli %and3A_266, %shift_left3A_340 : vector<16xi32>
            %broadcast_in_dim3A_342 = vector.broadcast %and3A_321 : i32 to vector<16xi32>
            %shift_right_logical3A_343 = arith.shrui %broadcast_in_dim3A_342, %iota3A : vector<16xi32>
            %and3A_344 = arith.constant 1 : i32
            %and3A_345 = vector.broadcast %and3A_344 : i32 to vector<16xi32>
            %and3A_346 = arith.andi %shift_right_logical3A_343, %and3A_345 : vector<16xi32>
            %or3A_347 = arith.ori %shift_left3A_341, %and3A_346 : vector<16xi32>
            %or3A_348 = arith.ori %or3A_261, %or3A_338 : vector<16xi32>
            %not3A_349 = arith.constant dense<-1> : vector<16xi32>
            %not3A_350 = arith.xori %or3A_348, %not3A_349 : vector<16xi32>
            %or3A_351 = arith.ori %or3A_347, %not3A_350 : vector<16xi32>
            %mul3A_352 = arith.constant 16 : i32
            %mul3A_353 = arith.muli %while3A_200, %mul3A_352 : i32
            %swap3A = arith.index_cast %mul3A_353 : i32 to index
            %swap3A_354 = tpu.vector_load %arg12[%swap3A] {strides = array<i32>} : memref<384xi32, #tpu.memory_space<vmem>>, vector<16xi32>,
            tpu.vector_store %arg12[%swap3A], %or3A_351 {strides = array<i32>} : memref<384xi32, #tpu.memory_space<vmem>>, vector<16xi32>,
            %and3A_355 = arith.andi %or3A_338, %or3A_261 : vector<16xi32>
            %mul3A_356 = arith.constant 16 : i32
            %mul3A_357 = arith.muli %while3A_200, %mul3A_356 : i32
            %swap3A_358 = arith.index_cast %mul3A_357 : i32 to index
            %swap3A_359 = tpu.vector_load %arg13[%swap3A_358] {strides = array<i32>} : memref<384xi32, #tpu.memory_space<vmem>>, vector<16xi32>,
            tpu.vector_store %arg13[%swap3A_358], %and3A_355 {strides = array<i32>} : memref<384xi32, #tpu.memory_space<vmem>>, vector<16xi32>,
            scf.yield %add3A_287, %and3A_252, %and3A_325, %and3A_329 : i32, i32, i32, i32
          }
          scf.yield %while3A_199#0 : i32
        }
        %while3A_176 = arith.constant 1 : i32
        %while3A_177 = scf.for %while3A_178 = %while3A_173 to %while3A_169 step %while3A_176 iter_args(%while3A_179 = %while3A_175) -> (i32)  : i32 {
          %add3A_180 = arith.addi %select_n3A_89, %while3A_178 : i32
          %broadcast_in_dim3A_181 = vector.broadcast %add3A_180 : i32 to vector<16xi32>
          %gather3A_182 = tpu.vector_load_idx %arg8[%broadcast_in_dim3A_181] : memref<12304xi32, #tpu.memory_space<vmem>>[vector<16xi32>], vector<16xi32>,
          %slice3A_183 = vector.extract_strided_slice %gather3A_182 {offsets = [0], sizes = [1], strides = [1]} : vector<16xi32> to vector<1xi32>
          %squeeze3A_184 = vector.extract %slice3A_183[0] : i32 from vector<1xi32>
          %mul3A_185 = arith.muli %squeeze3A_184, %mul3A_95 : i32
          %while3A_186 = arith.constant 0 : i32
          %while3A_187 = arith.constant 0 : i32
          %while3A_188 = arith.constant 1 : i32
          %while3A_189 = arith.constant 0 : i32
          %while3A_190 = arith.subi %shift_right_arithmetic3A_93, %while3A_186 : i32
          %while3A_191 = arith.addi %while3A_186, %while3A_190 : i32
          %while3A_192 = arith.constant 1 : i32
          %while3A_193 = arith.divsi %while3A_190, %while3A_192 : i32
          %while3A_194 = arith.muli %while3A_193, %while3A_192 : i32
          %while3A_195 = arith.addi %while3A_186, %while3A_194 : i32
          %while3A_196 = arith.constant 1 : i32
          %while3A_197:4 = scf.for %while3A_200 = %while3A_186 to %while3A_195 step %while3A_196 iter_args(%while3A_201 = %while3A_179, %while3A_202 = %while3A_187, %while3A_203 = %while3A_188, %while3A_204 = %while3A_189) -> (i32, i32, i32, i32)  : i32 {
            %mul3A_205 = arith.constant 16 : i32
            %mul3A_206 = arith.muli %while3A_200, %mul3A_205 : i32
            %add3A_207 = arith.addi %mul3A_185, %mul3A_206 : i32
            %get3A = arith.index_cast %add3A_207 : i32 to index
            %get3A_208 = tpu.vector_load %arg11[%get3A] {strides = array<i32>} : memref<38400xi32, #tpu.memory_space<vmem>>, vector<16xi32>,
            %mul3A_209 = arith.constant 16 : i32
            %mul3A_210 = arith.muli %while3A_200, %mul3A_209 : i32
            %get3A_211 = arith.index_cast %mul3A_210 : i32 to index
            %get3A_212 = tpu.vector_load %arg12[%get3A_211] {strides = array<i32>} : memref<384xi32, #tpu.memory_space<vmem>>, vector<16xi32>,
            %mul3A_213 = arith.constant 16 : i32
            %mul3A_214 = arith.muli %while3A_200, %mul3A_213 : i32
            %get3A_215 = arith.index_cast %mul3A_214 : i32 to index
            %get3A_216 = tpu.vector_load %arg13[%get3A_215] {strides = array<i32>} : memref<384xi32, #tpu.memory_space<vmem>>, vector<16xi32>,
            %and3A_217 = arith.andi %get3A_208, %get3A_212 : vector<16xi32>
            %add3A_218 = arith.addi %and3A_217, %get3A_212 : vector<16xi32>
            %and3A_219 = arith.andi %and3A_217, %get3A_212 : vector<16xi32>
            %or3A = arith.ori %and3A_217, %get3A_212 : vector<16xi32>
            %not3A = arith.constant dense<-1> : vector<16xi32>
            %not3A_220 = arith.xori %add3A_218, %not3A : vector<16xi32>
            %and3A_221 = arith.andi %or3A, %not3A_220 : vector<16xi32>
            %or3A_222 = arith.ori %and3A_219, %and3A_221 : vector<16xi32>
            %lt3A_223 = arith.constant 0 : i32
            %lt3A_224 = vector.broadcast %lt3A_223 : i32 to vector<16xi32>
            %lt3A_225 = arith.cmpi slt, %or3A_222, %lt3A_224 : vector<16xi32>
            %jit3A_226 = arith.constant 0 : i32
            %broadcast_in_dim3A_227 = vector.broadcast %jit3A_226 : i32 to vector<16xi32>
            %select_n3A_228 = arith.select %lt3A_225, %shift_left3A_30, %broadcast_in_dim3A_227 : vector<16xi1>, vector<16xi32>
            %eq3A_229 = arith.constant -1 : i32
            %eq3A_230 = vector.broadcast %eq3A_229 : i32 to vector<16xi32>
            %eq3A_231 = arith.cmpi eq, %add3A_218, %eq3A_230 : vector<16xi32>
            %jit3A_232 = arith.constant 0 : i32
            %broadcast_in_dim3A_233 = vector.broadcast %jit3A_232 : i32 to vector<16xi32>
            %select_n3A_234 = arith.select %eq3A_231, %shift_left3A_33, %broadcast_in_dim3A_233 : vector<16xi1>, vector<16xi32>
            %or3A_235 = arith.ori %select_n3A_228, %select_n3A_234 : vector<16xi32>
            %broadcast_in_dim3A_236 = arith.constant true
            %broadcast_in_dim3A_237 = vector.broadcast %broadcast_in_dim3A_236 : i1 to vector<16xi1>
            %masked_cumsum3A = tpu.scan <sum>, %or3A_235 masked %broadcast_in_dim3A_237 : vector<16xi32>, vector<16xi1> -> vector<16xi32>
            %slice3A_238 = vector.extract_strided_slice %masked_cumsum3A {offsets = [15], sizes = [1], strides = [1]} : vector<16xi32> to vector<1xi32>
            %squeeze3A_239 = vector.extract %slice3A_238[0] : i32 from vector<1xi32>
            %and3A_240 = arith.constant 65535 : i32
            %and3A_241 = arith.andi %squeeze3A_239, %and3A_240 : i32
            %shift_right_logical3A = arith.constant 16 : i32
            %shift_right_logical3A_242 = arith.shrui %squeeze3A_239, %shift_right_logical3A : i32
            %and3A_243 = arith.constant 65535 : i32
            %and3A_244 = arith.andi %shift_right_logical3A_242, %and3A_243 : i32
            %or3A_245 = arith.ori %and3A_241, %and3A_244 : i32
            %add3A_246 = arith.addi %or3A_245, %and3A_241 : i32
            %add3A_247 = arith.addi %add3A_246, %while3A_202 : i32
            %xor3A = arith.xori %add3A_247, %or3A_245 : i32
            %xor3A_248 = arith.xori %xor3A, %and3A_241 : i32
            %shift_right_logical3A_249 = arith.constant 16 : i32
            %shift_right_logical3A_250 = arith.shrui %add3A_247, %shift_right_logical3A_249 : i32
            %and3A_251 = arith.constant 1 : i32
            %and3A_252 = arith.andi %shift_right_logical3A_250, %and3A_251 : i32
            %broadcast_in_dim3A_253 = vector.broadcast %xor3A_248 : i32 to vector<16xi32>
            %shift_right_logical3A_254 = arith.shrui %broadcast_in_dim3A_253, %iota3A : vector<16xi32>
            %and3A_255 = arith.constant 1 : i32
            %and3A_256 = vector.broadcast %and3A_255 : i32 to vector<16xi32>
            %and3A_257 = arith.andi %shift_right_logical3A_254, %and3A_256 : vector<16xi32>
            %add3A_258 = arith.addi %add3A_218, %and3A_257 : vector<16xi32>
            %xor3A_259 = arith.xori %add3A_258, %get3A_212 : vector<16xi32>
            %or3A_260 = arith.ori %xor3A_259, %get3A_208 : vector<16xi32>
            %or3A_261 = arith.ori %or3A_260, %get3A_216 : vector<16xi32>
            %or3A_262 = arith.ori %or3A_261, %get3A_212 : vector<16xi32>
            %not3A_263 = arith.constant dense<-1> : vector<16xi32>
            %not3A_264 = arith.xori %or3A_262, %not3A_263 : vector<16xi32>
            %or3A_265 = arith.ori %get3A_216, %not3A_264 : vector<16xi32>
            %and3A_266 = arith.andi %get3A_212, %or3A_261 : vector<16xi32>
            %and3A_267 = arith.andi %or3A_265, %select_n3A_149 : vector<16xi32>
            %ne3A = arith.constant 0 : i32
            %ne3A_268 = vector.broadcast %ne3A : i32 to vector<16xi32>
            %ne3A_269 = arith.cmpi ne, %and3A_267, %ne3A_268 : vector<16xi32>
            %all_reduce_population_count3A = tpu.all_reduce %ne3A_269 {dim = 0 : i64, kind = #tpu.reduction_kind<sum>} : vector<16xi1> -> vector<16xi32>
            %slice3A_270 = vector.extract_strided_slice %all_reduce_population_count3A {offsets = [0], sizes = [1], strides = [1]} : vector<16xi32> to vector<1xi32>
            %squeeze3A_271 = vector.extract %slice3A_270[0] : i32 from vector<1xi32>
            %and3A_272 = arith.andi %and3A_266, %select_n3A_149 : vector<16xi32>
            %ne3A_273 = arith.constant 0 : i32
            %ne3A_274 = vector.broadcast %ne3A_273 : i32 to vector<16xi32>
            %ne3A_275 = arith.cmpi ne, %and3A_272, %ne3A_274 : vector<16xi32>
            %all_reduce_population_count3A_276 = tpu.all_reduce %ne3A_275 {dim = 0 : i64, kind = #tpu.reduction_kind<sum>} : vector<16xi1> -> vector<16xi32>
            %slice3A_277 = vector.extract_strided_slice %all_reduce_population_count3A_276 {offsets = [0], sizes = [1], strides = [1]} : vector<16xi32> to vector<1xi32>
            %squeeze3A_278 = vector.extract %slice3A_277[0] : i32 from vector<1xi32>
            %eq3A_279 = arith.cmpi eq, %while3A_200, %shift_right_arithmetic3A_137 : i32
            %jit3A_280 = arith.constant 0 : i32
            %select_n3A_281 = arith.select %eq3A_279, %while3A_34, %jit3A_280 : i32
            %sub3A_282 = arith.constant 1 : i32
            %sub3A_283 = arith.subi %sub3A_282, %squeeze3A_271 : i32
            %mul3A_284 = arith.muli %sub3A_283, %squeeze3A_278 : i32
            %sub3A_285 = arith.subi %squeeze3A_271, %mul3A_284 : i32
            %mul3A_286 = arith.muli %select_n3A_281, %sub3A_285 : i32
            %add3A_287 = arith.addi %while3A_201, %mul3A_286 : i32
            %lt3A_288 = arith.constant 0 : i32
            %lt3A_289 = vector.broadcast %lt3A_288 : i32 to vector<16xi32>
            %lt3A_290 = arith.cmpi slt, %or3A_265, %lt3A_289 : vector<16xi32>
            %jit3A_291 = arith.constant 0 : i32
            %broadcast_in_dim3A_292 = vector.broadcast %jit3A_291 : i32 to vector<16xi32>
            %select_n3A_293 = arith.select %lt3A_290, %shift_left3A_30, %broadcast_in_dim3A_292 : vector<16xi1>, vector<16xi32>
            %lt3A_294 = arith.constant 0 : i32
            %lt3A_295 = vector.broadcast %lt3A_294 : i32 to vector<16xi32>
            %lt3A_296 = arith.cmpi slt, %and3A_266, %lt3A_295 : vector<16xi32>
            %jit3A_297 = arith.constant 0 : i32
            %broadcast_in_dim3A_298 = vector.broadcast %jit3A_297 : i32 to vector<16xi32>
            %select_n3A_299 = arith.select %lt3A_296, %shift_left3A_33, %broadcast_in_dim3A_298 : vector<16xi1>, vector<16xi32>
            %or3A_300 = arith.ori %select_n3A_293, %select_n3A_299 : vector<16xi32>
            %broadcast_in_dim3A_301 = arith.constant true
            %broadcast_in_dim3A_302 = vector.broadcast %broadcast_in_dim3A_301 : i1 to vector<16xi1>
            %masked_cumsum3A_303 = tpu.scan <sum>, %or3A_300 masked %broadcast_in_dim3A_302 : vector<16xi32>, vector<16xi1> -> vector<16xi32>
            %slice3A_304 = vector.extract_strided_slice %masked_cumsum3A_303 {offsets = [15], sizes = [1], strides = [1]} : vector<16xi32> to vector<1xi32>
            %squeeze3A_305 = vector.extract %slice3A_304[0] : i32 from vector<1xi32>
            %and3A_306 = arith.constant 65535 : i32
            %and3A_307 = arith.andi %squeeze3A_305, %and3A_306 : i32
            %shift_right_logical3A_308 = arith.constant 16 : i32
            %shift_right_logical3A_309 = arith.shrui %squeeze3A_305, %shift_right_logical3A_308 : i32
            %and3A_310 = arith.constant 65535 : i32
            %and3A_311 = arith.andi %shift_right_logical3A_309, %and3A_310 : i32
            %shift_left3A_312 = arith.constant 1 : i32
            %shift_left3A_313 = arith.shli %and3A_307, %shift_left3A_312 : i32
            %or3A_314 = arith.ori %shift_left3A_313, %while3A_203 : i32
            %and3A_315 = arith.constant 65535 : i32
            %and3A_316 = arith.andi %or3A_314, %and3A_315 : i32
            %shift_left3A_317 = arith.constant 1 : i32
            %shift_left3A_318 = arith.shli %and3A_311, %shift_left3A_317 : i32
            %or3A_319 = arith.ori %shift_left3A_318, %while3A_204 : i32
            %and3A_320 = arith.constant 65535 : i32
            %and3A_321 = arith.andi %or3A_319, %and3A_320 : i32
            %shift_right_logical3A_322 = arith.constant 15 : i32
            %shift_right_logical3A_323 = arith.shrui %and3A_307, %shift_right_logical3A_322 : i32
            %and3A_324 = arith.constant 1 : i32
            %and3A_325 = arith.andi %shift_right_logical3A_323, %and3A_324 : i32
            %shift_right_logical3A_326 = arith.constant 15 : i32
            %shift_right_logical3A_327 = arith.shrui %and3A_311, %shift_right_logical3A_326 : i32
            %and3A_328 = arith.constant 1 : i32
            %and3A_329 = arith.andi %shift_right_logical3A_327, %and3A_328 : i32
            %shift_left3A_330 = arith.constant 1 : i32
            %shift_left3A_331 = vector.broadcast %shift_left3A_330 : i32 to vector<16xi32>
            %shift_left3A_332 = arith.shli %or3A_265, %shift_left3A_331 : vector<16xi32>
            %broadcast_in_dim3A_333 = vector.broadcast %and3A_316 : i32 to vector<16xi32>
            %shift_right_logical3A_334 = arith.shrui %broadcast_in_dim3A_333, %iota3A : vector<16xi32>
            %and3A_335 = arith.constant 1 : i32
            %and3A_336 = vector.broadcast %and3A_335 : i32 to vector<16xi32>
            %and3A_337 = arith.andi %shift_right_logical3A_334, %and3A_336 : vector<16xi32>
            %or3A_338 = arith.ori %shift_left3A_332, %and3A_337 : vector<16xi32>
            %shift_left3A_339 = arith.constant 1 : i32
            %shift_left3A_340 = vector.broadcast %shift_left3A_339 : i32 to vector<16xi32>
            %shift_left3A_341 = arith.shli %and3A_266, %shift_left3A_340 : vector<16xi32>
            %broadcast_in_dim3A_342 = vector.broadcast %and3A_321 : i32 to vector<16xi32>
            %shift_right_logical3A_343 = arith.shrui %broadcast_in_dim3A_342, %iota3A : vector<16xi32>
            %and3A_344 = arith.constant 1 : i32
            %and3A_345 = vector.broadcast %and3A_344 : i32 to vector<16xi32>
            %and3A_346 = arith.andi %shift_right_logical3A_343, %and3A_345 : vector<16xi32>
            %or3A_347 = arith.ori %shift_left3A_341, %and3A_346 : vector<16xi32>
            %or3A_348 = arith.ori %or3A_261, %or3A_338 : vector<16xi32>
            %not3A_349 = arith.constant dense<-1> : vector<16xi32>
            %not3A_350 = arith.xori %or3A_348, %not3A_349 : vector<16xi32>
            %or3A_351 = arith.ori %or3A_347, %not3A_350 : vector<16xi32>
            %mul3A_352 = arith.constant 16 : i32
            %mul3A_353 = arith.muli %while3A_200, %mul3A_352 : i32
            %swap3A = arith.index_cast %mul3A_353 : i32 to index
            %swap3A_354 = tpu.vector_load %arg12[%swap3A] {strides = array<i32>} : memref<384xi32, #tpu.memory_space<vmem>>, vector<16xi32>,
            tpu.vector_store %arg12[%swap3A], %or3A_351 {strides = array<i32>} : memref<384xi32, #tpu.memory_space<vmem>>, vector<16xi32>,
            %and3A_355 = arith.andi %or3A_338, %or3A_261 : vector<16xi32>
            %mul3A_356 = arith.constant 16 : i32
            %mul3A_357 = arith.muli %while3A_200, %mul3A_356 : i32
            %swap3A_358 = arith.index_cast %mul3A_357 : i32 to index
            %swap3A_359 = tpu.vector_load %arg13[%swap3A_358] {strides = array<i32>} : memref<384xi32, #tpu.memory_space<vmem>>, vector<16xi32>,
            tpu.vector_store %arg13[%swap3A_358], %and3A_355 {strides = array<i32>} : memref<384xi32, #tpu.memory_space<vmem>>, vector<16xi32>,
            scf.yield %add3A_287, %and3A_252, %and3A_325, %and3A_329 : i32, i32, i32, i32
          }
          %while3A_198 = arith.constant 1 : i32
          %while3A_199:4 = scf.for %while3A_200 = %while3A_195 to %while3A_191 step %while3A_198 iter_args(%while3A_201 = %while3A_197#0, %while3A_202 = %while3A_197#1, %while3A_203 = %while3A_197#2, %while3A_204 = %while3A_197#3) -> (i32, i32, i32, i32)  : i32 {
            %mul3A_205 = arith.constant 16 : i32
            %mul3A_206 = arith.muli %while3A_200, %mul3A_205 : i32
            %add3A_207 = arith.addi %mul3A_185, %mul3A_206 : i32
            %get3A = arith.index_cast %add3A_207 : i32 to index
            %get3A_208 = tpu.vector_load %arg11[%get3A] {strides = array<i32>} : memref<38400xi32, #tpu.memory_space<vmem>>, vector<16xi32>,
            %mul3A_209 = arith.constant 16 : i32
            %mul3A_210 = arith.muli %while3A_200, %mul3A_209 : i32
            %get3A_211 = arith.index_cast %mul3A_210 : i32 to index
            %get3A_212 = tpu.vector_load %arg12[%get3A_211] {strides = array<i32>} : memref<384xi32, #tpu.memory_space<vmem>>, vector<16xi32>,
            %mul3A_213 = arith.constant 16 : i32
            %mul3A_214 = arith.muli %while3A_200, %mul3A_213 : i32
            %get3A_215 = arith.index_cast %mul3A_214 : i32 to index
            %get3A_216 = tpu.vector_load %arg13[%get3A_215] {strides = array<i32>} : memref<384xi32, #tpu.memory_space<vmem>>, vector<16xi32>,
            %and3A_217 = arith.andi %get3A_208, %get3A_212 : vector<16xi32>
            %add3A_218 = arith.addi %and3A_217, %get3A_212 : vector<16xi32>
            %and3A_219 = arith.andi %and3A_217, %get3A_212 : vector<16xi32>
            %or3A = arith.ori %and3A_217, %get3A_212 : vector<16xi32>
            %not3A = arith.constant dense<-1> : vector<16xi32>
            %not3A_220 = arith.xori %add3A_218, %not3A : vector<16xi32>
            %and3A_221 = arith.andi %or3A, %not3A_220 : vector<16xi32>
            %or3A_222 = arith.ori %and3A_219, %and3A_221 : vector<16xi32>
            %lt3A_223 = arith.constant 0 : i32
            %lt3A_224 = vector.broadcast %lt3A_223 : i32 to vector<16xi32>
            %lt3A_225 = arith.cmpi slt, %or3A_222, %lt3A_224 : vector<16xi32>
            %jit3A_226 = arith.constant 0 : i32
            %broadcast_in_dim3A_227 = vector.broadcast %jit3A_226 : i32 to vector<16xi32>
            %select_n3A_228 = arith.select %lt3A_225, %shift_left3A_30, %broadcast_in_dim3A_227 : vector<16xi1>, vector<16xi32>
            %eq3A_229 = arith.constant -1 : i32
            %eq3A_230 = vector.broadcast %eq3A_229 : i32 to vector<16xi32>
            %eq3A_231 = arith.cmpi eq, %add3A_218, %eq3A_230 : vector<16xi32>
            %jit3A_232 = arith.constant 0 : i32
            %broadcast_in_dim3A_233 = vector.broadcast %jit3A_232 : i32 to vector<16xi32>
            %select_n3A_234 = arith.select %eq3A_231, %shift_left3A_33, %broadcast_in_dim3A_233 : vector<16xi1>, vector<16xi32>
            %or3A_235 = arith.ori %select_n3A_228, %select_n3A_234 : vector<16xi32>
            %broadcast_in_dim3A_236 = arith.constant true
            %broadcast_in_dim3A_237 = vector.broadcast %broadcast_in_dim3A_236 : i1 to vector<16xi1>
            %masked_cumsum3A = tpu.scan <sum>, %or3A_235 masked %broadcast_in_dim3A_237 : vector<16xi32>, vector<16xi1> -> vector<16xi32>
            %slice3A_238 = vector.extract_strided_slice %masked_cumsum3A {offsets = [15], sizes = [1], strides = [1]} : vector<16xi32> to vector<1xi32>
            %squeeze3A_239 = vector.extract %slice3A_238[0] : i32 from vector<1xi32>
            %and3A_240 = arith.constant 65535 : i32
            %and3A_241 = arith.andi %squeeze3A_239, %and3A_240 : i32
            %shift_right_logical3A = arith.constant 16 : i32
            %shift_right_logical3A_242 = arith.shrui %squeeze3A_239, %shift_right_logical3A : i32
            %and3A_243 = arith.constant 65535 : i32
            %and3A_244 = arith.andi %shift_right_logical3A_242, %and3A_243 : i32
            %or3A_245 = arith.ori %and3A_241, %and3A_244 : i32
            %add3A_246 = arith.addi %or3A_245, %and3A_241 : i32
            %add3A_247 = arith.addi %add3A_246, %while3A_202 : i32
            %xor3A = arith.xori %add3A_247, %or3A_245 : i32
            %xor3A_248 = arith.xori %xor3A, %and3A_241 : i32
            %shift_right_logical3A_249 = arith.constant 16 : i32
            %shift_right_logical3A_250 = arith.shrui %add3A_247, %shift_right_logical3A_249 : i32
            %and3A_251 = arith.constant 1 : i32
            %and3A_252 = arith.andi %shift_right_logical3A_250, %and3A_251 : i32
            %broadcast_in_dim3A_253 = vector.broadcast %xor3A_248 : i32 to vector<16xi32>
            %shift_right_logical3A_254 = arith.shrui %broadcast_in_dim3A_253, %iota3A : vector<16xi32>
            %and3A_255 = arith.constant 1 : i32
            %and3A_256 = vector.broadcast %and3A_255 : i32 to vector<16xi32>
            %and3A_257 = arith.andi %shift_right_logical3A_254, %and3A_256 : vector<16xi32>
            %add3A_258 = arith.addi %add3A_218, %and3A_257 : vector<16xi32>
            %xor3A_259 = arith.xori %add3A_258, %get3A_212 : vector<16xi32>
            %or3A_260 = arith.ori %xor3A_259, %get3A_208 : vector<16xi32>
            %or3A_261 = arith.ori %or3A_260, %get3A_216 : vector<16xi32>
            %or3A_262 = arith.ori %or3A_261, %get3A_212 : vector<16xi32>
            %not3A_263 = arith.constant dense<-1> : vector<16xi32>
            %not3A_264 = arith.xori %or3A_262, %not3A_263 : vector<16xi32>
            %or3A_265 = arith.ori %get3A_216, %not3A_264 : vector<16xi32>
            %and3A_266 = arith.andi %get3A_212, %or3A_261 : vector<16xi32>
            %and3A_267 = arith.andi %or3A_265, %select_n3A_149 : vector<16xi32>
            %ne3A = arith.constant 0 : i32
            %ne3A_268 = vector.broadcast %ne3A : i32 to vector<16xi32>
            %ne3A_269 = arith.cmpi ne, %and3A_267, %ne3A_268 : vector<16xi32>
            %all_reduce_population_count3A = tpu.all_reduce %ne3A_269 {dim = 0 : i64, kind = #tpu.reduction_kind<sum>} : vector<16xi1> -> vector<16xi32>
            %slice3A_270 = vector.extract_strided_slice %all_reduce_population_count3A {offsets = [0], sizes = [1], strides = [1]} : vector<16xi32> to vector<1xi32>
            %squeeze3A_271 = vector.extract %slice3A_270[0] : i32 from vector<1xi32>
            %and3A_272 = arith.andi %and3A_266, %select_n3A_149 : vector<16xi32>
            %ne3A_273 = arith.constant 0 : i32
            %ne3A_274 = vector.broadcast %ne3A_273 : i32 to vector<16xi32>
            %ne3A_275 = arith.cmpi ne, %and3A_272, %ne3A_274 : vector<16xi32>
            %all_reduce_population_count3A_276 = tpu.all_reduce %ne3A_275 {dim = 0 : i64, kind = #tpu.reduction_kind<sum>} : vector<16xi1> -> vector<16xi32>
            %slice3A_277 = vector.extract_strided_slice %all_reduce_population_count3A_276 {offsets = [0], sizes = [1], strides = [1]} : vector<16xi32> to vector<1xi32>
            %squeeze3A_278 = vector.extract %slice3A_277[0] : i32 from vector<1xi32>
            %eq3A_279 = arith.cmpi eq, %while3A_200, %shift_right_arithmetic3A_137 : i32
            %jit3A_280 = arith.constant 0 : i32
            %select_n3A_281 = arith.select %eq3A_279, %while3A_34, %jit3A_280 : i32
            %sub3A_282 = arith.constant 1 : i32
            %sub3A_283 = arith.subi %sub3A_282, %squeeze3A_271 : i32
            %mul3A_284 = arith.muli %sub3A_283, %squeeze3A_278 : i32
            %sub3A_285 = arith.subi %squeeze3A_271, %mul3A_284 : i32
            %mul3A_286 = arith.muli %select_n3A_281, %sub3A_285 : i32
            %add3A_287 = arith.addi %while3A_201, %mul3A_286 : i32
            %lt3A_288 = arith.constant 0 : i32
            %lt3A_289 = vector.broadcast %lt3A_288 : i32 to vector<16xi32>
            %lt3A_290 = arith.cmpi slt, %or3A_265, %lt3A_289 : vector<16xi32>
            %jit3A_291 = arith.constant 0 : i32
            %broadcast_in_dim3A_292 = vector.broadcast %jit3A_291 : i32 to vector<16xi32>
            %select_n3A_293 = arith.select %lt3A_290, %shift_left3A_30, %broadcast_in_dim3A_292 : vector<16xi1>, vector<16xi32>
            %lt3A_294 = arith.constant 0 : i32
            %lt3A_295 = vector.broadcast %lt3A_294 : i32 to vector<16xi32>
            %lt3A_296 = arith.cmpi slt, %and3A_266, %lt3A_295 : vector<16xi32>
            %jit3A_297 = arith.constant 0 : i32
            %broadcast_in_dim3A_298 = vector.broadcast %jit3A_297 : i32 to vector<16xi32>
            %select_n3A_299 = arith.select %lt3A_296, %shift_left3A_33, %broadcast_in_dim3A_298 : vector<16xi1>, vector<16xi32>
            %or3A_300 = arith.ori %select_n3A_293, %select_n3A_299 : vector<16xi32>
            %broadcast_in_dim3A_301 = arith.constant true
            %broadcast_in_dim3A_302 = vector.broadcast %broadcast_in_dim3A_301 : i1 to vector<16xi1>
            %masked_cumsum3A_303 = tpu.scan <sum>, %or3A_300 masked %broadcast_in_dim3A_302 : vector<16xi32>, vector<16xi1> -> vector<16xi32>
            %slice3A_304 = vector.extract_strided_slice %masked_cumsum3A_303 {offsets = [15], sizes = [1], strides = [1]} : vector<16xi32> to vector<1xi32>
            %squeeze3A_305 = vector.extract %slice3A_304[0] : i32 from vector<1xi32>
            %and3A_306 = arith.constant 65535 : i32
            %and3A_307 = arith.andi %squeeze3A_305, %and3A_306 : i32
            %shift_right_logical3A_308 = arith.constant 16 : i32
            %shift_right_logical3A_309 = arith.shrui %squeeze3A_305, %shift_right_logical3A_308 : i32
            %and3A_310 = arith.constant 65535 : i32
            %and3A_311 = arith.andi %shift_right_logical3A_309, %and3A_310 : i32
            %shift_left3A_312 = arith.constant 1 : i32
            %shift_left3A_313 = arith.shli %and3A_307, %shift_left3A_312 : i32
            %or3A_314 = arith.ori %shift_left3A_313, %while3A_203 : i32
            %and3A_315 = arith.constant 65535 : i32
            %and3A_316 = arith.andi %or3A_314, %and3A_315 : i32
            %shift_left3A_317 = arith.constant 1 : i32
            %shift_left3A_318 = arith.shli %and3A_311, %shift_left3A_317 : i32
            %or3A_319 = arith.ori %shift_left3A_318, %while3A_204 : i32
            %and3A_320 = arith.constant 65535 : i32
            %and3A_321 = arith.andi %or3A_319, %and3A_320 : i32
            %shift_right_logical3A_322 = arith.constant 15 : i32
            %shift_right_logical3A_323 = arith.shrui %and3A_307, %shift_right_logical3A_322 : i32
            %and3A_324 = arith.constant 1 : i32
            %and3A_325 = arith.andi %shift_right_logical3A_323, %and3A_324 : i32
            %shift_right_logical3A_326 = arith.constant 15 : i32
            %shift_right_logical3A_327 = arith.shrui %and3A_311, %shift_right_logical3A_326 : i32
            %and3A_328 = arith.constant 1 : i32
            %and3A_329 = arith.andi %shift_right_logical3A_327, %and3A_328 : i32
            %shift_left3A_330 = arith.constant 1 : i32
            %shift_left3A_331 = vector.broadcast %shift_left3A_330 : i32 to vector<16xi32>
            %shift_left3A_332 = arith.shli %or3A_265, %shift_left3A_331 : vector<16xi32>
            %broadcast_in_dim3A_333 = vector.broadcast %and3A_316 : i32 to vector<16xi32>
            %shift_right_logical3A_334 = arith.shrui %broadcast_in_dim3A_333, %iota3A : vector<16xi32>
            %and3A_335 = arith.constant 1 : i32
            %and3A_336 = vector.broadcast %and3A_335 : i32 to vector<16xi32>
            %and3A_337 = arith.andi %shift_right_logical3A_334, %and3A_336 : vector<16xi32>
            %or3A_338 = arith.ori %shift_left3A_332, %and3A_337 : vector<16xi32>
            %shift_left3A_339 = arith.constant 1 : i32
            %shift_left3A_340 = vector.broadcast %shift_left3A_339 : i32 to vector<16xi32>
            %shift_left3A_341 = arith.shli %and3A_266, %shift_left3A_340 : vector<16xi32>
            %broadcast_in_dim3A_342 = vector.broadcast %and3A_321 : i32 to vector<16xi32>
            %shift_right_logical3A_343 = arith.shrui %broadcast_in_dim3A_342, %iota3A : vector<16xi32>
            %and3A_344 = arith.constant 1 : i32
            %and3A_345 = vector.broadcast %and3A_344 : i32 to vector<16xi32>
            %and3A_346 = arith.andi %shift_right_logical3A_343, %and3A_345 : vector<16xi32>
            %or3A_347 = arith.ori %shift_left3A_341, %and3A_346 : vector<16xi32>
            %or3A_348 = arith.ori %or3A_261, %or3A_338 : vector<16xi32>
            %not3A_349 = arith.constant dense<-1> : vector<16xi32>
            %not3A_350 = arith.xori %or3A_348, %not3A_349 : vector<16xi32>
            %or3A_351 = arith.ori %or3A_347, %not3A_350 : vector<16xi32>
            %mul3A_352 = arith.constant 16 : i32
            %mul3A_353 = arith.muli %while3A_200, %mul3A_352 : i32
            %swap3A = arith.index_cast %mul3A_353 : i32 to index
            %swap3A_354 = tpu.vector_load %arg12[%swap3A] {strides = array<i32>} : memref<384xi32, #tpu.memory_space<vmem>>, vector<16xi32>,
            tpu.vector_store %arg12[%swap3A], %or3A_351 {strides = array<i32>} : memref<384xi32, #tpu.memory_space<vmem>>, vector<16xi32>,
            %and3A_355 = arith.andi %or3A_338, %or3A_261 : vector<16xi32>
            %mul3A_356 = arith.constant 16 : i32
            %mul3A_357 = arith.muli %while3A_200, %mul3A_356 : i32
            %swap3A_358 = arith.index_cast %mul3A_357 : i32 to index
            %swap3A_359 = tpu.vector_load %arg13[%swap3A_358] {strides = array<i32>} : memref<384xi32, #tpu.memory_space<vmem>>, vector<16xi32>,
            tpu.vector_store %arg13[%swap3A_358], %and3A_355 {strides = array<i32>} : memref<384xi32, #tpu.memory_space<vmem>>, vector<16xi32>,
            scf.yield %add3A_287, %and3A_252, %and3A_325, %and3A_329 : i32, i32, i32, i32
          }
          scf.yield %while3A_199#0 : i32
        }
        scf.yield %while3A_177 : i32
      }
      %broadcast_in_dim3A_164 = vector.broadcast %while3A_65 : i32 to vector<16xi32>
      %broadcast_in_dim3A_165 = vector.broadcast %cond3A_163 : i32 to vector<16xi32>
      tpu.vector_store_idx %arg15[%broadcast_in_dim3A_164], %broadcast_in_dim3A_165 : memref<784xi32, #tpu.memory_space<vmem>>[vector<16xi32>], vector<16xi32>,
      %while3A_166 = arith.constant 0 : i32
      scf.yield %while3A_166 : i32
    }
    %scan3A_47 = arith.constant 0 : i32
    %scan3A_48 = arith.constant 0 : i32
    %scan3A_49 = arith.constant 49 : i32
    %scan3A_50 = arith.addi %scan3A_48, %scan3A_49 : i32
    %scan3A_51 = arith.constant 1 : i32
    %scan3A_52 = scf.for %scan3A_65 = %scan3A_48 to %scan3A_50 step %scan3A_51 iter_args(%scan3A_66 = %scan3A_47) -> (i32)  : i32 {
      %mul3A_67 = arith.constant 16 : i32
      %mul3A_68 = arith.muli %scan3A_65, %mul3A_67 : i32
      %get3A = arith.index_cast %mul3A_68 : i32 to index
      %get3A_69 = tpu.vector_load %arg15[%get3A] {strides = array<i32>} : memref<784xi32, #tpu.memory_space<vmem>>, vector<16xi32>,
      %convert_element_type3A = arith.sitofp %get3A_69 : vector<16xi32> to vector<16xf32>
      %max3A_70 = arith.constant 1.000000e+00 : f32
      %max3A_71 = vector.broadcast %max3A_70 : f32 to vector<16xf32>
      %max3A_72 = arith.maximumf %convert_element_type3A, %max3A_71 : vector<16xf32>
      %ne3A = arith.constant 0 : i32
      %ne3A_73 = vector.broadcast %ne3A : i32 to vector<16xi32>
      %ne3A_74 = arith.cmpi ne, %get3A_69, %ne3A_73 : vector<16xi32>
      %div3A = arith.constant -0.105360515 : f32
      %div3A_75 = vector.broadcast %div3A : f32 to vector<16xf32>
      %div3A_76 = arith.divf %div3A_75, %max3A_72 : vector<16xf32>
      %exp3A = math.exp %div3A_76 : vector<16xf32>
      %sub3A_77 = arith.constant 1.000000e+00 : f32
      %sub3A_78 = vector.broadcast %sub3A_77 : f32 to vector<16xf32>
      %sub3A_79 = arith.subf %sub3A_78, %exp3A : vector<16xf32>
      %jit3A_80 = arith.constant 9.99999996E-13 : f32
      %broadcast_in_dim3A_81 = vector.broadcast %jit3A_80 : f32 to vector<16xf32>
      %select_n3A_82 = arith.select %ne3A_74, %sub3A_79, %broadcast_in_dim3A_81 : vector<16xi1>, vector<16xf32>
      %mul3A_83 = arith.constant 16 : i32
      %mul3A_84 = arith.muli %scan3A_65, %mul3A_83 : i32
      %swap3A = arith.index_cast %mul3A_84 : i32 to index
      %swap3A_85 = tpu.vector_load %arg16[%swap3A] {strides = array<i32>} : memref<784xf32, #tpu.memory_space<vmem>>, vector<16xf32>,
      tpu.vector_store %arg16[%swap3A], %select_n3A_82 {strides = array<i32>} : memref<784xf32, #tpu.memory_space<vmem>>, vector<16xf32>,
      %scan3A_86 = arith.constant 0 : i32
      scf.yield %scan3A_86 : i32
    }
    %scan3A_53 = arith.constant 49 : i32
    "tpu.region"() ({
      %run_scoped3A = tpu.sem_alloc : memref<!tpu.dma_semaphore, #tpu.memory_space<semaphore_mem>>
      %dma_start3A = arith.constant 0 : i32
      %dma_start3A_65 = tpu.memref_slice %arg19[%arg1, %dma_start3A] : memref<16x784xf32, #tpu.memory_space<vmem_shared>> -> memref<1x784xf32, #tpu.memory_space<vmem_shared>>
      %dma_start3A_66 = tpu.memref_squeeze %dma_start3A_65 : memref<1x784xf32, #tpu.memory_space<vmem_shared>> -> memref<784xf32, #tpu.memory_space<vmem_shared>>
      %dma_start3A_67 = arith.constant 0 : i32
      %dma_start3A_68 = tpu.memref_slice %arg19[%arg1, %dma_start3A_67] : memref<16x784xf32, #tpu.memory_space<vmem_shared>> -> memref<1x784xf32, #tpu.memory_space<vmem_shared>>
      %dma_start3A_69 = tpu.memref_squeeze %dma_start3A_68 : memref<1x784xf32, #tpu.memory_space<vmem_shared>> -> memref<784xf32, #tpu.memory_space<vmem_shared>>
      tpu.enqueue_dma source(%arg16 : memref<784xf32, #tpu.memory_space<vmem>>) target(%dma_start3A_69 : memref<784xf32, #tpu.memory_space<vmem_shared>>) target_semaphore(%run_scoped3A : memref<!tpu.dma_semaphore, #tpu.memory_space<semaphore_mem>>)
      %dma_wait3A = arith.constant 0 : i32
      %dma_wait3A_70 = tpu.memref_slice %arg19[%arg1, %dma_wait3A] : memref<16x784xf32, #tpu.memory_space<vmem_shared>> -> memref<1x784xf32, #tpu.memory_space<vmem_shared>>
      %dma_wait3A_71 = tpu.memref_squeeze %dma_wait3A_70 : memref<1x784xf32, #tpu.memory_space<vmem_shared>> -> memref<784xf32, #tpu.memory_space<vmem_shared>>
      %dma_wait3A_72 = arith.constant 0 : i32
      %dma_wait3A_73 = tpu.memref_slice %arg19[%arg1, %dma_wait3A_72] : memref<16x784xf32, #tpu.memory_space<vmem_shared>> -> memref<1x784xf32, #tpu.memory_space<vmem_shared>>
      %dma_wait3A_74 = tpu.memref_squeeze %dma_wait3A_73 : memref<1x784xf32, #tpu.memory_space<vmem_shared>> -> memref<784xf32, #tpu.memory_space<vmem_shared>>
      tpu.wait_dma2 semaphore(%run_scoped3A : memref<!tpu.dma_semaphore, #tpu.memory_space<semaphore_mem>>) src(%arg16 : memref<784xf32, #tpu.memory_space<vmem>>) dst(%dma_wait3A_74 : memref<784xf32, #tpu.memory_space<vmem_shared>>)
      tpu.yield
    }) : () -> ()
    %barrier3A = arith.constant 0 : index
    tpu.barrier barrier_id(%barrier3A)
    "tpu.region"() ({
      %run_scoped3A = tpu.sem_alloc : memref<!tpu.dma_semaphore, #tpu.memory_space<semaphore_mem>>
      tpu.enqueue_dma source(%arg19 : memref<16x784xf32, #tpu.memory_space<vmem_shared>>) target(%arg17 : memref<16x784xf32, #tpu.memory_space<vmem>>) target_semaphore(%run_scoped3A : memref<!tpu.dma_semaphore, #tpu.memory_space<semaphore_mem>>)
      tpu.wait_dma2 semaphore(%run_scoped3A : memref<!tpu.dma_semaphore, #tpu.memory_space<semaphore_mem>>) src(%arg19 : memref<16x784xf32, #tpu.memory_space<vmem_shared>>) dst(%arg17 : memref<16x784xf32, #tpu.memory_space<vmem>>)
      tpu.yield
    }) : () -> ()
    %mul3A = arith.constant 16 : i32
    %mul3A_54 = arith.muli %arg0, %mul3A : i32
    %add3A_55 = arith.addi %mul3A_54, %arg1 : i32
    %mul3A_56 = arith.constant 384 : i32
    %mul3A_57 = arith.muli %add3A_55, %mul3A_56 : i32
    %scan3A_58 = arith.constant 0 : i32
    %scan3A_59 = arith.constant 0 : i32
    %scan3A_60 = arith.constant 24 : i32
    %scan3A_61 = arith.addi %scan3A_59, %scan3A_60 : i32
    %scan3A_62 = arith.constant 1 : i32
    %scan3A_63 = scf.for %scan3A_65 = %scan3A_59 to %scan3A_61 step %scan3A_62 iter_args(%scan3A_66 = %scan3A_58) -> (i32)  : i32 {
      %mul3A_67 = arith.constant 16 : i32
      %mul3A_68 = arith.muli %scan3A_65, %mul3A_67 : i32
      %add3A_69 = arith.addi %mul3A_57, %mul3A_68 : i32
      %get3A = arith.index_cast %add3A_69 : i32 to index
      %get3A_70 = tpu.vector_load %arg5[%get3A] {strides = array<i32>} : memref<12304xi32, #tpu.memory_space<vmem>>, vector<16xi32>,
      %get3A_71 = arith.index_cast %add3A_69 : i32 to index
      %get3A_72 = tpu.vector_load %arg9[%get3A_71] {strides = array<i32>} : memref<12288xi32, #tpu.memory_space<vmem>>, vector<16xi32>,
      %lt3A = vector.broadcast %scan3A_5#1 : i32 to vector<16xi32>
      %lt3A_73 = arith.cmpi slt, %get3A_72, %lt3A : vector<16xi32>
      %jit3A_74 = arith.constant 0 : i32
      %broadcast_in_dim3A_75 = vector.broadcast %jit3A_74 : i32 to vector<16xi32>
      %select_n3A_76 = arith.select %lt3A_73, %get3A_72, %broadcast_in_dim3A_75 : vector<16xi1>, vector<16xi32>
      %gather3A_77 = tpu.vector_load_idx %arg6[%select_n3A_76] : memref<12304xi32, #tpu.memory_space<vmem>>[vector<16xi32>], vector<16xi32>,
      %shift_right_logical3A = arith.constant 10 : i32
      %shift_right_logical3A_78 = vector.broadcast %shift_right_logical3A : i32 to vector<16xi32>
      %shift_right_logical3A_79 = arith.shrui %gather3A_77, %shift_right_logical3A_78 : vector<16xi32>
      %and3A = arith.constant 15 : i32
      %and3A_80 = vector.broadcast %and3A : i32 to vector<16xi32>
      %and3A_81 = arith.andi %shift_right_logical3A_79, %and3A_80 : vector<16xi32>
      %and3A_82 = arith.constant 1023 : i32
      %and3A_83 = vector.broadcast %and3A_82 : i32 to vector<16xi32>
      %and3A_84 = arith.andi %gather3A_77, %and3A_83 : vector<16xi32>
      %min3A = arith.constant 783 : i32
      %min3A_85 = vector.broadcast %min3A : i32 to vector<16xi32>
      %min3A_86 = arith.minsi %and3A_84, %min3A_85 : vector<16xi32>
      %gather3A_87 = tpu.vector_load_idx %arg17[%and3A_81, %min3A_86] : memref<16x784xf32, #tpu.memory_space<vmem>>[vector<16xi32>, vector<16xi32>], vector<16xf32>,
      %ne3A = arith.constant 0 : i32
      %ne3A_88 = vector.broadcast %ne3A : i32 to vector<16xi32>
      %ne3A_89 = arith.cmpi ne, %get3A_70, %ne3A_88 : vector<16xi32>
      %and3A_90 = arith.andi %lt3A_73, %ne3A_89 : vector<16xi1>
      %ne3A_91 = arith.constant 3 : i32
      %ne3A_92 = vector.broadcast %ne3A_91 : i32 to vector<16xi32>
      %ne3A_93 = arith.cmpi ne, %get3A_70, %ne3A_92 : vector<16xi32>
      %and3A_94 = arith.andi %and3A_90, %ne3A_93 : vector<16xi1>
      %jit3A_95 = arith.constant 0.000000e+00 : f32
      %broadcast_in_dim3A_96 = vector.broadcast %jit3A_95 : f32 to vector<16xf32>
      %select_n3A_97 = arith.select %and3A_94, %gather3A_87, %broadcast_in_dim3A_96 : vector<16xi1>, vector<16xf32>
      %mul3A_98 = arith.constant 16 : i32
      %mul3A_99 = arith.muli %scan3A_65, %mul3A_98 : i32
      %swap3A = arith.index_cast %mul3A_99 : i32 to index
      %swap3A_100 = tpu.vector_load %arg18[%swap3A] {strides = array<i32>} : memref<384xf32, #tpu.memory_space<vmem>>, vector<16xf32>,
      tpu.vector_store %arg18[%swap3A], %select_n3A_97 {strides = array<i32>} : memref<384xf32, #tpu.memory_space<vmem>>, vector<16xf32>,
      %scan3A_101 = arith.constant 0 : i32
      scf.yield %scan3A_101 : i32
    }
    %scan3A_64 = arith.constant 24 : i32
    "tpu.region"() ({
      %run_scoped3A = tpu.sem_alloc : memref<!tpu.dma_semaphore, #tpu.memory_space<semaphore_mem>>
      %dma_start3A = tpu.memref_slice %arg4[%mul3A_57] : memref<12288xf32, #tpu.memory_space<hbm>> -> memref<384xf32, #tpu.memory_space<hbm>>
      %dma_start3A_65 = tpu.memref_slice %arg4[%mul3A_57] : memref<12288xf32, #tpu.memory_space<hbm>> -> memref<384xf32, #tpu.memory_space<hbm>>
      tpu.enqueue_dma source(%arg18 : memref<384xf32, #tpu.memory_space<vmem>>) target(%dma_start3A_65 : memref<384xf32, #tpu.memory_space<hbm>>) target_semaphore(%run_scoped3A : memref<!tpu.dma_semaphore, #tpu.memory_space<semaphore_mem>>)
      %dma_wait3A = tpu.memref_slice %arg4[%mul3A_57] : memref<12288xf32, #tpu.memory_space<hbm>> -> memref<384xf32, #tpu.memory_space<hbm>>
      %dma_wait3A_66 = tpu.memref_slice %arg4[%mul3A_57] : memref<12288xf32, #tpu.memory_space<hbm>> -> memref<384xf32, #tpu.memory_space<hbm>>
      tpu.wait_dma2 semaphore(%run_scoped3A : memref<!tpu.dma_semaphore, #tpu.memory_space<semaphore_mem>>) src(%arg18 : memref<384xf32, #tpu.memory_space<vmem>>) dst(%dma_wait3A_66 : memref<384xf32, #tpu.memory_space<hbm>>)
      tpu.yield
    }) : () -> ()
    return
  }
}

module attributes {stable_mosaic.version = 14 : i64} {
  func.func @_row_stats_body(%arg0: i32, %arg1: memref<1024x100xf32, #tpu.memory_space<vmem>>, %arg2: memref<1024x1xi32, #tpu.memory_space<vmem>>, %arg3: memref<1x100xf32, #tpu.memory_space<vmem>>, %arg4: memref<1024x1xf32, #tpu.memory_space<vmem>>, %arg5: memref<1024x1xf32, #tpu.memory_space<vmem>>, %arg6: memref<1024x1xf32, #tpu.memory_space<vmem>>, %arg7: memref<1024x1xf32, #tpu.memory_space<vmem>>, %arg8: memref<1024x1xi32, #tpu.memory_space<vmem>>) attributes {dimension_semantics = [#tpu.dimension_semantics<arbitrary>], iteration_bounds = array<i64: 12>, scalar_prefetch = 0 : i64, scratch_operands = 0 : i64, tpu.core_type = #tpu.core_type<tc>, window_params = [{transform_indices = @transform_0, window_bounds = array<i64: 1024, 100>}, {transform_indices = @transform_1, window_bounds = array<i64: 1024, 1>}, {pipeline_mode = #tpu.pipeline_mode<synchronous>, transform_indices = @transform_2, window_bounds = array<i64: 1, 100>}, {transform_indices = @transform_3, window_bounds = array<i64: 1024, 1>}, {transform_indices = @transform_4, window_bounds = array<i64: 1024, 1>}, {transform_indices = @transform_5, window_bounds = array<i64: 1024, 1>}, {transform_indices = @transform_6, window_bounds = array<i64: 1024, 1>}, {transform_indices = @transform_7, window_bounds = array<i64: 1024, 1>}]} {
    %get3A = arith.constant 0 : index
    %get3A_0 = arith.constant 0 : index
    %get3A_1 = vector.load %arg1[%get3A, %get3A_0] : memref<1024x100xf32, #tpu.memory_space<vmem>>, vector<1024x100xf32>
    %get3A_2 = arith.constant 0 : index
    %get3A_3 = arith.constant 0 : index
    %get3A_4 = vector.load %arg2[%get3A_2, %get3A_3] : memref<1024x1xi32, #tpu.memory_space<vmem>>, vector<1024x1xi32>
    %get3A_5 = arith.constant 0 : index
    %get3A_6 = arith.constant 0 : index
    %get3A_7 = vector.load %arg3[%get3A_5, %get3A_6] : memref<1x100xf32, #tpu.memory_space<vmem>>, vector<1x100xf32>
    %reduce_max3A = arith.constant dense<0xFF800000> : vector<1024xf32>
    %reduce_max3A_8 = vector.multi_reduction <maximumf>, %get3A_1, %reduce_max3A [1] : vector<1024x100xf32> to vector<1024xf32>
    %broadcast_in_dim3A = vector.shape_cast %reduce_max3A_8 : vector<1024xf32> to vector<1024x1xf32>
    %sub3A = vector.broadcast %broadcast_in_dim3A : vector<1024x1xf32> to vector<1024x100xf32>
    %sub3A_9 = arith.subf %get3A_1, %sub3A : vector<1024x100xf32>
    %exp3A = math.exp %sub3A_9 : vector<1024x100xf32>
    %reduce_sum3A = arith.constant dense<0.000000e+00> : vector<1024xf32>
    %reduce_sum3A_10 = vector.multi_reduction <add>, %exp3A, %reduce_sum3A [1] : vector<1024x100xf32> to vector<1024xf32>
    %broadcast_in_dim3A_11 = vector.shape_cast %reduce_sum3A_10 : vector<1024xf32> to vector<1024x1xf32>
    %log3A = math.log %broadcast_in_dim3A_11 : vector<1024x1xf32>
    %add3A = arith.addf %broadcast_in_dim3A, %log3A : vector<1024x1xf32>
    %reduce_sum3A_12 = arith.constant dense<0.000000e+00> : vector<1024xf32>
    %reduce_sum3A_13 = vector.multi_reduction <add>, %get3A_1, %reduce_sum3A_12 [1] : vector<1024x100xf32> to vector<1024xf32>
    %broadcast_in_dim3A_14 = vector.shape_cast %reduce_sum3A_13 : vector<1024xf32> to vector<1024x1xf32>
    %mul3A = vector.broadcast %get3A_7 : vector<1x100xf32> to vector<1024x100xf32>
    %mul3A_15 = arith.mulf %get3A_1, %mul3A : vector<1024x100xf32>
    %reduce_sum3A_16 = arith.constant dense<0.000000e+00> : vector<1024xf32>
    %reduce_sum3A_17 = vector.multi_reduction <add>, %mul3A_15, %reduce_sum3A_16 [1] : vector<1024x100xf32> to vector<1024xf32>
    %broadcast_in_dim3A_18 = vector.shape_cast %reduce_sum3A_17 : vector<1024xf32> to vector<1024x1xf32>
    %iota3A = tpu.iota {dimensions = array<i32: 1>} : vector<1024x100xi32>
    %eq3A = vector.broadcast %get3A_4 : vector<1024x1xi32> to vector<1024x100xi32>
    %eq3A_19 = arith.cmpi eq, %iota3A, %eq3A : vector<1024x100xi32>
    %jit3A = arith.constant 0.000000e+00 : f32
    %broadcast_in_dim3A_20 = vector.broadcast %jit3A : f32 to vector<1024x100xf32>
    %select_n3A = arith.select %eq3A_19, %get3A_1, %broadcast_in_dim3A_20 : vector<1024x100xi1>, vector<1024x100xf32>
    %reduce_sum3A_21 = arith.constant dense<0.000000e+00> : vector<1024xf32>
    %reduce_sum3A_22 = vector.multi_reduction <add>, %select_n3A, %reduce_sum3A_21 [1] : vector<1024x100xf32> to vector<1024xf32>
    %broadcast_in_dim3A_23 = vector.shape_cast %reduce_sum3A_22 : vector<1024xf32> to vector<1024x1xf32>
    %jit3A_24 = arith.constant 0.000000e+00 : f32
    %broadcast_in_dim3A_25 = vector.shape_cast %get3A_7 : vector<1x100xf32> to vector<1x100xf32>
    %broadcast_in_dim3A_26 = vector.broadcast %broadcast_in_dim3A_25 : vector<1x100xf32> to vector<1024x100xf32>
    %broadcast_in_dim3A_27 = vector.broadcast %jit3A_24 : f32 to vector<1024x100xf32>
    %select_n3A_28 = arith.select %eq3A_19, %broadcast_in_dim3A_26, %broadcast_in_dim3A_27 : vector<1024x100xi1>, vector<1024x100xf32>
    %reduce_sum3A_29 = arith.constant dense<0.000000e+00> : vector<1024xf32>
    %reduce_sum3A_30 = vector.multi_reduction <add>, %select_n3A_28, %reduce_sum3A_29 [1] : vector<1024x100xf32> to vector<1024xf32>
    %broadcast_in_dim3A_31 = vector.shape_cast %reduce_sum3A_30 : vector<1024xf32> to vector<1024x1xf32>
    %eq3A_32 = vector.broadcast %broadcast_in_dim3A : vector<1024x1xf32> to vector<1024x100xf32>
    %eq3A_33 = arith.cmpf oeq, %get3A_1, %eq3A_32 : vector<1024x100xf32>
    %jit3A_34 = arith.constant 100 : i32
    %broadcast_in_dim3A_35 = vector.broadcast %jit3A_34 : i32 to vector<1024x100xi32>
    %select_n3A_36 = arith.select %eq3A_33, %iota3A, %broadcast_in_dim3A_35 : vector<1024x100xi1>, vector<1024x100xi32>
    %reduce_min3A = arith.constant dense<2147483647> : vector<1024xi32>
    %reduce_min3A_37 = vector.multi_reduction <minsi>, %select_n3A_36, %reduce_min3A [1] : vector<1024x100xi32> to vector<1024xi32>
    %broadcast_in_dim3A_38 = vector.shape_cast %reduce_min3A_37 : vector<1024xi32> to vector<1024x1xi32>
    %mul3A_39 = arith.constant 1.000000e+02 : f32
    %mul3A_40 = vector.broadcast %mul3A_39 : f32 to vector<1024x1xf32>
    %mul3A_41 = arith.mulf %mul3A_40, %add3A : vector<1024x1xf32>
    %sub3A_42 = arith.subf %broadcast_in_dim3A_14, %mul3A_41 : vector<1024x1xf32>
    %swap3A = arith.constant 0 : index
    %swap3A_43 = arith.constant 0 : index
    %swap3A_44 = vector.load %arg4[%swap3A, %swap3A_43] : memref<1024x1xf32, #tpu.memory_space<vmem>>, vector<1024x1xf32>
    tpu.vector_store %arg4[%swap3A, %swap3A_43], %sub3A_42 {strides = array<i32>} : memref<1024x1xf32, #tpu.memory_space<vmem>>, vector<1024x1xf32>,
    %mul3A_45 = arith.constant 5.500000e+00 : f32
    %mul3A_46 = vector.broadcast %mul3A_45 : f32 to vector<1024x1xf32>
    %mul3A_47 = arith.mulf %mul3A_46, %add3A : vector<1024x1xf32>
    %sub3A_48 = arith.subf %broadcast_in_dim3A_18, %mul3A_47 : vector<1024x1xf32>
    %swap3A_49 = arith.constant 0 : index
    %swap3A_50 = arith.constant 0 : index
    %swap3A_51 = vector.load %arg5[%swap3A_49, %swap3A_50] : memref<1024x1xf32, #tpu.memory_space<vmem>>, vector<1024x1xf32>
    tpu.vector_store %arg5[%swap3A_49, %swap3A_50], %sub3A_48 {strides = array<i32>} : memref<1024x1xf32, #tpu.memory_space<vmem>>, vector<1024x1xf32>,
    %sub3A_52 = arith.subf %broadcast_in_dim3A_23, %add3A : vector<1024x1xf32>
    %swap3A_53 = arith.constant 0 : index
    %swap3A_54 = arith.constant 0 : index
    %swap3A_55 = vector.load %arg6[%swap3A_53, %swap3A_54] : memref<1024x1xf32, #tpu.memory_space<vmem>>, vector<1024x1xf32>
    tpu.vector_store %arg6[%swap3A_53, %swap3A_54], %sub3A_52 {strides = array<i32>} : memref<1024x1xf32, #tpu.memory_space<vmem>>, vector<1024x1xf32>,
    %swap3A_56 = arith.constant 0 : index
    %swap3A_57 = arith.constant 0 : index
    %swap3A_58 = vector.load %arg7[%swap3A_56, %swap3A_57] : memref<1024x1xf32, #tpu.memory_space<vmem>>, vector<1024x1xf32>
    tpu.vector_store %arg7[%swap3A_56, %swap3A_57], %broadcast_in_dim3A_31 {strides = array<i32>} : memref<1024x1xf32, #tpu.memory_space<vmem>>, vector<1024x1xf32>,
    %swap3A_59 = arith.constant 0 : index
    %swap3A_60 = arith.constant 0 : index
    %swap3A_61 = vector.load %arg8[%swap3A_59, %swap3A_60] : memref<1024x1xi32, #tpu.memory_space<vmem>>, vector<1024x1xi32>
    tpu.vector_store %arg8[%swap3A_59, %swap3A_60], %broadcast_in_dim3A_38 {strides = array<i32>} : memref<1024x1xi32, #tpu.memory_space<vmem>>, vector<1024x1xi32>,
    return
  }
  func.func @transform_0(%arg0: i32) -> (i32, i32) {
    %c0_i32 = arith.constant 0 : i32
    %c0_i32_0 = arith.constant 0 : i32
    return %arg0, %c0_i32 : i32, i32
  }
  func.func @transform_1(%arg0: i32) -> (i32, i32) {
    %c0_i32 = arith.constant 0 : i32
    %c0_i32_0 = arith.constant 0 : i32
    return %arg0, %c0_i32 : i32, i32
  }
  func.func @transform_2(%arg0: i32) -> (i32, i32) {
    %c0_i32 = arith.constant 0 : i32
    %c0_i32_0 = arith.constant 0 : i32
    %c0_i32_1 = arith.constant 0 : i32
    return %c0_i32, %c0_i32_0 : i32, i32
  }
  func.func @transform_3(%arg0: i32) -> (i32, i32) {
    %c0_i32 = arith.constant 0 : i32
    %c0_i32_0 = arith.constant 0 : i32
    return %arg0, %c0_i32 : i32, i32
  }
  func.func @transform_4(%arg0: i32) -> (i32, i32) {
    %c0_i32 = arith.constant 0 : i32
    %c0_i32_0 = arith.constant 0 : i32
    return %arg0, %c0_i32 : i32, i32
  }
  func.func @transform_5(%arg0: i32) -> (i32, i32) {
    %c0_i32 = arith.constant 0 : i32
    %c0_i32_0 = arith.constant 0 : i32
    return %arg0, %c0_i32 : i32, i32
  }
  func.func @transform_6(%arg0: i32) -> (i32, i32) {
    %c0_i32 = arith.constant 0 : i32
    %c0_i32_0 = arith.constant 0 : i32
    return %arg0, %c0_i32 : i32, i32
  }
  func.func @transform_7(%arg0: i32) -> (i32, i32) {
    %c0_i32 = arith.constant 0 : i32
    %c0_i32_0 = arith.constant 0 : i32
    return %arg0, %c0_i32 : i32, i32
  }
}

module attributes {stable_mosaic.version = 14 : i64} {
  func.func @_combine_body(%arg0: memref<96x128xi32, #tpu.memory_space<vmem>>, %arg1: memref<96x128xf32, #tpu.memory_space<vmem>>, %arg2: memref<96x128xf32, #tpu.memory_space<vmem>>, %arg3: memref<96x128xf32, #tpu.memory_space<vmem>>, %arg4: memref<96x128xf32, #tpu.memory_space<vmem>>, %arg5: memref<96x128xf32, #tpu.memory_space<vmem>>, %arg6: memref<1x1xf32, #tpu.memory_space<vmem>>) attributes {dimension_semantics = [], scalar_prefetch = 0 : i64, scratch_operands = 0 : i64, tpu.core_type = #tpu.core_type<tc>} {
    %get3A = arith.constant 0 : index
    %get3A_0 = arith.constant 0 : index
    %get3A_1 = vector.load %arg0[%get3A, %get3A_0] : memref<96x128xi32, #tpu.memory_space<vmem>>, vector<96x128xi32>
    %get3A_2 = arith.constant 0 : index
    %get3A_3 = arith.constant 0 : index
    %get3A_4 = vector.load %arg1[%get3A_2, %get3A_3] : memref<96x128xf32, #tpu.memory_space<vmem>>, vector<96x128xf32>
    %get3A_5 = arith.constant 0 : index
    %get3A_6 = arith.constant 0 : index
    %get3A_7 = vector.load %arg2[%get3A_5, %get3A_6] : memref<96x128xf32, #tpu.memory_space<vmem>>, vector<96x128xf32>
    %get3A_8 = arith.constant 0 : index
    %get3A_9 = arith.constant 0 : index
    %get3A_10 = vector.load %arg3[%get3A_8, %get3A_9] : memref<96x128xf32, #tpu.memory_space<vmem>>, vector<96x128xf32>
    %get3A_11 = arith.constant 0 : index
    %get3A_12 = arith.constant 0 : index
    %get3A_13 = vector.load %arg4[%get3A_11, %get3A_12] : memref<96x128xf32, #tpu.memory_space<vmem>>, vector<96x128xf32>
    %get3A_14 = arith.constant 0 : index
    %get3A_15 = arith.constant 0 : index
    %get3A_16 = vector.load %arg5[%get3A_14, %get3A_15] : memref<96x128xf32, #tpu.memory_space<vmem>>, vector<96x128xf32>
    %ne3A = arith.constant 0 : i32
    %ne3A_17 = vector.broadcast %ne3A : i32 to vector<96x128xi32>
    %ne3A_18 = arith.cmpi ne, %get3A_1, %ne3A_17 : vector<96x128xi32>
    %gt3A = arith.constant 0.000000e+00 : f32
    %gt3A_19 = vector.broadcast %gt3A : f32 to vector<96x128xf32>
    %gt3A_20 = arith.cmpf ogt, %get3A_16, %gt3A_19 : vector<96x128xf32>
    %ge3A = arith.constant 4 : i32
    %ge3A_21 = vector.broadcast %ge3A : i32 to vector<96x128xi32>
    %ge3A_22 = arith.cmpi sge, %get3A_1, %ge3A_21 : vector<96x128xi32>
    %lt3A = arith.constant 24 : i32
    %lt3A_23 = vector.broadcast %lt3A : i32 to vector<96x128xi32>
    %lt3A_24 = arith.cmpi slt, %get3A_1, %lt3A_23 : vector<96x128xi32>
    %and3A = arith.andi %ge3A_22, %lt3A_24 : vector<96x128xi1>
    %jit3A = arith.constant 1.000000e+00 : f32
    %broadcast_in_dim3A = vector.broadcast %jit3A : f32 to vector<96x128xf32>
    %select_n3A = arith.select %gt3A_20, %get3A_16, %broadcast_in_dim3A : vector<96x128xi1>, vector<96x128xf32>
    %mul3A = arith.mulf %select_n3A, %get3A_13 : vector<96x128xf32>
    %div3A = arith.constant 9.900000e+01 : f32
    %div3A_25 = vector.broadcast %div3A : f32 to vector<96x128xf32>
    %div3A_26 = arith.divf %mul3A, %div3A_25 : vector<96x128xf32>
    %mul3A_27 = arith.constant 5.500000e+00 : f32
    %mul3A_28 = vector.broadcast %mul3A_27 : f32 to vector<96x128xf32>
    %mul3A_29 = arith.mulf %select_n3A, %mul3A_28 : vector<96x128xf32>
    %div3A_30 = arith.constant 9.900000e+01 : f32
    %div3A_31 = vector.broadcast %div3A_30 : f32 to vector<96x128xf32>
    %div3A_32 = arith.divf %mul3A_29, %div3A_31 : vector<96x128xf32>
    %sub3A = arith.constant 1.000000e+00 : f32
    %sub3A_33 = vector.broadcast %sub3A : f32 to vector<96x128xf32>
    %sub3A_34 = arith.subf %sub3A_33, %div3A_32 : vector<96x128xf32>
    %div3A_35 = arith.constant 9.900000e+01 : f32
    %div3A_36 = vector.broadcast %div3A_35 : f32 to vector<96x128xf32>
    %div3A_37 = arith.divf %select_n3A, %div3A_36 : vector<96x128xf32>
    %log3A = math.log %select_n3A : vector<96x128xf32>
    %sub3A_38 = arith.constant 4.595120e+00 : f32
    %sub3A_39 = vector.broadcast %sub3A_38 : f32 to vector<96x128xf32>
    %sub3A_40 = arith.subf %log3A, %sub3A_39 : vector<96x128xf32>
    %mul3A_41 = arith.constant 5.500000e+00 : f32
    %mul3A_42 = vector.broadcast %mul3A_41 : f32 to vector<96x128xf32>
    %mul3A_43 = arith.mulf %mul3A_42, %sub3A_40 : vector<96x128xf32>
    %add3A = arith.constant -15.2714148 : f32
    %add3A_44 = vector.broadcast %add3A : f32 to vector<96x128xf32>
    %add3A_45 = arith.addf %mul3A_43, %add3A_44 : vector<96x128xf32>
    %mul3A_46 = arith.mulf %div3A_37, %add3A_45 : vector<96x128xf32>
    %log3A_47 = math.log %div3A_26 : vector<96x128xf32>
    %mul3A_48 = arith.mulf %div3A_26, %log3A_47 : vector<96x128xf32>
    %sub3A_49 = arith.subf %mul3A_46, %mul3A_48 : vector<96x128xf32>
    %div3A_50 = arith.constant 9.900000e+01 : f32
    %div3A_51 = vector.broadcast %div3A_50 : f32 to vector<96x128xf32>
    %div3A_52 = arith.divf %select_n3A, %div3A_51 : vector<96x128xf32>
    %mul3A_53 = arith.mulf %div3A_52, %get3A_7 : vector<96x128xf32>
    %mul3A_54 = arith.mulf %div3A_26, %get3A_10 : vector<96x128xf32>
    %sub3A_55 = arith.subf %mul3A_53, %mul3A_54 : vector<96x128xf32>
    %sub3A_56 = arith.subf %sub3A_49, %sub3A_55 : vector<96x128xf32>
    %log3A_57 = math.log %sub3A_34 : vector<96x128xf32>
    %mul3A_58 = arith.mulf %sub3A_34, %log3A_57 : vector<96x128xf32>
    %add3A_59 = arith.addf %sub3A_56, %mul3A_58 : vector<96x128xf32>
    %mul3A_60 = arith.mulf %sub3A_34, %get3A_10 : vector<96x128xf32>
    %sub3A_61 = arith.subf %add3A_59, %mul3A_60 : vector<96x128xf32>
    %mul3A_62 = arith.constant 9.99999996E-13 : f32
    %mul3A_63 = vector.broadcast %mul3A_62 : f32 to vector<96x128xf32>
    %mul3A_64 = arith.mulf %select_n3A, %mul3A_63 : vector<96x128xf32>
    %div3A_65 = arith.constant 9.900000e+01 : f32
    %div3A_66 = vector.broadcast %div3A_65 : f32 to vector<96x128xf32>
    %div3A_67 = arith.divf %mul3A_64, %div3A_66 : vector<96x128xf32>
    %mul3A_68 = arith.constant 1.000000e+02 : f32
    %mul3A_69 = vector.broadcast %mul3A_68 : f32 to vector<96x128xf32>
    %mul3A_70 = arith.mulf %mul3A_69, %div3A_67 : vector<96x128xf32>
    %sub3A_71 = arith.constant 1.000000e+00 : f32
    %sub3A_72 = vector.broadcast %sub3A_71 : f32 to vector<96x128xf32>
    %sub3A_73 = arith.subf %sub3A_72, %mul3A_70 : vector<96x128xf32>
    %mul3A_74 = arith.constant 9.900000e+01 : f32
    %mul3A_75 = vector.broadcast %mul3A_74 : f32 to vector<96x128xf32>
    %mul3A_76 = arith.mulf %mul3A_75, %div3A_67 : vector<96x128xf32>
    %log3A_77 = math.log %div3A_67 : vector<96x128xf32>
    %mul3A_78 = arith.mulf %mul3A_76, %log3A_77 : vector<96x128xf32>
    %sub3A_79 = arith.subf %get3A_4, %get3A_10 : vector<96x128xf32>
    %mul3A_80 = arith.mulf %div3A_67, %sub3A_79 : vector<96x128xf32>
    %sub3A_81 = arith.subf %mul3A_78, %mul3A_80 : vector<96x128xf32>
    %log3A_82 = math.log %sub3A_73 : vector<96x128xf32>
    %mul3A_83 = arith.mulf %sub3A_73, %log3A_82 : vector<96x128xf32>
    %add3A_84 = arith.addf %sub3A_81, %mul3A_83 : vector<96x128xf32>
    %mul3A_85 = arith.mulf %sub3A_73, %get3A_10 : vector<96x128xf32>
    %sub3A_86 = arith.subf %add3A_84, %mul3A_85 : vector<96x128xf32>
    %neg3A = arith.constant 0.000000e+00 : f32
    %neg3A_87 = vector.broadcast %neg3A : f32 to vector<96x128xf32>
    %neg3A_88 = arith.subf %neg3A_87, %get3A_10 : vector<96x128xf32>
    %select_n3A_89 = arith.select %and3A, %sub3A_61, %sub3A_86 : vector<96x128xi1>, vector<96x128xf32>
    %select_n3A_90 = arith.select %gt3A_20, %select_n3A_89, %neg3A_88 : vector<96x128xi1>, vector<96x128xf32>
    %jit3A_91 = arith.constant 0.000000e+00 : f32
    %broadcast_in_dim3A_92 = vector.broadcast %jit3A_91 : f32 to vector<96x128xf32>
    %select_n3A_93 = arith.select %ne3A_18, %select_n3A_90, %broadcast_in_dim3A_92 : vector<96x128xi1>, vector<96x128xf32>
    %convert_element_type3A = arith.extui %ne3A_18 : vector<96x128xi1> to vector<96x128xi32>
    %convert_element_type3A_94 = arith.sitofp %convert_element_type3A : vector<96x128xi32> to vector<96x128xf32>
    %reduce_sum3A = vector.shape_cast %convert_element_type3A_94 : vector<96x128xf32> to vector<1x96x128xf32>
    %reduce_sum3A_95 = arith.constant dense<0.000000e+00> : vector<1xf32>
    %reduce_sum3A_96 = vector.multi_reduction <add>, %reduce_sum3A, %reduce_sum3A_95 [1, 2] : vector<1x96x128xf32> to vector<1xf32>
    %reduce_sum3A_97 = vector.shape_cast %reduce_sum3A_96 : vector<1xf32> to vector<1x1x1xf32>
    %reduce_sum3A_98 = vector.extract %reduce_sum3A_97[0, 0, 0] : f32 from vector<1x1x1xf32>
    %broadcast_in_dim3A_99 = vector.broadcast %reduce_sum3A_98 : f32 to vector<1x1xf32>
    %reduce_sum3A_100 = vector.shape_cast %select_n3A_93 : vector<96x128xf32> to vector<1x96x128xf32>
    %reduce_sum3A_101 = arith.constant dense<0.000000e+00> : vector<1xf32>
    %reduce_sum3A_102 = vector.multi_reduction <add>, %reduce_sum3A_100, %reduce_sum3A_101 [1, 2] : vector<1x96x128xf32> to vector<1xf32>
    %reduce_sum3A_103 = vector.shape_cast %reduce_sum3A_102 : vector<1xf32> to vector<1x1x1xf32>
    %reduce_sum3A_104 = vector.extract %reduce_sum3A_103[0, 0, 0] : f32 from vector<1x1x1xf32>
    %broadcast_in_dim3A_105 = vector.broadcast %reduce_sum3A_104 : f32 to vector<1x1xf32>
    %div3A_106 = arith.divf %broadcast_in_dim3A_105, %broadcast_in_dim3A_99 : vector<1x1xf32>
    %swap3A = arith.constant 0 : index
    %swap3A_107 = arith.constant 0 : index
    %swap3A_108 = vector.load %arg6[%swap3A, %swap3A_107] : memref<1x1xf32, #tpu.memory_space<vmem>>, vector<1x1xf32>
    tpu.vector_store %arg6[%swap3A, %swap3A_107], %div3A_106 {strides = array<i32>} : memref<1x1xf32, #tpu.memory_space<vmem>>, vector<1x1xf32>,
    return
  }
}

</mosaic_0001>

<sc_bundles>
// kernel: kernel.5.cloned.1.call-start
scs
__scs_entry_jumppad:
0x0: {  	(pc) =	sbr.rel $0x88, $3  }
0x1: {  	(tag) =	ssettag $0x0;
	lr =	simm.s32 $0x1  }
0x2: {  	[smem:$0x3F9F] =	sst lr;
	_ =	strace $0xD0000000  }
0x3: {  	_ = 	snop  }
0x4: {  	_ = 	snop  }
0x5: {  	_ = 	snop  }
0x6: {  	_ = 	snop  }
0x7: {  	_ = 	snop  }
__scs_overlays_trampoline_lowered:
0x8: {  	[smem:$0x3FAE] =	sst s0  }
0x9: {  	[smem:$0x3FAF] =	sst s1  }
0xa: {  	[smem:$0x3FB0] =	sst s2  }
0xb: {  	[smem:$0x3FB1] =	sst s3  }
0xc: {  	[smem:$0x3FB2] =	sst s4  }
0xd: {  	[smem:$0x3FB3] =	sst s5  }
0xe: {  	[smem:$0x3FB4] =	sst s6  }
0xf: {  	[smem:$0x3FB5] =	sst s7  }
0x10: {  	[smem:$0x3FB6] =	sst s8  }
0x11: {  	[smem:$0x3FB7] =	sst s9;
	s0 =	simm.s32 @!p0 $0x0  }
0x12: {  	s1 =	sld [smem:$0x3F9D];
	s0 =	simm.s32 @p0 $0x1  }
0x13: {  	[smem:$0x3FB8] =	sst s0;
	s0 =	simm.s32 @!p1 $0x0  }
0x14: {  	s2 =	sld [smem:$0x3F9C];
	s0 =	simm.s32 @p1 $0x1  }
0x15: {  	[smem:$0x3FB9] =	sst s0;
	s0 =	simm.s32 @!p2 $0x0  }
0x16: {  	s3 =	sld [smem:$0x3FDB];
	s0 =	simm.s32 @p2 $0x1  }
0x17: {  	s4 =	simm.s32 $0x1BF5;
	[smem:$0x3FBB] =	sst s0  }
0x18: {  	s0 =	sld [smem:$0x3F9E];
	_ =	swait.ge [sflag:s4], $0x0  }
0x19: {  	s7 =	sld [smem:$0x3F9F]  }
0x1a: {  	s8 =	sadd.s32 $0xFFFFE003, lr  }
0x1b: {  	s9 =	sadd.s32 $0xFFFFFEF7, lr;
	s5 =	simm.s32 $0xFFFFFFFF;
	p2 =	slt.u32 s8, $0xFFFFF086  }
0x1c: {  	p1 =	slt.u32 s9, $0xF7A;
	s5 =	simm.s32 @!p2 $0x0  }
0x1d: {  	s5 =	simm.s32 @p1 $0x1;
	p0 =	seq.s32 s7, s2  }
0x1e: {  	s7 =	smul.u32 @!p0 $0xF7A, s2;
	p2 =	seq.s32 @!p0 s5, $0x0  }
0x1f: {  	s9 =	smul.u32 $0xF7A, s1;
	s8 =	simm.s32 @!p0 $0x1BF5;
	p2 =	por !p2, p0  }
0x20: {  	[sflag:s8] =	ssyncset.s32 @!p0 $0xFFFFF086;
	s6 =	sadd.s32 @!p0 s3, s7;
	s7 =	simm.s32 @!p0 $0x108  }
0x21: {  	s3 =	sadd.s32 s3, s9;
	s6 =	sadd.s32 @!p0 $0x88, s6;
	s7 =	simm.s32 @p2 $0x1082  }
0x22: {  	[simem:s7], [sflag:s8] =	dma.local @!p0 [hbm:s6], $0xF7A  }
0x23: {  	s9 =	sor.u32 $0xD0000000, s2;
	s6 =	simm.s32 $0x108;
	_ =	swait.ge @!p0 [sflag:s8], $0x0  }
0x24: {  	s3 =	sadd.s32 $0x88, s3;
	s6 =	simm.s32 @!p1 $0x1082;
	[sflag:s4] =	ssyncset.s32 $0xFFFFF086  }
0x25: {  	[simem:s6], [sflag:s4] =	dma.local [hbm:s3], $0xF7A  }
0x26: {  	[smem:$0x3F9F] =	sst s1;
	(tag) =	ssettag s2;
	_ =	strace s9  }
0x27: {  	s1 =	sld [smem:$0x3FAF]  }
0x28: {  	s2 =	sld [smem:$0x3FB0]  }
0x29: {  	s4 =	sld [smem:$0x3FB2]  }
0x2a: {  	p0 =	seq.s32 s5, $0x0;
	s5 =	sld [smem:$0x3FB3]  }
0x2b: {  	s6 =	sld [smem:$0x3FB4]  }
0x2c: {  	s7 =	sld [smem:$0x3FB5]  }
0x2d: {  	s3 =	simm.s32 $0x108;
	s8 =	sld [smem:$0x3FB6]  }
0x2e: {  	s3 =	simm.s32 @!p0 $0x1082;
	s9 =	sld [smem:$0x3FB7]  }
0x2f: {  	lr =	sadd.s32 s0, s3;
	s0 =	sld [smem:$0x3FAE]  }
0x30: {  	s3 =	sld [smem:$0x3FB1]  }
0x31: {  	[smem:$0x3FBA] =	sst s10  }
0x32: {  	s10 =	sld [smem:$0x3FB8];
	_ =	sdelay $0x3  }
0x33: {  	p0 =	seq.s32 s10, $0x1;
	s10 =	sld [smem:$0x3FBA];
	_ =	sdelay $0x3  }
0x34: {  	[smem:$0x3FBA] =	sst s10  }
0x35: {  	s10 =	sld [smem:$0x3FB9];
	_ =	sdelay $0x3  }
0x36: {  	p1 =	seq.s32 s10, $0x1;
	s10 =	sld [smem:$0x3FBA];
	_ =	sdelay $0x3  }
0x37: {  	[smem:$0x3FBA] =	sst s10  }
0x38: {  	s10 =	sld [smem:$0x3FBB]  }
0x39: {  	_ = 	snop;
	(pc) =	sbr.ind lr, $3  }
0x3a: {  	_ = 	snop  }
0x3b: {  	_ = 	snop  }
0x3c: {  	p2 =	seq.s32 s10, $0x1;
	s10 =	sld [smem:$0x3FBA]  }
0x3d: {  	_ =	shalt  }
0x3e: {  	_ =	shalt  }
0x3f: {  	_ =	shalt  }
0x40: {  	_ =	shalt  }
0x41: {  	_ =	shalt  }
0x42: {  	_ =	shalt  }
0x43: {  	_ =	shalt  }
0x44: {  	_ =	shalt  }
0x45: {  	_ =	shalt  }
0x46: {  	_ =	shalt  }
0x47: {  	_ =	shalt  }
0x48: {  	_ =	shalt  }
0x49: {  	_ =	shalt  }
0x4a: {  	_ =	shalt  }
0x4b: {  	_ =	shalt  }
0x4c: {  	_ =	shalt  }
0x4d: {  	_ =	shalt  }
0x4e: {  	_ =	shalt  }
0x4f: {  	_ =	shalt  }
0x50: {  	_ =	shalt  }
0x51: {  	_ =	shalt  }
0x52: {  	_ =	shalt  }
0x53: {  	_ =	shalt  }
0x54: {  	_ =	shalt  }
0x55: {  	_ =	shalt  }
0x56: {  	_ =	shalt  }
0x57: {  	_ =	shalt  }
0x58: {  	_ =	shalt  }
0x59: {  	_ =	shalt  }
0x5a: {  	_ =	shalt  }
0x5b: {  	_ =	shalt  }
0x5c: {  	_ =	shalt  }
0x5d: {  	_ =	shalt  }
0x5e: {  	_ =	shalt  }
0x5f: {  	_ =	shalt  }
0x60: {  	_ =	shalt  }
0x61: {  	_ =	shalt  }
0x62: {  	_ =	shalt  }
0x63: {  	_ =	shalt  }
0x64: {  	_ =	shalt  }
0x65: {  	_ =	shalt  }
0x66: {  	_ =	shalt  }
0x67: {  	_ =	shalt  }
0x68: {  	_ =	shalt  }
0x69: {  	_ =	shalt  }
0x6a: {  	_ =	shalt  }
0x6b: {  	_ =	shalt  }
0x6c: {  	_ =	shalt  }
0x6d: {  	_ =	shalt  }
0x6e: {  	_ =	shalt  }
0x6f: {  	_ =	shalt  }
0x70: {  	_ =	shalt  }
0x71: {  	_ =	shalt  }
0x72: {  	_ =	shalt  }
0x73: {  	_ =	shalt  }
0x74: {  	_ =	shalt  }
0x75: {  	_ =	shalt  }
0x76: {  	_ =	shalt  }
0x77: {  	_ =	shalt  }
0x78: {  	_ =	shalt  }
0x79: {  	_ =	shalt  }
0x7a: {  	_ =	shalt  }
0x7b: {  	_ =	shalt  }
0x7c: {  	_ =	shalt  }
0x7d: {  	_ =	shalt  }
0x7e: {  	_ =	shalt  }
0x7f: {  	_ =	shalt  }
0x80: {  	_ =	shalt  }
0x81: {  	_ =	shalt  }
0x82: {  	_ =	shalt  }
0x83: {  	_ =	shalt  }
0x84: {  	_ =	shalt  }
0x85: {  	_ =	shalt  }
0x86: {  	_ =	shalt  }
0x87: {  	_ =	shalt  }
.Lfunc_end0:
.L_simem_size_0:
called_computation_lowered:
.L_overlay_start_0:
0x88: {  	s2 =	sld [smem:$0x3FD9]  }
0x89: {  	s3 =	sld [smem:$0x3FFE];
	_ =	sdelay $0x1  }
0x8a: {  	s1 =	srdreg.scid  }
0x8b: {  	s0 =	sand.u32 $0x1, s1  }
0x8c: {  	s16 =	sshll.u32 s0, $0xA;
	s2 =	sadd.s32 s3, s2  }
0x8d: {  	s2 =	sadd.s32 s2, s16  }
0x8e: {  	[smem:$0x3FC6] =	sst s2  }
0x8f: {  	_ = 	snop  }
0x90: {  	(tm) =	ssettm $0x1  }
0x91: {  	s17 =	sld [smem:$0x3FFB];
	_ =	sdelay $0x3  }
0x92: {  	_ =	strace s17  }
0x93: {  	s2 =	sld [smem:$0x3FFC];
	_ =	sdelay $0x3  }
0x94: {  	_ =	strace s2  }
0x95: {  	s2 =	sld [smem:$0x3FFD];
	_ =	sdelay $0x3  }
0x96: {  	_ =	strace s2  }
0x97: {  	_ =	strace $0x8FFFFFFF  }
0x98: {  	s18 =	sld [smem:$0x3FDB];
	_ =	sdelay $0x1  }
0x99: {  	s19 =	simm.s32 $_scs_section_size  }
0x9a: {  	s4 =	simm.s32 $_size__tile_overlayer_lowered;
	s5 =	simm.s32 $_tile_overlayer_lowered  }
0x9b: {  	s22 =	simm.s32 $0x1BFF;
	s21 =	sshll.u32 s5, $0x1;
	s2 =	sadd.s32 s19, s18  }
0x9c: {  	s6 =	simm.s32 $0x0;
	s20 =	sshll.u32 s4, $0x1;
	s4 =	sadd.s32 s21, s2  }
0x9d: {  	[timem:s6], [sflag:s22] =	dma.local [hbm:s4], s20  }
0x9e: {  	_ =	swait.ge [sflag:s22], s20  }
0x9f: {  	s3 =	ssub.s32 $0x0, s20;
	[sflag:s22] =	ssyncset.done $0x0  }
0xa0: {  	[sflag:s22] =	ssyncadd.s32 s3;
	_ =	sdelay $0x1  }
0xa1: {  	s23 =	simm.s32 $0x1B8B  }
0xa2: {  	_ =	swait.ge [sflag:s23], $0x1  }
0xa3: {  	[sflag:s23] =	ssyncset.done $0x0  }
0xa4: {  	s25 =	simm.s32 $0x1B8E;
	s24 =	sld [smem:$0x3FFE];
	[sflag:s23] =	ssyncadd.s32 $0xFFFFFFFF  }
0xa5: {  	s26 =	simm.s32 $execute0_lowered;
	[smem:$0x3FD2] =	sst s25  }
0xa6: {  	s4 =	sshll.u32 s26, $0x1;
	_ =	strace $0x80000046;
	[dreg:$0x1] =	wrdreg $0xFFFFFFFF  }
0xa7: {  	s28 =	simm.s32 $_size_execute0_lowered;
	s2 =	sadd.s32 s2, s4;
	[dreg:$0x0] =	wrdreg $0x0  }
0xa8: {  	s4 =	sshll.u32 s28, $0x1;
	[dreg:$0x2] =	wrdreg s2  }
0xa9: {  	[dreg:$0x3] =	wrdreg s4  }
0xaa: {  	[dreg:$0x4] =	wrdreg $0xC0  }
0xab: {  	_ =	task [dreg:s6], $0x5FFFF  }
0xac: {  	[dreg:$0x1] =	wrdreg $0xFFFFFFFF  }
0xad: {  	[dreg:$0x0] =	wrdreg $0x60  }
0xae: {  	[dreg:$0x2] =	wrdreg s24  }
0xaf: {  	[dreg:$0x3] =	wrdreg $0x1F4F00  }
0xb0: {  	[dreg:$0x4] =	wrdreg $0x9  }
0xb1: {  	_ =	task.clear_ibuf [dreg:s6], $0x5FFFF;
	_ =	strace $0x90000046  }
0xb2: {  	s29 =	simm.s32 $0x9;
	_ =	strace $0x80000048  }
0xb3: {  	_ =	swait.ge [sflag:s29], $0x1  }
0xb4: {  	[sflag:s29] =	ssyncadd.s32 $0xFFFFFFFF  }
0xb5: {  	_ =	strace $0x90000048  }
0xb6: {  	_ =	sfence  }
0xb7: {  	s30 =	sld [smem:$0x0];
	_ =	sdelay $0x2  }
0xb8: {  	s31 =	sshll.u32 s1, $0xD;
	s1 =	sshrl.u32 s1, $0x2  }
0xb9: {  	s3 =	sand.u32 $0x4000, s31;
	s1 =	sadd.s32 s1, s30  }
0xba: {  	s0 =	sor.u32 s3, s0;
	s1 =	sshll.u32 s1, $0x11  }
0xbb: {  	s0 =	sor.u32 s1, s0  }
0xbc: {  	s0 =	sadd.s32 $0x8F2B, s0  }
0xbd: {  	[sflag:s0] =	ssyncadd.remote.s32 $0x1  }
0xbe: {  	_ =	sfence.sel $0xFFFF  }
0xbf: {  	[dreg:$0x0] =	wrdreg $0xFFFFFFFF;
	(pc) =	sbr.abs _section_cstart, $3  }
0xc0: {  	[dreg:$0x1] =	wrdreg $0xFFFFFFFF  }
0xc1: {  	_ =	task.clear_ibuf [dreg:s6], $0x2FFFF;
	_ =	strace $0x9FFFFFFF  }
0xc2: {  	(tm) =	ssettm $0x7FFFFFFF  }
0xc3: {  	_ =	shalt  }
tec
execute0_lowered:
.L_overlay_start_1:
0x0: {  	(tag) =	ssettag $0x1  }
0x1: {  	v2 =	vimm.s32 $0x8040201;
	v3 =	vimm.s32 $0x80402010  }
0x2: {  	v0 =	vimm.s32 $0x0;
	v4 =	vunpack.c.0.s8.s32 v2;
	v5 =	vunpack.c.0.s8.s32 v3  }
0x3: {  	vm0 =	vmxor vm0, vm0;
	vm1 =	vcmask $0x3F04;
	vm2 =	vcmask $0xF00  }
0x4: {  	v4 =	vnsel vm2, $0x8000, v4;
	v5 =	vand.u32 $0xFF, v5;
	vm2 =	vcmask $0x1F10  }
0x5: {  	vm3 =	vcmask $0x300;
	v4 =	vsel vm2, v5, v4;
	v5 =	vimm.s32 $0x80000000  }
0x6: {  	vm4 =	vcmask $0x2320;
	v5 =	vsel vm3, $0x10000, v5;
	vm3 =	vcmask $0x704  }
0x7: {  	vm5 =	vcmask $0x2724;
	v5 =	vsel vm3, $0x20000, v5;
	vm3 =	vcmask $0xB08  }
0x8: {  	vm6 =	vcmask $0x2B28;
	v5 =	vsel vm3, $0x40000, v5;
	vm3 =	vcmask $0xF0C  }
0x9: {  	vm7 =	vcmask $0x1B18;
	v5 =	vsel vm3, $0x80000, v5;
	vm3 =	vcmask $0x1310  }
0xa: {  	vm13 =	vcmask $0x1F1C;
	v5 =	vsel vm3, $0x100000, v5;
	vm3 =	vcmask $0x1714  }
0xb: {  	v6 =	vimm.s32 $0xEDCBA987;
	v7 =	vimm.s32 $0x65432100;
	v5 =	vsel vm3, $0x200000, v5  }
0xc: {  	s0 =	srdreg.scid;
	s4 =	rddreg [dreg:$0x0];
	vm14 =	vcmask $0x3330;
	v4 =	vsel vm4, $0x100, v4;
	v5 =	vsel vm7, $0x400000, v5  }
0xd: {  	s28 =	stileid.u32;
	s8 =	rddreg [dreg:$0x1];
	s16 =	simm.s32 $0x0;
	v6 =	vunpack.c.l.s4.s8 v6;
	v4 =	vsel vm5, $0x200, v4;
	v5 =	vsel vm13, $0x800000, v5  }
0xe: {  	s9 =	simm.s32 $0x1;
	s10 =	simm.s32 $0x3010;
	s11 =	simm.s32 $0xF040;
	v4 =	vsel vm6, $0x400, v4;
	vm3 =	vcmask $0x2F2C;
	v5 =	vsel vm4, $0x1000000, v5  }
0xf: {  	s12 =	simm.s32 $0x1B940;
	s13 =	simm.s32 $0x6020;
	s3 =	smul.u32 $0xC40, s28;
	v7 =	vunpack.c.l.s4.s8 v7;
	v4 =	vsel vm3, $0x800, v4;
	v5 =	vsel vm5, $0x2000000, v5  }
0x10: {  	v9 =	vimm.s32 $0x1E1D1C1B;
	s14 =	simm.s32 $0x12040;
	s1 =	sand.u32 $0x1, s0;
	s6 =	smul.u32 $0x600, s28;
	v8 =	vsel vm14, $0x1000, v4;
	v4 =	vsel vm6, $0x4000000, v5  }
0x11: {  	s15 =	simm.s32 $0x9030;
	[smem:$0x7FF] =	sst s16;
	s5 =	smul.u32 $0x6000, s1;
	v5 =	vunpack.c.0.s8.s32 v6;
	v6 =	vunpack.c.0.s8.s32 v7;
	v7 =	vimm.s32 $0x1A191817  }
0x12: {  	v1 =	vlaneseq.u32;
	s7 =	sadd.s32 $0x600, s4;
	v9 =	vunpack.c.0.s8.s32 v9;
	s2 =	sshll.u32 s1, $0x4;
	_ =	strace $0x80000047;
	v7 =	vunpack.c.0.s8.s32 v7  }
0x13: {  	vm15 =	vcmask $0x3734;
	s1 =	ssub.s32 $0x2, s1;
	s2 =	sor.u32 s28, s2;
	s5 =	sadd.s32 s6, s5;
	v10 =	vsel vm3, $0x8000000, v4;
	v5 =	vand.u32 $0xF, v5  }
0x14: {  	[dreg:$0x4] =	wrdreg s7;
	s2 =	smul.u32 $0x180, s2;
	s30 =	sshrl.u32 s5, $0x2;
	v4 =	vcombine.low v6, v5;
	v7 =	vsel vm2, v9, v7;
	v5 =	vimm.s32 $0x12111010  }
0x15: {  	s29 =	sshrl.u32 s1, $0x1;
	s3 =	sshrl.u32 s3, $0x2;
	s31 =	sor.u32 $0xC040, s30;
	v6 =	vimm.s32 $0x16151413;
	v9 =	vsel vm14, $0x10000000, v10;
	v10 =	vunpack.c.0.s8.s32 v5  }
0x16: {  	s1 =	ssub.s32 s1, s29;
	s3 =	sadd.s32 s3, s8;
	s2 =	sshrl.u32 s2, $0x3;
	v11 =	vunpack.c.0.s8.s32 v6;
	v6 =	vsel vm15, $0x20000000, v9;
	v9 =	vmov s31  }
0x17: {  	v2 =	vmul.u32 $0x20, v1;
	[dreg:$0x5] =	wrdreg s3;
	s1 =	smax.u32 s1, $0x1;
	s2 =	sadd.s32 s2, s4;
	vm3 =	vcmask $0x3B38;
	v5 =	vsel vm15, $0x2000, v8  }
0x18: {  	s18 =	simm.s32 $0x1C270;
	v3 =	vimm.s32 $0xFFFFFFFF;
	[dreg:$0x7] =	wrdreg s1;
	s2 =	sadd.s32 $0xC00, s2;
	v5 =	vsel vm3, $0x4000, v5;
	v8 =	vsel vm2, v11, v10  }
0x19: {  	s20 =	simm.s32 $0x0;
	p0 =	seq.s32 s28, $0x0;
	[dreg:$0x6] =	wrdreg s2;
	v6 =	vsel vm3, $0x40000000, v6;
	v7 =	vcombine.low v8, v7;
	v8 =	vmov s30  }
.LBB2_1:
0x1a: {  	s0 =	rddreg [dreg:$0x0]  }
0x1b: {  	[tilespmem:s16], [sflag:$0x1] =	stream.linear.gather [hbm4b:s0+s16], $0x3000, $0x38;
	[tilespmem:$0x1F800] =	vst v63  }
0x1c: {  	_ =	swait.ge [sflag:s9], $0x3000  }
0x1d: {  	[sflag:s9] =	ssyncset.done $0x0  }
0x1e: {  	s31 =	rddreg [dreg:$0x4];
	[sflag:s9] =	ssyncadd.s32 $0xFFFFD000  }
0x1f: {  	[tilespmem:s10], [sflag:$0x1] =	stream.linear.gather [hbm4b:s31+s16], $0x3000, $0x38;
	[tilespmem:$0x1F800] =	vst v63  }
0x20: {  	_ =	swait.ge [sflag:s9], $0x3000  }
0x21: {  	[sflag:s9] =	ssyncset.done $0x0  }
0x22: {  	s2 =	simm.s32 $0x0;
	[sflag:s9] =	ssyncadd.s32 $0xFFFFD000  }
0x23: {  	v10 =	vld [tilespmem:s2+$0x0];
	_ =	sdelay $0x4  }
0x24: {  	vm2 =	vne.s32 v10, $0x0  }
0x25: {  	v11 =	vsel vm2, $0x1, v0  }
0x26: {  	(xrf0) =	vadd.scan.msk.s32 $0xffff, v11  }
0x27: {  	v12 =	vmpcnt.ones.xlane vm2;
	_ =	sdelay $0x1  }
0x28: {  	(v2sf) =	vpush v12, $0x0;
	v12 =	vmov s16  }
0x29: {  	v12 =	vadd.s32 $0xFFFFFFFF, v12  }
0x2a: {  	v12 =	vbroadcast v12, $0x0  }
0x2b: {  	vm3 =	veq.s32 v10, $0x3;
	v11 =	vld [tilespmem:s2+$0x3010];
	[tilespmem:s16+$0x6020] =	vst.msk vm2, v10;
	v10, _, _ =	vpop (xrf0)  }
0x2c: {  	v10 =	vadd.s32 v10, v12;
	v12 =	vmpcnt.ones.xlane vm3;
	_ =	sdelay $0x1  }
0x2d: {  	(v2sf) =	vpush v12, $0x0;
	_ =	sdelay $0x1  }
0x2e: {  	v13 =	vsel vm3, $0x1, v0  }
0x2f: {  	(xrf0) =	vadd.scan.msk.s32 $0xffff, v13  }
0x30: {  	[tilespmem:s16+$0x9030] =	vst.msk vm2, v11  }
0x31: {  	s1 =	simm.s32 $0x10;
	[tilespmem:s16+$0xF040] =	vst.msk vm3, v10  }
0x32: {  	v10 =	vld [tilespmem:s1+$0x0];
	_ =	sdelay $0x1  }
0x33: {  	v11 =	vsel vm3, $0xFFFFFFFF, v0  }
0x34: {  	v11 =	vadd.s32 s16, v11;
	v13, _, _ =	vpop (xrf0)  }
0x35: {  	v11 =	vadd.s32 v13, v11  }
0x36: {  	vm3 =	vne.s32 v10, $0x0;
	[tilespmem:s2+$0xC040] =	vst v11  }
0x37: {  	s5 =	simm.s32 $0x80;
	vm2 =	veq.s32 v10, $0x3;
	v15 =	vsel vm3, $0x1, v0;
	v11 =	vld [tilespmem:s1+$0x3010]  }
0x38: {  	s3 =	simm.s32 $0x0;
	s2 =	simm.s32 $0x0;
	v14 =	vmpcnt.ones.xlane vm3;
	v12 =	vmpcnt.ones.xlane vm2;
	v13 =	vsel vm2, $0x1, v0;
	(xrf0) =	vadd.scan.msk.s32 $0xffff, v15;
	s6 =	spop (v2sf)  }
.LBB2_2:
0x39: {  	s2 =	sadd.s32 s2, s6  }
0x3a: {  	(v2sf) =	vpush v14, $0x0;
	(xrf0) =	vadd.scan.msk.s32 $0xffff, v13;
	s6 =	spop (v2sf);
	s7 =	smov.u32 s5;
	s8 =	sadd.s32 $0x40, s5  }
0x3b: {  	p1 =	sne.s32 s5, $0xBFC0;
	[tilespmem:s2+$0x6020] =	vst.msk vm3, v10;
	v10 =	vmov s2;
	(v2sf) =	vpush v12, $0x0;
	s3 =	sadd.s32 s3, s6  }
0x3c: {  	[tilespmem:s2+$0x9030] =	vst.msk vm3, v11;
	v10 =	vadd.s32 $0xFFFFFFFF, v10;
	_ =	sdelay $0x1  }
0x3d: {  	v10 =	vbroadcast v10, $0x0  }
0x3e: {  	v11 =	vsel vm2, $0xFFFFFFFF, v0;
	v12, _, _ =	vpop (xrf0)  }
0x3f: {  	v11 =	vadd.s32 s3, v11;
	v10 =	vadd.s32 v12, v10;
	v12, _, _ =	vpop (xrf0)  }
0x40: {  	s5 =	sshra.s32 s7, $0x2;
	[tilespmem:s3+$0xF040] =	vst.msk vm2, v10;
	v11 =	vadd.s32 v12, v11  }
0x41: {  	v10 =	vld [tilespmem:s5+$0x0];
	[tilespmem:s1+$0xC040] =	vst v11;
	s1 =	smov.u32 s5;
	_ =	sdelay $0x2  }
.Ltmp0:
0x42: {  	(pc) =	sbr.rel @p1 .LBB2_2-.Ltmp0, $4  }
0x43: {  	_ = 	snop  }
0x44: {  	v11 =	vld [tilespmem:s1+$0x3010];
	vm3 =	vne.s32 v10, $0x0;
	vm2 =	veq.s32 v10, $0x3  }
0x45: {  	v15 =	vsel vm3, $0x1, v0;
	v14 =	vmpcnt.ones.xlane vm3;
	v12 =	vmpcnt.ones.xlane vm2  }
0x46: {  	s5 =	smov.u32 s8;
	v13 =	vsel vm2, $0x1, v0;
	(xrf0) =	vadd.scan.msk.s32 $0xffff, v15;
	s6 =	spop (v2sf)  }
0x47: {  	(v2sf) =	vpush v14, $0x0  }
0x48: {  	(v2sf) =	vpush v12, $0x0;
	_ =	sdelay $0xc  }
0x49: {  	s5 =	spop (v2sf)  }
0x4a: {  	s7 =	spop (v2sf)  }
0x4b: {  	s3 =	sadd.s32 s3, s5;
	s5 =	spop (v2sf)  }
0x4c: {  	s0 =	sadd.s32 s3, s5  }
0x4d: {  	s7 =	sadd.s32 $0xFFFFFFFF, s0  }
0x4e: {  	(xrf0) =	vadd.scan.msk.s32 $0xffff, v13;
	p1 =	sgt.s32 s7, $0x0  }
0x4f: {  	s2 =	sadd.s32 s2, s6;
	s7 =	simm.s32 @!p1 $0x0  }
0x50: {  	v61 =	vmov s2;
	v60 =	vmov s7  }
0x51: {  	v13 =	vadd.s32 $0xFFFFFFFF, v61;
	v12 =	vbroadcast v60, $0x0  }
0x52: {  	v13 =	vbroadcast v13, $0x0  }
0x53: {  	[tilespmem:s2+$0x6020] =	vst.msk vm3, v10;
	v10 =	vsel vm2, $0xFFFFFFFF, v0;
	v62, _, _ =	vpop (xrf0)  }
0x54: {  	[tilespmem:s2+$0x9030] =	vst.msk vm3, v11;
	v10 =	vadd.s32 s3, v10;
	v11 =	vadd.s32 v62, v13;
	v63, _, _ =	vpop (xrf0)  }
0x55: {  	[tilespmem:s3+$0xF040] =	vst.msk vm2, v11;
	v10 =	vadd.s32 v63, v10  }
0x56: {  	[tilespmem:s1+$0xC040] =	vst v10  }
0x57: {  	v10 =	vld.idx.msk [tilespmem:v12+s11+$0x0], $0xffff;
	_ =	sdelay $0x4  }
0x58: {  	(v2sf) =	vpush v10, $0x0;
	_ =	sdelay $0x9  }
0x59: {  	p1 =	slt.s32 s0, $0x1  }
.Ltmp1:
0x5a: {  	_ = 	snop;
	(pc) =	sbr.rel @p1 .LBB2_42-.Ltmp1, $2  }
0x5b: {  	_ =	sdelay $0x2  }
0x5c: {  	[dreg:$0x8] =	wrdreg s0;
	s1 =	spop (v2sf)  }
0x5d: {  	v10 =	vld.msk [tilespmem:s11+$0x0], $0xffff;
	_ =	sdelay $0x4  }
0x5e: {  	(v2sf) =	vpush v10, $0x0;
	_ =	sdelay $0xe  }
0x5f: {  	s7 =	spop (v2sf)  }
0x60: {  	p1 =	sgt.s32 s7, $0x0  }
0x61: {  	p2 =	por !p1, !p0  }
0x62: {  	s2 =	simm.s32 $0x0;
	vm2 =	vmmov vm0;
	p2 =	por !p2, !p2  }
0x63: {  	s0 =	rddreg [dreg:$0x8];
	s2 =	simm.s32 @!p2 $0x30F;
	vm2 =	vmneg @p2 vm2  }
0x64: {  	p3 =	seq.s32 s0, $0x1;
	v10 =	vmov s2  }
.Ltmp2:
0x65: {  	_ = 	snop;
	(pc) =	sbr.rel @p3 .LBB2_7-.Ltmp2, $3  }
0x66: {  	_ =	sdelay $0x1  }
0x67: {  	[tilespmem:v0+s10+$0x0] =	vst.idx.msk $0xffff, v0;
	s22 =	simm.s32 $0x1  }
0x68: {  	s22 =	simm.s32 @!p2 $0x0;
	[tilespmem:v10+s12+$0x0] =	vst.idx.msk vm2, v0  }
0x69: {  	s1 =	ssub.s32 s1, s0;
	s2 =	simm.s32 $0x1;
	s3 =	sadd.s32 s3, s5  }
0x6a: {  	s6 =	simm.s32 $0x0;
	s5 =	smov.u32 s7;
	s1 =	sadd.s32 $0x1, s1  }
0x6b: {  	s0 =	stileid.u32;
	s2 =	simm.s32 @!p1 $0x0;
	p2 =	sgt.s32 s1, $0x1  }
0x6c: {  	[dreg:$0x3] =	wrdreg s3;
	s3 =	simm.s32 $0x1;
	s1 =	simm.s32 @!p2 $0x1  }
.LBB2_6:
0x6d: {  	v10 =	vmov s3;
	_ =	sdelay $0x1  }
0x6e: {  	s8 =	sshll.u32 s5, $0x4  }
0x6f: {  	s17 =	sshra.s32 s1, $0x1F;
	s19 =	sshra.s32 s8, $0x1F  }
0x70: {  	s23 =	sxor.u32 s17, s1;
	s24 =	sxor.u32 s19, s8  }
0x71: {  	s23 =	ssub.s32 s23, s17;
	s24 =	ssub.s32 s24, s19;
	v11 =	vld.idx.msk [tilespmem:v10+s11+$0x0], $0xffff  }
0x72: {  	(drf) =	sdiv.u32 s24, s23;
	_ =	sdelay $0x3  }
0x73: {  	(v2sf) =	vpush v11, $0x0;
	_ =	sdelay $0x4  }
0x74: {  	s17 =	sxor.u32 s17, s19;
	s23 =	spop (drf)  }
0x75: {  	s19 =	sxor.u32 s17, s23  }
0x76: {  	s17 =	ssub.s32 s19, s17  }
0x77: {  	s19 =	smul.u32 s1, s17;
	_ =	sdelay $0x1  }
0x78: {  	p1 =	slt.s32 s8, $0x1;
	p2 =	sne.s32 s8, s19  }
0x79: {  	p1 =	por !p1, !p2  }
0x7a: {  	s8 =	simm.s32 $0x1;
	p1 =	por !p1, !p1  }
0x7b: {  	s8 =	simm.s32 @!p1 $0x0  }
0x7c: {  	s28 =	smov.u32 s6;
	s6 =	ssub.s32 s17, s8  }
0x7d: {  	s7 =	sxor.u32 $0xFFFFFFFF, s7;
	p1 =	slt.s32 s6, $0xF;
	s29 =	spop (v2sf)  }
0x7e: {  	s6 =	simm.s32 @!p1 $0xF;
	s7 =	sadd.s32 s7, s29  }
0x7f: {  	p6 =	seq.s32 s6, s0;
	p1 =	sgt.s32 s7, $0x0  }
0x80: {  	p2 =	por !p1, !p6  }
0x81: {  	vm2 =	vmmov vm0;
	s31 =	rddreg [dreg:$0x3];
	s17 =	smov.u32 s22;
	p2 =	por !p2, !p2  }
0x82: {  	s3 =	sadd.s32 $0x1, s3;
	s23 =	simm.s32 $0x1;
	s17 =	simm.s32 @!p2 $0x30F;
	vm2 =	vmneg @p2 vm2  }
0x83: {  	p3 =	seq.s32 s6, s28;
	s23 =	simm.s32 @!p1 $0x0;
	p1 =	seq.s32 s31, s3;
	v11 =	vmov s17  }
.Ltmp3:
0x84: {  	s30 =	sshll.u32 s6, $0xA;
	s2 =	simm.s32 @!p3 $0x0;
	(pc) =	sbr.rel @!p1 .LBB2_6-.Ltmp3, $4  }
0x85: {  	s17 =	sor.u32 s30, s2  }
0x86: {  	v12 =	vmov s17;
	s17 =	simm.s32 $0x1  }
0x87: {  	s5 =	sadd.s32 s5, s7;
	[tilespmem:v10+s10+$0x0] =	vst.idx.msk $0xffff, v12;
	s17 =	simm.s32 @!p2 $0x0  }
0x88: {  	s7 =	smov.u32 s29;
	s2 =	sadd.s32 s23, s2;
	s22 =	sadd.s32 s17, s22;
	[tilespmem:v11+s12+$0x0] =	vst.idx.msk vm2, v10  }
.LBB2_7:
0x89: {  	p1 =	sgt.s32 s22, $0x0  }
.Ltmp4:
0x8a: {  	_ = 	snop;
	(pc) =	sbr.rel @p1 .LBB2_8-.Ltmp4, $2  }
0x8b: {  	_ =	sdelay $0x2  }
0x8c: {  	s23 =	simm.s32 $0x0  }
.LBB2_42:
0x8d: {  	s5 =	simm.s32 $0x0  }
0x8e: {  	v14 =	vld [tilespmem:s5+$0x1BC50];
	_ =	sdelay $0x4  }
0x8f: {  	s1 =	simm.s32 $0x10;
	v10 =	vcvt.s32.f32 v14  }
0x90: {  	v11 =	vld [tilespmem:s1+$0x1BC50]  }
0x91: {  	v10 =	vmax.f32 v10, $1.000000000e+00  }
0x92: {  	(erf) = vrcp.f32 v10;
	_ =	sdelay $0x1  }
0x93: {  	s2 =	simm.s32 $0x20  }
0x94: {  	v12 =	vcvt.s32.f32 v11;
	v10 =	vld [tilespmem:s2+$0x1BC50];
	_ =	sdelay $0x1  }
0x95: {  	v12 =	vmax.f32 v12, $1.000000000e+00  }
0x96: {  	(erf) = vrcp.f32 v12;
	_ =	sdelay $0x1  }
0x97: {  	v12 =	vcvt.s32.f32 v10  }
0x98: {  	v13 =	vpop (erf)  }
0x99: {  	v12 =	vmax.f32 v12, $1.000000000e+00;
	v13 =	vmul.f32 $-1.053605150e-01, v13  }
0x9a: {  	s3 =	simm.s32 $0x30;
	(erf) = vrcp.f32 v12  }
0x9b: {  	v12 =	vmul.f32 $1.442695020e+00, v13;
	v13 =	vld [tilespmem:s3+$0x1BC50];
	_ =	sdelay $0x2  }
0x9c: {  	s6 =	simm.s32 $0x40;
	v16 =	vpop (erf)  }
0x9d: {  	v16 =	vmul.f32 $-1.053605150e-01, v16;
	(erf) = vpow2.f32 v12;
	v12 =	vld [tilespmem:s6+$0x1BC50]  }
0x9e: {  	v15 =	vcvt.s32.f32 v13;
	_ =	sdelay $0x1  }
0x9f: {  	v15 =	vmax.f32 v15, $1.000000000e+00  }
0xa0: {  	(erf) = vrcp.f32 v15;
	v15 =	vmul.f32 $1.442695020e+00, v16;
	v16 =	vpop (erf)  }
0xa1: {  	v17 =	vcvt.s32.f32 v12;
	v16 =	vmul.f32 $-1.053605150e-01, v16  }
0xa2: {  	(erf) = vpow2.f32 v15  }
0xa3: {  	s7 =	simm.s32 $0x50;
	v17 =	vmax.f32 v17, $1.000000000e+00;
	v16 =	vmul.f32 $1.442695020e+00, v16  }
0xa4: {  	vm2 =	veq.s32 v14, $0x0;
	v14 =	vld [tilespmem:s7+$0x1BC50];
	(erf) = vrcp.f32 v17  }
0xa5: {  	v15 =	vpop (erf);
	(erf) = vpow2.f32 v16  }
0xa6: {  	v15 =	vsub.f32 $1.000000000e+00, v15;
	_ =	sdelay $0x1  }
0xa7: {  	s8 =	simm.s32 $0x180;
	v15 =	vsel vm2, $0x2B8CBCCC, v15  }
.LBB2_43:
0xa8: {  	s0 =	sshra.s32 s8, $0x2;
	p1 =	sne.s32 s8, $0xC00;
	s8 =	sadd.s32 $0x40, s8;
	v16 =	vcvt.s32.f32 v14;
	v17 =	vpop (erf);
	[tilespmem:s5+$0x1BF60] =	vst v15;
	v15 =	vmov v14  }
.Ltmp5:
0xa9: {  	s5 =	smov.u32 s1;
	s1 =	smov.u32 s2;
	v14 =	vld [tilespmem:s0+$0x1BC50];
	v17 =	vmul.f32 $-1.053605150e-01, v17;
	(pc) =	sbr.rel @p1 .LBB2_43-.Ltmp5, $4  }
0xaa: {  	s2 =	smov.u32 s3;
	s3 =	smov.u32 s6;
	s6 =	smov.u32 s7;
	v16 =	vmax.f32 v16, $1.000000000e+00;
	v18 =	vpop (erf)  }
0xab: {  	s7 =	smov.u32 s0;
	(erf) = vrcp.f32 v16;
	v16 =	vmul.f32 $1.442695020e+00, v17;
	v17 =	vsub.f32 $1.000000000e+00, v18  }
0xac: {  	vm2 =	veq.s32 v11, $0x0;
	v11 =	vmovc v10;
	v10 =	vmovc v13;
	v13 =	vmov v12;
	v12 =	vmov v15  }
0xad: {  	(erf) = vpow2.f32 v16;
	v15 =	vsel vm2, $0x2B8CBCCC, v17  }
0xae: {  	v16 =	vcvt.s32.f32 v14;
	_ =	sdelay $0x1  }
0xaf: {  	v16 =	vmax.f32 v16, $1.000000000e+00  }
0xb0: {  	(erf) = vrcp.f32 v16;
	_ =	sdelay $0x4  }
0xb1: {  	v56 =	vpop (erf)  }
0xb2: {  	v17 =	vpop (erf)  }
0xb3: {  	v18 =	vpop (erf)  }
0xb4: {  	v16 =	vmul.f32 $-1.053605150e-01, v56;
	v19 =	vpop (erf)  }
0xb5: {  	v18 =	vmul.f32 $-1.053605150e-01, v18;
	v20 =	vpop (erf)  }
0xb6: {  	v16 =	vmul.f32 $1.442695020e+00, v16;
	v20 =	vmul.f32 $-1.053605150e-01, v20  }
0xb7: {  	v18 =	vmul.f32 $1.442695020e+00, v18  }
0xb8: {  	(erf) = vpow2.f32 v16;
	v57 =	vmul.f32 $1.442695020e+00, v20  }
0xb9: {  	(erf) = vpow2.f32 v18  }
0xba: {  	(erf) = vpow2.f32 v57;
	_ =	sdelay $0x5  }
0xbb: {  	v58 =	vsub.f32 $1.000000000e+00, v17  }
0xbc: {  	vm2 =	veq.s32 v11, $0x0;
	v11 =	vsub.f32 $1.000000000e+00, v19;
	v59 =	vpop (erf)  }
0xbd: {  	[tilespmem:s5+$0x1BF60] =	vst v15;
	v60 =	vsel vm2, $0x2B8CBCCC, v58;
	vm2 =	veq.s32 v10, $0x0;
	v10 =	vsub.f32 $1.000000000e+00, v59;
	v61 =	vpop (erf)  }
0xbe: {  	[tilespmem:s1+$0x1BF60] =	vst v60;
	v11 =	vsel vm2, $0x2B8CBCCC, v11;
	vm2 =	veq.s32 v13, $0x0;
	v62 =	vsub.f32 $1.000000000e+00, v61;
	v63 =	vpop (erf)  }
0xbf: {  	[tilespmem:s2+$0x1BF60] =	vst v11;
	v10 =	vsel vm2, $0x2B8CBCCC, v10;
	vm2 =	veq.s32 v12, $0x0;
	v11 =	vsub.f32 $1.000000000e+00, v63  }
0xc0: {  	[tilespmem:s3+$0x1BF60] =	vst v10;
	v10 =	vsel vm2, $0x2B8CBCCC, v62;
	vm2 =	veq.s32 v14, $0x0  }
0xc1: {  	[tilespmem:s6+$0x1BF60] =	vst v10;
	v10 =	vsel vm2, $0x2B8CBCCC, v11  }
0xc2: {  	s0 =	rddreg [dreg:$0x5];
	s29 =	simm.s32 $0x1BF60;
	[tilespmem:s7+$0x1BF60] =	vst v10  }
0xc3: {  	[spmem:s0] =	stream.linear.scatter [tilespmem:s29], [sflag:$0x1], $0x310, $0x38;
	[tilespmem:$0x1F800] =	vst v63  }
0xc4: {  	_ =	swait.ge [sflag:s9], $0x310  }
0xc5: {  	[sflag:s9] =	ssyncset.done $0x0  }
0xc6: {  	[sflag:s9] =	ssyncadd.s32 $0xFFFFFCF0  }
0xc7: {  	[bflag:$0x0] =	sbarrier.arrive $0xFFFF  }
0xc8: {  	s30 =	rddreg [dreg:$0x1]  }
0xc9: {  	[tilespmem:s18], [sflag:$0x1] =	stream.linear.gather [spmem:s30], $0x3100, $0x38;
	[tilespmem:$0x1F800] =	vst v63  }
0xca: {  	_ =	swait.ge [sflag:s9], $0x3100  }
0xcb: {  	s16 =	simm.s32 $0x0;
	[sflag:s9] =	ssyncset.done $0x0;
	s31 =	rddreg [dreg:$0x8]  }
0xcc: {  	s1 =	simm.s32 $0x0;
	s2 =	stileid.u32;
	[sflag:s9] =	ssyncadd.s32 $0xFFFFCF00;
	v10 =	vmov s31  }
.LBB2_45:
0xcd: {  	s0 =	sshra.s32 s1, $0x2  }
0xce: {  	v11 =	vld.idx.msk [tilespmem:v9+s0+$0x0 ss:$0x1], $0xffff;
	_ =	sdelay $0x4  }
0xcf: {  	vm2 =	vlt.s32 v11, v10  }
0xd0: {  	v11 =	vnsel vm2, $0x0, v11;
	_ =	sdelay $0x4  }
0xd1: {  	v11 =	vld.idx.msk [tilespmem:v11+s10+$0x0], $0xffff;
	_ =	sdelay $0x4  }
0xd2: {  	v12 =	vshrl.u32 v11, $0xA  }
0xd3: {  	v11 =	vand.u32 $0x3FF, v11;
	v12 =	vand.u32 $0xF, v12  }
0xd4: {  	v11 =	vmin.u32 v11, $0x30F;
	v12 =	vmul.u32 $0x310, v12  }
0xd5: {  	v13 =	vand.u32 $0x3F8, v11  }
0xd6: {  	v11 =	vand.u32 $0x7, v11;
	v12 =	vadd.s32 v13, v12  }
0xd7: {  	v11 =	vor.u32 v11, v12;
	_ =	sdelay $0x1  }
0xd8: {  	v63 =	vld.idx.msk [tilespmem:v8+s0+$0x0 ss:$0x1], $0xffff;
	_ =	sdelay $0x2  }
0xd9: {  	v11 =	vld.idx.msk [tilespmem:v11+s18+$0x0], $0xffff  }
0xda: {  	p1 =	sne.s32 s1, $0x5C0  }
.Ltmp6:
0xdb: {  	vm3 =	vne.s32 v63, $0x0;
	vm4 =	vne.s32 v63, $0x3;
	(pc) =	sbr.rel @p1 .LBB2_45-.Ltmp6, $4  }
0xdc: {  	vm3 =	vmand vm3, vm4  }
0xdd: {  	vm2 =	vmand vm3, vm2  }
0xde: {  	v11 =	vnsel vm2, $0x0, v11  }
0xdf: {  	s1 =	sadd.s32 $0x40, s1;
	[tilespmem:s0+$0x1F370] =	vst v11  }
0xe0: {  	s0 =	rddreg [dreg:$0x6];
	s1 =	simm.s32 $0x1F370  }
0xe1: {  	[hbm4b:s0+s16] =	stream.linear.scatter [tilespmem:s1], [sflag:$0x1], $0x180, $0x38;
	[tilespmem:$0x1F800] =	vst v63  }
0xe2: {  	_ =	swait.ge [sflag:s9], $0x180  }
0xe3: {  	s20 =	sadd.s32 $0x1, s20;
	s31 =	rddreg [dreg:$0x7]  }
0xe4: {  	p1 =	sne.s32 s20, s31  }
.Ltmp7:
0xe5: {  	_ = 	snop;
	(pc) =	sbr.rel @p1 .LBB2_1-.Ltmp7, $4  }
.Ltmp8:
0xe6: {  	_ = 	snop;
	(pc) =	sbr.rel @!p1 .LBB2_47-.Ltmp8, $4  }
0xe7: {  	_ = 	snop  }
0xe8: {  	[sflag:s9] =	ssyncset.done $0x0  }
0xe9: {  	[sflag:s9] =	ssyncadd.s32 $0xFFFFFE80  }
0xea: {  	_ = 	snop  }
.LBB2_27:
0xeb: {  	v11 =	vimm.s32 $0x0  }
.LBB2_31:
0xec: {  	(xrf0) =	vadd.scan.msk.s32 $0xffff, v11;
	_ =	sdelay $0x5  }
0xed: {  	v11, _, _ =	vpop (xrf0)  }
0xee: {  	(v2sf) =	vpush v11, $0xF;
	_ =	sdelay $0xe  }
0xef: {  	s1 =	spop (v2sf)  }
0xf0: {  	s29 =	sadd.s32 s24, s1  }
.LBB2_41:
0xf1: {  	s23 =	sadd.s32 $0x1, s23  }
0xf2: {  	p1 =	sne.s32 s23, s22  }
.Ltmp9:
0xf3: {  	_ = 	snop;
	(pc) =	sbr.rel @!p1 .LBB2_42-.Ltmp9, $3  }
0xf4: {  	_ =	sdelay $0x1  }
0xf5: {  	v11 =	vmov s29;
	s0 =	simm.s32 $0x1BC50  }
0xf6: {  	[tilespmem:v10+s0+$0x0] =	vst.idx.msk $0xffff, v11  }
.LBB2_8:
0xf7: {  	v10 =	vmov s23;
	_ =	sdelay $0x4  }
0xf8: {  	v11 =	vld.idx.msk [tilespmem:v10+s12+$0x0], $0xffff;
	_ =	sdelay $0x4  }
0xf9: {  	(v2sf) =	vpush v11, $0x0;
	_ =	sdelay $0xe  }
0xfa: {  	s1 =	spop (v2sf)  }
0xfb: {  	s2 =	sadd.s32 $0xFFFFFFFF, s1  }
0xfc: {  	p1 =	sgt.s32 s2, $0x0  }
0xfd: {  	s2 =	simm.s32 @!p1 $0x0  }
0xfe: {  	v11 =	vsel vm1, s2, v11;
	_ =	sdelay $0x4  }
0xff: {  	v11 =	vld.idx.msk [tilespmem:v11+s11+$0x0], $0xffff;
	_ =	sdelay $0x4  }
0x100: {  	(v2sf) =	vpush v11, $0x0  }
0x101: {  	(v2sf) =	vpush v11, $0x1;
	_ =	sdelay $0xd  }
0x102: {  	s2 =	spop (v2sf)  }
0x103: {  	s3 =	spop (v2sf)  }
0x104: {  	p1 =	seq.s32 s1, $0x0;
	s25 =	sadd.s32 $0x1, s3  }
0x105: {  	s25 =	simm.s32 @p1 $0x0  }
0x106: {  	s24 =	ssub.s32 s2, s25  }
0x107: {  	s31 =	sadd.s32 $0x1FF, s24  }
0x108: {  	s26 =	sshra.s32 s31, $0x9  }
0x109: {  	p1 =	sgt.s32 s26, $0x0  }
.Ltmp10:
0x10a: {  	_ = 	snop;
	(pc) =	sbr.rel @!p1 .LBB2_11-.Ltmp10, $1  }
0x10b: {  	_ =	sdelay $0x3  }
0x10c: {  	s3 =	smul.u32 $0x64, s26;
	_ =	sdelay $0x1  }
0x10d: {  	p1 =	seq.s32 s3, $0x1  }
.Ltmp11:
0x10e: {  	_ = 	snop;
	(pc) =	sbr.rel @p1 .LBB2_11-.Ltmp11, $3  }
0x10f: {  	_ =	sdelay $0x1  }
0x110: {  	s1 =	simm.s32 $0x12040  }
0x111: {  	[tilespmem:s1+$0x0] =	vst v0;
	s3 =	sadd.s32 $0xFFFFFFFF, s3  }
.LBB2_10:
0x112: {  	p1 =	seq.s32 s3, $0x1  }
.Ltmp12:
0x113: {  	_ = 	snop;
	(pc) =	sbr.rel @!p1 .LBB2_10-.Ltmp12, $3  }
0x114: {  	_ =	sdelay $0x1  }
0x115: {  	s3 =	sadd.s32 $0xFFFFFFFF, s3;
	s1 =	sadd.s32 $0x10, s1  }
0x116: {  	[tilespmem:s1+$0x0] =	vst v0  }
.LBB2_11:
0x117: {  	p2 =	slt.s32 s24, $0x1  }
.Ltmp13:
0x118: {  	_ = 	snop;
	(pc) =	sbr.rel @p2 .LBB2_15-.Ltmp13, $2  }
0x119: {  	_ =	sdelay $0x2  }
0x11a: {  	s28 =	sshll.u32 s26, $0x4  }
0x11b: {  	s3 =	sadd.s32 $0x0, s25  }
0x11c: {  	v12 =	vmov s3;
	_ =	sdelay $0x4  }
0x11d: {  	v12 =	vld.idx.msk [tilespmem:v12+s13+$0x0], $0xffff;
	_ =	sdelay $0x3  }
0x11e: {  	v11 =	vmov s28  }
0x11f: {  	v12 =	vmul.u32 v11, v12  }
0x120: {  	s31 =	simm.s32 $0x0  }
0x121: {  	p1 =	seq.s32 s24, $0x1;
	v12 =	vadd.s32 s31, v12  }
.Ltmp14:
0x122: {  	_ = 	snop;
	(pc) =	sbr.rel @p1 .LBB2_14-.Ltmp14, $2  }
0x123: {  	_ =	sdelay $0x2  }
0x124: {  	s1 =	simm.s32 $0x0;
	s3 =	simm.s32 $0x1;
	v13 =	vld.idx.msk [tilespmem:v12+s14+$0x0], $0xffff  }
.LBB2_13:
0x125: {  	s5 =	sadd.s32 s3, s25;
	s6 =	smov.u32 s3;
	s3 =	sadd.s32 $0x1, s3  }
0x126: {  	v14 =	vmov s5;
	p1 =	seq.s32 s24, s3  }
0x127: {  	s5 =	sand.u32 $0x1F, s1;
	s1 =	smov.u32 s6  }
0x128: {  	s5 =	sshll.u32 s9, s5  }
0x129: {  	v13 =	vor.u32 s5, v13  }
0x12a: {  	[tilespmem:v12+s14+$0x0] =	vst.idx.msk $0xffff, v13  }
0x12b: {  	v12 =	vld.idx.msk [tilespmem:v14+s13+$0x0], $0xffff;
	_ =	sdelay $0x5  }
0x12c: {  	v12 =	vmul.u32 v11, v12  }
0x12d: {  	s5 =	sshrl.u32 s1, $0x5  }
0x12e: {  	v12 =	vadd.s32 s5, v12  }
.Ltmp15:
0x12f: {  	(pc) =	sbr.rel @!p1 .LBB2_13-.Ltmp15, $2  }
0x130: {  	_ =	sdelay $0x2  }
0x131: {  	v13 =	vld.idx.msk [tilespmem:v12+s14+$0x0], $0xffff  }
.LBB2_14:
0x132: {  	_ =	sdelay $0x1  }
0x133: {  	s1 =	sand.u32 $0x1F, s1  }
0x134: {  	s1 =	sshll.u32 s9, s1  }
0x135: {  	v11 =	vor.u32 s1, v13  }
0x136: {  	[tilespmem:v12+s14+$0x0] =	vst.idx.msk $0xffff, v11  }
.LBB2_15:
0x137: {  	p1 =	slt.s32 s26, $0x1  }
.Ltmp16:
0x138: {  	_ = 	snop;
	(pc) =	sbr.rel @p1 .LBB2_23-.Ltmp16, $1  }
0x139: {  	_ =	sdelay $0x3  }
0x13a: {  	s5 =	simm.s32 $0x0  }
0x13b: {  	v11 =	vmov s24;
	p4 =	sne.s32 s26, $0x1;
	v12 =	vor.u32 s5, v2  }
.Ltmp17:
0x13c: {  	v14 =	vsub.s32 v11, v12;
	(pc) =	sbr.rel @!p4 .LBB2_17-.Ltmp17, $4  }
0x13d: {  	vm2 =	vgt.s32 v14, $0x0  }
0x13e: {  	v12 =	vnsel vm2, $0x0, v14  }
0x13f: {  	s3 =	simm.s32 $0x1B640;
	s1 =	simm.s32 $0x1B7C0;
	v12 =	vmin.u32 v12, $0x1F  }
0x140: {  	s6 =	simm.s32 $0x200;
	p3 =	por $0x0, $0x0;
	s5 =	sadd.s32 $0xFFFFFFFF, s26;
	v13 =	vshll.u32 v3, v12  }
0x141: {  	v12 =	vor.u32 s6, v2;
	p4 =	sne.s32 s5, $0x1  }
.Ltmp18:
0x142: {  	v13 =	vxor.u32 $0xFFFFFFFF, v13;
	v12 =	vsub.s32 v11, v12;
	(pc) =	sbr.rel @!p4 .LBB2_19-.Ltmp18, $4  }
0x143: {  	vm3 =	vgt.s32 v14, $0x1F;
	v13 =	vnsel vm2, $0x0, v13;
	vm2 =	vgt.s32 v12, $0x0  }
0x144: {  	v13 =	vsel vm3, $0xFFFFFFFF, v13;
	v14 =	vnsel vm2, $0x0, v12  }
0x145: {  	s7 =	sadd.s32 $0xFFFFFFFF, s5;
	s8 =	simm.s32 $0x400;
	[tilespmem:s3+$0x0] =	vst v13;
	v13 =	vmin.u32 v14, $0x1F  }
0x146: {  	p3 =	por $0x1, $0x1;
	s5 =	simm.s32 $0x1B640;
	s6 =	simm.s32 $0x1B7C0;
	[tilespmem:s1+$0x0] =	vst v0;
	v13 =	vshll.u32 v3, v13  }
.LBB2_20:
0x147: {  	v14 =	vor.u32 s8, v2;
	v13 =	vxor.u32 $0xFFFFFFFF, v13;
	p4 =	sne.s32 s7, $0x1  }
.Ltmp19:
0x148: {  	s7 =	sadd.s32 $0xFFFFFFFF, s7;
	vm3 =	vgt.s32 v12, $0x1F;
	v12 =	vsub.s32 v11, v14;
	v13 =	vnsel vm2, $0x0, v13;
	(pc) =	sbr.rel @p4 .LBB2_20-.Ltmp19, $4  }
0x149: {  	s5 =	sadd.s32 $0x10, s5;
	vm2 =	vgt.s32 v12, $0x0;
	v13 =	vsel vm3, $0xFFFFFFFF, v13  }
0x14a: {  	s6 =	sadd.s32 $0x10, s6;
	v14 =	vnsel vm2, $0x0, v12;
	[tilespmem:s5+$0x0] =	vst v13  }
0x14b: {  	v13 =	vmin.u32 v14, $0x1F;
	[tilespmem:s6+$0x0] =	vst v0  }
0x14c: {  	s8 =	sadd.s32 $0x200, s8;
	v13 =	vshll.u32 v3, v13  }
0x14d: {  	v14 =	vmov v12  }
.LBB2_22:
0x14e: {  	v11 =	vxor.u32 $0xFFFFFFFF, v13  }
0x14f: {  	vm3 =	vgt.s32 v14, $0x1F;
	s5 =	sadd.s32 @p3 $0x10, s5;
	v11 =	vnsel vm2, $0x0, v11  }
0x150: {  	s3 =	smov.u32 @p3 s5;
	s5 =	sadd.s32 @p3 $0x10, s6;
	v11 =	vsel vm3, $0xFFFFFFFF, v11  }
0x151: {  	s1 =	smov.u32 @p3 s5;
	[tilespmem:s3+$0x0] =	vst v11  }
0x152: {  	[tilespmem:s1+$0x0] =	vst v0  }
.LBB2_23:
0x153: {  	s1 =	sadd.s32 $0xFFFFFFFF, s24;
	p3 =	seq.s32 s26, $0x1  }
.Ltmp20:
0x154: {  	s3 =	sshrl.u32 s1, $0x5;
	(pc) =	sbr.rel @!p3 .LBB2_24-.Ltmp20, $4  }
0x155: {  	s5 =	sand.u32 $0x1F, s1;
	s3 =	sand.u32 $0xF, s3  }
0x156: {  	s31 =	sshll.u32 s9, s5;
	v11 =	vmov s3  }
0x157: {  	vm2 =	veq.s32 v11, v1;
	v11 =	vmov s31  }
0x158: {  	v11 =	vnsel vm2, $0x0, v11  }
.Ltmp21:
0x159: {  	(pc) =	sbr.rel @p2 .LBB2_27-.Ltmp21, $1  }
0x15a: {  	_ =	sdelay $0x3  }
0x15b: {  	v12 =	vmov s25;
	_ =	sdelay $0x4  }
0x15c: {  	v12 =	vld.idx.msk [tilespmem:v12+s15+$0x0], $0xffff;
	_ =	sdelay $0x4  }
0x15d: {  	v12 =	vshll.u32 v12, $0x4  }
0x15e: {  	v12 =	vor.u32 v1, v12;
	_ =	sdelay $0x3  }
0x15f: {  	v14 =	vld [tilespmem:$0x1B640]  }
0x160: {  	v13 =	vld.idx.msk [tilespmem:v12+s14+$0x0], $0xffff;
	_ =	sdelay $0x4  }
0x161: {  	v12 =	vand.u32 v14, v13  }
0x162: {  	v12 =	vadd.s32 v14, v12  }
0x163: {  	v15 =	vxor.u32 $0xFFFFFFFF, v12  }
0x164: {  	v15 =	vor.u32 v15, v13  }
0x165: {  	v15 =	vand.u32 v14, v15  }
0x166: {  	vm2 =	veq.s32 v12, $0xFFFFFFFF;
	v15 =	vshra.s32 v15, $0x1F  }
0x167: {  	v16 =	vnsel vm2, $0x0, v6;
	v15 =	vand.u32 v5, v15  }
0x168: {  	v15 =	vor.u32 v16, v15  }
0x169: {  	(xrf0) =	vadd.scan.msk.s32 $0xffff, v15;
	_ =	sdelay $0x5  }
0x16a: {  	v16, _, _ =	vpop (xrf0)  }
0x16b: {  	v15 =	vsub.s32 v16, v15  }
0x16c: {  	v16 =	vshrl.u32 v15, $0x10  }
0x16d: {  	s1 =	sadd.s32 $0x1, s25;
	v16 =	vor.u32 v16, v15  }
0x16e: {  	p1 =	sne.s32 s2, s1;
	v17 =	vadd.s32 v15, v16  }
.Ltmp22:
0x16f: {  	v15 =	vxor.u32 v17, v15;
	(pc) =	sbr.rel @!p1 .LBB2_30-.Ltmp22, $4  }
0x170: {  	v15 =	vxor.u32 v16, v15  }
0x171: {  	v15 =	vshrl.u32 v15, v1  }
0x172: {  	v16 =	vand.u32 $0x1, v15  }
0x173: {  	v15 =	vimm.s32 $0x0;
	v16 =	vadd.s32 v12, v16;
	v12 =	vimm.s32 $0x0  }
.LBB2_29:
0x174: {  	v17 =	vmov s1;
	s1 =	sadd.s32 $0x1, s1;
	v16 =	vxor.u32 v14, v16  }
0x175: {  	p1 =	sne.s32 s2, s1;
	v13 =	vor.u32 v13, v16  }
0x176: {  	v16 =	vor.u32 v14, v13  }
0x177: {  	v18 =	vor.u32 v15, v13;
	v13 =	vxor.u32 $0xFFFFFFFF, v16  }
0x178: {  	v14 =	vand.u32 v14, v18;
	v15 =	vor.u32 v13, v15  }
0x179: {  	v19 =	vshra.s32 v14, $0x1F;
	v13 =	vld.idx.msk [tilespmem:v17+s15+$0x0], $0xffff;
	v16 =	vand.u32 v11, v15;
	v17 =	vshra.s32 v15, $0x1F  }
0x17a: {  	vm2 =	vne.s32 v16, $0x0;
	v16 =	vand.u32 v5, v17;
	v17 =	vand.u32 v6, v19  }
0x17b: {  	v20 =	vand.u32 v11, v14;
	v19 =	vsel vm2, $0x1, v0;
	v16 =	vor.u32 v17, v16  }
0x17c: {  	vm2 =	vne.s32 v20, $0x0;
	v12 =	vadd.s32 v19, v12;
	(xrf0) =	vadd.scan.msk.s32 $0xffff, v16  }
0x17d: {  	v17 =	vsel vm2, $0xFFFFFFFF, v0  }
0x17e: {  	v12 =	vadd.s32 v17, v12  }
0x17f: {  	v13 =	vshll.u32 v13, $0x4  }
0x180: {  	v13 =	vor.u32 v1, v13;
	_ =	sdelay $0x1  }
0x181: {  	v17, _, _ =	vpop (xrf0)  }
0x182: {  	v16 =	vsub.s32 v17, v16  }
0x183: {  	v17 =	vshrl.u32 v16, v4  }
0x184: {  	vm2 =	veq.s32 v1, $0x0;
	v13 =	vld.idx.msk [tilespmem:v13+s14+$0x0], $0xffff;
	v17 =	vand.u32 $0x1, v17  }
0x185: {  	v15 =	vshll.u32 v15, $0x1;
	v17 =	vsel vm2, $0x1, v17  }
0x186: {  	v16 =	vshrl.u32 v16, v7;
	v15 =	vor.u32 v15, v17  }
0x187: {  	v14 =	vshll.u32 v14, $0x1;
	v16 =	vand.u32 $0x1, v16;
	v17 =	vor.u32 v18, v15  }
0x188: {  	v14 =	vor.u32 v14, v16;
	v15 =	vand.u32 v18, v15;
	v16 =	vxor.u32 $0xFFFFFFFF, v17  }
0x189: {  	v14 =	vor.u32 v16, v14  }
0x18a: {  	v16 =	vand.u32 v14, v13  }
0x18b: {  	v16 =	vadd.s32 v14, v16  }
0x18c: {  	v17 =	vxor.u32 $0xFFFFFFFF, v16  }
0x18d: {  	v17 =	vor.u32 v17, v13  }
0x18e: {  	v17 =	vand.u32 v14, v17  }
0x18f: {  	vm2 =	veq.s32 v16, $0xFFFFFFFF;
	v17 =	vshra.s32 v17, $0x1F  }
0x190: {  	v18 =	vnsel vm2, $0x0, v6;
	v17 =	vand.u32 v5, v17  }
0x191: {  	v17 =	vor.u32 v18, v17  }
0x192: {  	(xrf0) =	vadd.scan.msk.s32 $0xffff, v17;
	_ =	sdelay $0x5  }
0x193: {  	v18, _, _ =	vpop (xrf0)  }
0x194: {  	v17 =	vsub.s32 v18, v17  }
0x195: {  	v18 =	vshrl.u32 v17, $0x10  }
0x196: {  	v18 =	vor.u32 v18, v17  }
0x197: {  	v19 =	vadd.s32 v17, v18  }
.Ltmp23:
0x198: {  	v17 =	vxor.u32 v19, v17;
	(pc) =	sbr.rel @p1 .LBB2_29-.Ltmp23, $4  }
0x199: {  	v17 =	vxor.u32 v18, v17  }
0x19a: {  	v17 =	vshrl.u32 v17, v1  }
0x19b: {  	v17 =	vand.u32 $0x1, v17  }
0x19c: {  	v16 =	vadd.s32 v16, v17  }
.LBB2_30:
0x19d: {  	v16 =	vxor.u32 v14, v16  }
0x19e: {  	v13 =	vor.u32 v13, v16  }
0x19f: {  	v16 =	vor.u32 v14, v13  }
0x1a0: {  	v13 =	vor.u32 v15, v13;
	v16 =	vxor.u32 $0xFFFFFFFF, v16  }
0x1a1: {  	v13 =	vand.u32 v14, v13;
	v57 =	vor.u32 v16, v15  }
0x1a2: {  	v59 =	vshra.s32 v13, $0x1F;
	v58 =	vshra.s32 v57, $0x1F  }
0x1a3: {  	v16 =	vand.u32 v6, v59;
	v14 =	vand.u32 v5, v58  }
0x1a4: {  	v14 =	vor.u32 v16, v14  }
0x1a5: {  	(xrf0) =	vadd.scan.msk.s32 $0xffff, v14;
	_ =	sdelay $0x1  }
.Ltmp24:
0x1a6: {  	v60 =	vand.u32 v11, v57;
	(pc) =	sbr.rel .LBB2_31-.Ltmp24, $4  }
0x1a7: {  	v11 =	vand.u32 v11, v13;
	vm2 =	vne.s32 v60, $0x0  }
0x1a8: {  	v61 =	vsel vm2, $0x1, v0;
	vm2 =	vne.s32 v11, $0x0  }
0x1a9: {  	v11 =	vadd.s32 v61, v12;
	v62 =	vsel vm2, $0xFFFFFFFF, v0  }
0x1aa: {  	v11 =	vadd.s32 v62, v11;
	v63, _, _ =	vpop (xrf0)  }
.LBB2_24:
0x1ab: {  	p2 =	sgt.s32 s24, $0x0  }
.Ltmp25:
0x1ac: {  	_ = 	snop;
	(pc) =	sbr.rel @!p2 .LBB2_25-.Ltmp25, $1  }
0x1ad: {  	_ =	sdelay $0x3  }
.Ltmp26:
0x1ae: {  	(pc) =	sbr.rel .LBB2_33-.Ltmp26, $2  }
0x1af: {  	_ =	sdelay $0x2  }
0x1b0: {  	s1 =	sshra.s32 s1, $0x9;
	s31 =	simm.s32 $0x0;
	s29 =	smov.u32 s24  }
.LBB2_25:
.Ltmp27:
0x1b1: {  	(pc) =	sbr.rel .LBB2_41-.Ltmp27, $2  }
0x1b2: {  	_ =	sdelay $0x2  }
0x1b3: {  	s29 =	smov.u32 s24  }
.LBB2_35:
0x1b4: {  	s5 =	simm.s32 $0x1B7C0;
	s30 =	smov.u32 s1;
	s19 =	simm.s32 $0x0  }
.LBB2_39:
0x1b5: {  	v14 =	vand.u32 v13, v12  }
0x1b6: {  	v14 =	vadd.s32 v12, v14  }
0x1b7: {  	v15 =	vxor.u32 $0xFFFFFFFF, v14  }
0x1b8: {  	v15 =	vor.u32 v15, v13  }
0x1b9: {  	v15 =	vand.u32 v12, v15  }
0x1ba: {  	vm2 =	veq.s32 v14, $0xFFFFFFFF;
	v15 =	vshra.s32 v15, $0x1F  }
0x1bb: {  	v16 =	vnsel vm2, $0x0, v6;
	v15 =	vand.u32 v5, v15  }
0x1bc: {  	v15 =	vor.u32 v16, v15  }
0x1bd: {  	(xrf0) =	vadd.scan.msk.s32 $0xffff, v15;
	_ =	sdelay $0x5  }
0x1be: {  	v15, _, _ =	vpop (xrf0)  }
0x1bf: {  	(v2sf) =	vpush v15, $0xF;
	_ =	sdelay $0xe  }
0x1c0: {  	s0 =	spop (v2sf)  }
0x1c1: {  	s4 =	sand.u32 $0xFFFF, s0;
	s0 =	sshrl.u32 s0, $0x10  }
0x1c2: {  	s0 =	sor.u32 s0, s4;
	s6 =	sadd.s32 s6, s4  }
0x1c3: {  	s6 =	sadd.s32 s0, s6;
	s0 =	sxor.u32 s4, s0  }
0x1c4: {  	s0 =	sxor.u32 s6, s0  }
0x1c5: {  	v49 =	vmov s0;
	s0 =	sadd.s32 @p2 $0x10, s5  }
0x1c6: {  	v15 =	vshrl.u32 v49, v1;
	s2 =	smov.u32 @p2 s0  }
0x1c7: {  	v50 =	vld [tilespmem:s2+$0x0];
	v15 =	vand.u32 $0x1, v15  }
0x1c8: {  	v14 =	vadd.s32 v14, v15  }
0x1c9: {  	v14 =	vxor.u32 v12, v14  }
0x1ca: {  	v51 =	vor.u32 v13, v14  }
0x1cb: {  	v14 =	vor.u32 v12, v51  }
0x1cc: {  	v13 =	vor.u32 v50, v51;
	v14 =	vxor.u32 $0xFFFFFFFF, v14  }
0x1cd: {  	v14 =	vor.u32 v14, v50;
	v52 =	vand.u32 v12, v13  }
0x1ce: {  	v53 =	vshra.s32 v14, $0x1F;
	v54 =	vshra.s32 v52, $0x1F  }
0x1cf: {  	v15 =	vand.u32 v5, v53;
	v16 =	vand.u32 v6, v54  }
0x1d0: {  	v15 =	vor.u32 v16, v15  }
0x1d1: {  	(xrf0) =	vadd.scan.msk.s32 $0xffff, v15  }
0x1d2: {  	v55 =	vand.u32 v11, v14  }
0x1d3: {  	v56 =	vand.u32 v11, v52;
	vm2 =	vne.s32 v55, $0x0  }
0x1d4: {  	v57 =	vmpcnt.ones.xlane vm2;
	vm2 =	vne.s32 v56, $0x0  }
0x1d5: {  	v15 =	vmpcnt.ones.xlane vm2  }
0x1d6: {  	(v2sf) =	vpush v57, $0x0  }
0x1d7: {  	(v2sf) =	vpush v15, $0x0;
	v58, _, _ =	vpop (xrf0)  }
0x1d8: {  	(v2sf) =	vpush v58, $0xF;
	_ =	sdelay $0xc  }
0x1d9: {  	s0 =	spop (v2sf)  }
0x1da: {  	s7 =	spop (v2sf)  }
0x1db: {  	s8 =	spop (v2sf)  }
0x1dc: {  	s16 =	sshll.u32 s8, $0x1  }
0x1dd: {  	s6 =	sand.u32 $0xFFFE, s16  }
0x1de: {  	s5 =	sshrl.u32 s8, $0xF;
	s6 =	sor.u32 s17, s6  }
0x1df: {  	s5 =	sand.u32 $0xFFFE, s5;
	v59 =	vmov s6  }
0x1e0: {  	s5 =	sor.u32 s19, s5;
	v15 =	vshrl.u32 v59, v1  }
0x1e1: {  	v14 =	vshll.u32 v14, $0x1;
	v60 =	vmov s5;
	v15 =	vand.u32 $0x1, v15  }
0x1e2: {  	s21 =	sadd.s32 $0xFFFFFFFF, s0;
	v61 =	vshrl.u32 v60, v1;
	v14 =	vor.u32 v14, v15  }
0x1e3: {  	v12 =	vshll.u32 v52, $0x1;
	s4 =	smul.u32 s7, s21;
	s5 =	sadd.s32 @p2 $0xFFFFFFFF, s30;
	s6 =	smov.u32 s1;
	v15 =	vand.u32 $0x1, v61;
	v62 =	vor.u32 v13, v14  }
0x1e4: {  	s6 =	smov.u32 @p2 s5;
	v12 =	vor.u32 v12, v15;
	v63 =	vxor.u32 $0xFFFFFFFF, v62  }
0x1e5: {  	s0 =	sadd.s32 s0, s4;
	p2 =	seq.s32 s6, $0x0;
	v12 =	vor.u32 v63, v12  }
0x1e6: {  	s0 =	simm.s32 @!p2 $0x0;
	v13 =	vand.u32 v13, v14;
	[tilespmem:s3+$0x0] =	vst v12  }
0x1e7: {  	s29 =	sadd.s32 s29, s0;
	[tilespmem:s2+$0x0] =	vst v13  }
.LBB2_40:
0x1e8: {  	s31 =	sadd.s32 $0x1, s31  }
0x1e9: {  	p2 =	sne.s32 s31, s24  }
.Ltmp28:
0x1ea: {  	_ = 	snop;
	(pc) =	sbr.rel @!p2 .LBB2_41-.Ltmp28, $1  }
0x1eb: {  	_ =	sdelay $0x3  }
.LBB2_33:
.Ltmp29:
0x1ec: {  	(pc) =	sbr.rel @p1 .LBB2_40-.Ltmp29, $1  }
0x1ed: {  	_ =	sdelay $0x3  }
0x1ee: {  	s2 =	sadd.s32 s25, s31  }
0x1ef: {  	v12 =	vmov s2;
	_ =	sdelay $0x4  }
0x1f0: {  	v12 =	vld.idx.msk [tilespmem:v12+s15+$0x0], $0xffff;
	_ =	sdelay $0x4  }
0x1f1: {  	(v2sf) =	vpush v12, $0x0;
	_ =	sdelay $0xe  }
0x1f2: {  	s30 =	spop (v2sf)  }
0x1f3: {  	s2 =	smul.u32 s28, s30  }
0x1f4: {  	s3 =	simm.s32 $0x1B640  }
0x1f5: {  	p3 =	sne.s32 s26, $0x1;
	v12 =	vld [tilespmem:s3+$0x0];
	s5 =	sadd.s32 $0x12040, s2  }
.Ltmp30:
0x1f6: {  	v13 =	vld [tilespmem:s5+$0x0];
	(pc) =	sbr.rel @!p3 .LBB2_35-.Ltmp30, $3  }
0x1f7: {  	_ =	sdelay $0x1  }
0x1f8: {  	s17 =	simm.s32 $0x1;
	s6 =	simm.s32 $0x0  }
0x1f9: {  	s8 =	sadd.s32 $0xFFFFFFFF, s26;
	p2 =	por $0x0, $0x0;
	s2 =	simm.s32 $0x1B7C0  }
0x1fa: {  	v14 =	vand.u32 v13, v12  }
0x1fb: {  	v14 =	vadd.s32 v12, v14  }
0x1fc: {  	v15 =	vxor.u32 $0xFFFFFFFF, v14  }
0x1fd: {  	v15 =	vor.u32 v15, v13  }
0x1fe: {  	v15 =	vand.u32 v12, v15  }
0x1ff: {  	vm2 =	veq.s32 v14, $0xFFFFFFFF;
	v15 =	vshra.s32 v15, $0x1F  }
0x200: {  	v16 =	vnsel vm2, $0x0, v6;
	v15 =	vand.u32 v5, v15  }
0x201: {  	v15 =	vor.u32 v16, v15  }
0x202: {  	(xrf0) =	vadd.scan.msk.s32 $0xffff, v15;
	_ =	sdelay $0x5  }
0x203: {  	v15, _, _ =	vpop (xrf0)  }
0x204: {  	(v2sf) =	vpush v15, $0xF;
	_ =	sdelay $0xe  }
0x205: {  	s7 =	spop (v2sf)  }
0x206: {  	s19 =	sand.u32 $0xFFFF, s7;
	s7 =	sshrl.u32 s7, $0x10  }
0x207: {  	s7 =	sor.u32 s7, s19;
	s30 =	sadd.s32 $0x0, s19  }
0x208: {  	s30 =	sadd.s32 s7, s30;
	s7 =	sxor.u32 s19, s7  }
0x209: {  	s7 =	sxor.u32 s30, s7  }
0x20a: {  	v15 =	vmov s7  }
0x20b: {  	v15 =	vshrl.u32 v15, v1  }
0x20c: {  	v59 =	vld [tilespmem:s2+$0x0];
	v15 =	vand.u32 $0x1, v15  }
0x20d: {  	v14 =	vadd.s32 v14, v15  }
0x20e: {  	v14 =	vxor.u32 v12, v14  }
0x20f: {  	v13 =	vor.u32 v13, v14  }
0x210: {  	v14 =	vor.u32 v12, v13  }
0x211: {  	v13 =	vor.u32 v59, v13;
	v14 =	vxor.u32 $0xFFFFFFFF, v14  }
0x212: {  	v12 =	vand.u32 v12, v13;
	v14 =	vor.u32 v14, v59  }
0x213: {  	v60 =	vshra.s32 v12, $0x1F;
	v15 =	vshra.s32 v14, $0x1F  }
0x214: {  	v16 =	vand.u32 v6, v60;
	v15 =	vand.u32 v5, v15  }
0x215: {  	v15 =	vor.u32 v16, v15  }
0x216: {  	(xrf0) =	vadd.scan.msk.s32 $0xffff, v15;
	v15 =	vand.u32 v11, v14  }
0x217: {  	vm2 =	vne.s32 v15, $0x0;
	v15 =	vand.u32 v11, v12  }
0x218: {  	v61 =	vmpcnt.ones.xlane vm2;
	vm2 =	vne.s32 v15, $0x0  }
0x219: {  	v15 =	vmpcnt.ones.xlane vm2;
	_ =	sdelay $0x2  }
0x21a: {  	(v2sf) =	vpush v61, $0x0  }
0x21b: {  	(v2sf) =	vpush v15, $0x0;
	v15, _, _ =	vpop (xrf0)  }
0x21c: {  	(v2sf) =	vpush v15, $0xF;
	_ =	sdelay $0xc  }
0x21d: {  	s7 =	spop (v2sf)  }
0x21e: {  	s19 =	spop (v2sf)  }
0x21f: {  	s4 =	spop (v2sf)  }
0x220: {  	s0 =	sshll.u32 s4, $0x1  }
0x221: {  	s0 =	sand.u32 $0xFFFE, s0  }
0x222: {  	s0 =	sor.u32 s17, s0;
	s17 =	sshrl.u32 s4, $0xF  }
0x223: {  	v15 =	vmov s0;
	s16 =	sand.u32 $0xFFFE, s17  }
0x224: {  	s0 =	sor.u32 s6, s16;
	v15 =	vshrl.u32 v15, v1  }
0x225: {  	v14 =	vshll.u32 v14, $0x1;
	v15 =	vand.u32 $0x1, v15;
	v62 =	vmov s0  }
0x226: {  	v14 =	vor.u32 v14, v15;
	v15 =	vshrl.u32 v62, v1  }
0x227: {  	v12 =	vshll.u32 v12, $0x1;
	v15 =	vand.u32 $0x1, v15;
	v63 =	vor.u32 v13, v14  }
0x228: {  	v12 =	vor.u32 v12, v15;
	v15 =	vxor.u32 $0xFFFFFFFF, v63  }
0x229: {  	s21 =	sadd.s32 $0xFFFFFFFF, s7;
	v12 =	vor.u32 v15, v12  }
0x22a: {  	s0 =	smul.u32 s19, s21;
	v13 =	vand.u32 v13, v14;
	[tilespmem:s3+$0x0] =	vst v12  }
0x22b: {  	s3 =	simm.s32 $0x1B650;
	[tilespmem:s2+$0x0] =	vst v13  }
0x22c: {  	p3 =	sne.s32 s8, $0x1;
	s0 =	sadd.s32 s7, s0;
	s7 =	sadd.s32 $0x10, s5;
	v12 =	vld [tilespmem:s3+$0x0]  }
.Ltmp31:
0x22d: {  	v13 =	vld [tilespmem:s7+$0x0];
	(pc) =	sbr.rel @!p3 .LBB2_37-.Ltmp31, $4  }
0x22e: {  	p2 =	seq.s32 s1, $0x0  }
0x22f: {  	s8 =	sadd.s32 $0xFFFFFFFF, s8;
	s17 =	sand.u32 $0x1, s17;
	s6 =	sshrl.u32 s30, $0x10  }
0x230: {  	s30 =	smov.u32 s1;
	s19 =	sshrl.u32 s4, $0x1F;
	s0 =	simm.s32 @!p2 $0x0  }
0x231: {  	s5 =	simm.s32 $0x1B7C0;
	p2 =	por $0x1, $0x1;
	s29 =	sadd.s32 s29, s0  }
.LBB2_38:
0x232: {  	p3 =	sne.s32 s8, $0x1;
	_ =	sdelay $0x2  }
0x233: {  	v14 =	vand.u32 v13, v12  }
0x234: {  	v14 =	vadd.s32 v12, v14  }
0x235: {  	v15 =	vxor.u32 $0xFFFFFFFF, v14  }
0x236: {  	v15 =	vor.u32 v15, v13  }
0x237: {  	v15 =	vand.u32 v12, v15  }
0x238: {  	vm2 =	veq.s32 v14, $0xFFFFFFFF;
	v15 =	vshra.s32 v15, $0x1F  }
0x239: {  	v16 =	vnsel vm2, $0x0, v6;
	v15 =	vand.u32 v5, v15  }
0x23a: {  	v15 =	vor.u32 v16, v15  }
0x23b: {  	(xrf0) =	vadd.scan.msk.s32 $0xffff, v15;
	_ =	sdelay $0x5  }
0x23c: {  	v15, _, _ =	vpop (xrf0)  }
0x23d: {  	(v2sf) =	vpush v15, $0xF;
	_ =	sdelay $0xe  }
0x23e: {  	s0 =	spop (v2sf)  }
0x23f: {  	s4 =	sand.u32 $0xFFFF, s0;
	s0 =	sshrl.u32 s0, $0x10  }
0x240: {  	s0 =	sor.u32 s0, s4;
	s6 =	sadd.s32 s6, s4  }
0x241: {  	s6 =	sadd.s32 s0, s6;
	s0 =	sxor.u32 s4, s0  }
0x242: {  	s0 =	sxor.u32 s6, s0;
	s6 =	sshrl.u32 s6, $0x10  }
0x243: {  	v15 =	vmov s0  }
0x244: {  	s5 =	sadd.s32 $0x10, s5;
	v15 =	vshrl.u32 v15, v1  }
0x245: {  	v16 =	vld [tilespmem:s5+$0x0];
	v15 =	vand.u32 $0x1, v15  }
0x246: {  	v14 =	vadd.s32 v14, v15  }
0x247: {  	v14 =	vxor.u32 v12, v14  }
0x248: {  	v13 =	vor.u32 v13, v14  }
0x249: {  	v14 =	vor.u32 v12, v13  }
0x24a: {  	v13 =	vor.u32 v16, v13;
	v14 =	vxor.u32 $0xFFFFFFFF, v14  }
0x24b: {  	v14 =	vor.u32 v14, v16;
	v12 =	vand.u32 v12, v13  }
0x24c: {  	v15 =	vand.u32 v11, v14;
	v16 =	vshra.s32 v14, $0x1F;
	v17 =	vshra.s32 v12, $0x1F  }
0x24d: {  	vm2 =	vne.s32 v15, $0x0;
	v15 =	vand.u32 v5, v16;
	v16 =	vand.u32 v6, v17  }
0x24e: {  	v18 =	vand.u32 v11, v12;
	v17 =	vmpcnt.ones.xlane vm2;
	v15 =	vor.u32 v16, v15  }
0x24f: {  	vm2 =	vne.s32 v18, $0x0;
	(xrf0) =	vadd.scan.msk.s32 $0xffff, v15  }
0x250: {  	v15 =	vmpcnt.ones.xlane vm2;
	(v2sf) =	vpush v17, $0x0;
	_ =	sdelay $0x1  }
0x251: {  	(v2sf) =	vpush v15, $0x0;
	_ =	sdelay $0x2  }
0x252: {  	v15, _, _ =	vpop (xrf0)  }
0x253: {  	(v2sf) =	vpush v15, $0xF;
	_ =	sdelay $0x8  }
0x254: {  	s0 =	spop (v2sf)  }
0x255: {  	s4 =	sadd.s32 $0xFFFFFFFF, s0  }
0x256: {  	s21 =	spop (v2sf)  }
0x257: {  	s4 =	smul.u32 s21, s4  }
0x258: {  	s30 =	sadd.s32 $0xFFFFFFFF, s30  }
0x259: {  	p4 =	seq.s32 s30, $0x0;
	s0 =	sadd.s32 s0, s4  }
0x25a: {  	s0 =	simm.s32 @!p4 $0x0;
	s4 =	spop (v2sf)  }
0x25b: {  	s29 =	sadd.s32 s29, s0;
	s0 =	sshll.u32 s4, $0x1;
	s21 =	sshrl.u32 s4, $0x1F  }
0x25c: {  	s0 =	sand.u32 $0xFFFE, s0  }
0x25d: {  	s4 =	sshrl.u32 s4, $0xF;
	s0 =	sor.u32 s17, s0  }
0x25e: {  	s16 =	sand.u32 $0xFFFE, s4;
	s17 =	sand.u32 $0x1, s4;
	v15 =	vmov s0  }
0x25f: {  	s0 =	sor.u32 s19, s16;
	s19 =	smov.u32 s21;
	v15 =	vshrl.u32 v15, v1  }
0x260: {  	v14 =	vshll.u32 v14, $0x1;
	v16 =	vmov s0;
	v15 =	vand.u32 $0x1, v15  }
0x261: {  	v14 =	vor.u32 v14, v15;
	v15 =	vshrl.u32 v16, v1  }
0x262: {  	v12 =	vshll.u32 v12, $0x1;
	v15 =	vand.u32 $0x1, v15;
	v16 =	vor.u32 v13, v14  }
0x263: {  	v13 =	vand.u32 v13, v14;
	v12 =	vor.u32 v12, v15;
	v15 =	vxor.u32 $0xFFFFFFFF, v16  }
0x264: {  	v12 =	vor.u32 v15, v12  }
.Ltmp32:
0x265: {  	[tilespmem:s3+$0x0] =	vst v12;
	(pc) =	sbr.rel @p3 .LBB2_38-.Ltmp32, $4  }
0x266: {  	s3 =	sadd.s32 $0x10, s3;
	[tilespmem:s5+$0x0] =	vst v13  }
0x267: {  	s7 =	sadd.s32 $0x10, s7;
	v12 =	vld [tilespmem:s3+$0x0]  }
0x268: {  	v13 =	vld [tilespmem:s7+$0x0]  }
0x269: {  	s8 =	sadd.s32 $0xFFFFFFFF, s8  }
.Ltmp33:
0x26a: {  	_ = 	snop;
	(pc) =	sbr.rel .LBB2_39-.Ltmp33, $1  }
0x26b: {  	_ =	sdelay $0x3  }
.LBB2_37:
.Ltmp34:
0x26c: {  	(pc) =	sbr.rel .LBB2_39-.Ltmp34, $2  }
0x26d: {  	_ =	sdelay $0x2  }
0x26e: {  	s5 =	simm.s32 $0x1B7C0;
	s30 =	smov.u32 s1  }
.LBB2_17:
.Ltmp35:
0x26f: {  	(pc) =	sbr.rel .LBB2_22-.Ltmp35, $2  }
0x270: {  	_ =	sdelay $0x2  }
0x271: {  	s5 =	simm.s32 $0x1B640;
	s6 =	simm.s32 $0x1B7C0  }
.LBB2_19:
.Ltmp36:
0x272: {  	(pc) =	sbr.rel .LBB2_22-.Ltmp36, $2  }
0x273: {  	_ =	sdelay $0x2  }
0x274: {  	v14 =	vmov v12;
	s5 =	simm.s32 $0x1B640;
	s6 =	simm.s32 $0x1B7C0  }
.LBB2_47:
0x275: {  	_ =	sfence.sel $0x180000  }
0x276: {  	[bflag:$0x0] =	sbarrier.arrive $0xFFFF  }
0x277: {  	_ =	strace $0x90000047  }
0x278: {  	[bflag:$0x2] =	sbarrier.arrive $0xFFFF  }
0x279: {  	p0 =	sne.s32 s2, $0x0;
	s0 =	rddreg [dreg:$0x2]  }
0x27a: {  	s0 =	sadd.s32 @!p0 $0x100000, s0  }
0x27b: {  	[sflag:s0] =	ssyncadd.tile.s32 @!p0 $0x1;
	_ =	shalt  }
.Lfunc_end2:
_tile_overlayer_lowered:
.L_overlay_start_2:
0x27c: {  	(tag) =	ssettag $0x2  }
0x27d: {  	s0 =	rddreg [dreg:$0x0];
	s2 =	stileid.u32  }
0x27e: {  	s1 =	rddreg [dreg:$0x1];
	p0 =	sne.s32 s2, $0x0  }
0x27f: {  	s3 =	rddreg [dreg:$0x2];
	[bflag:$0x3] =	sbarrier.arrive $0xFFFF;
	s2 =	simm.s32 @!p0 $0x1C01  }
0x280: {  	[timem:s3], [sflag:s2] =	dma.local @!p0 [hbm:s0], s1  }
0x281: {  	s0 =	simm.s32 @!p0 $0x1  }
0x282: {  	_ =	swait.ge @!p0 [sflag:s0], s1  }
0x283: {  	s1 =	ssub.s32 @!p0 $0x0, s1;
	[sflag:s0] =	ssyncset.done @!p0 $0x0  }
0x284: {  	[sflag:s0] =	ssyncadd.s32 @!p0 s1  }
0x285: {  	[bflag:$0x3] =	sbarrier.arrive $0xFFFF  }
0x286: {  	_ =	shalt  }

</sc_bundles>
